<compile_context>
chip_gen: v7x
topology: tpu7x:2x2x1
jax: 0.10.2.dev20260603
libtpu: 0.0.44.dev20260713+nightly
codegen_flags: <defaults>
</compile_context>

<pallas_src>
import functools

import jax
import jax.numpy as jnp
from jax import lax
from jax.experimental import pallas as pl
from jax.experimental.pallas import tpu as pltpu
from jax.experimental.pallas import tpu_sc as plsc

MAX_NUM_TILES = 4
HIDDEN_SIZE = 1280
NUM_PATCHES = 1025
BATCH = 16

NC = 2
NS = 16
NW = NC * NS
SEGS = BATCH * MAX_NUM_TILES
SEG_PER_W = SEGS // NW
SEG_ELEMS = NUM_PATCHES * HIDDEN_SIZE
ROWS = 25
CPS = NUM_PATCHES // ROWS
CHUNK = ROWS * HIDDEN_SIZE
CH = SEG_PER_W * CPS
NBUF = 3
LANES = 16
VPR = HIDDEN_SIZE // LANES
IDXW = 8


def _sc_body(hid_ref, idx_ref, table_ref, g_ref, out_ref,
             idx_v, g_v, rows_v, emb, bufs, in_sems, out_sems, gsem):
    wid = lax.axis_index("s") * NC + lax.axis_index("c")

    pltpu.sync_copy(idx_ref, idx_v)
    pltpu.sync_copy(g_ref, g_v)
    gv = g_v[pl.ds(0, LANES)]

    idx_w = idx_v.at[pl.ds(wid * IDXW, IDXW)]
    pltpu.make_async_copy(table_ref.at[idx_w], rows_v, gsem).start()
    pltpu.make_async_copy(table_ref.at[idx_w], rows_v, gsem).wait()
    for sj in range(SEG_PER_W):
        for j in range(VPR):
            emb[pl.ds(sj * HIDDEN_SIZE + j * LANES, LANES)] = (
                gv * rows_v[sj, pl.ds(j * LANES, LANES)])

    def hbm_off(c):
        sj = c // CPS
        l = c - sj * CPS
        s = wid * SEG_PER_W + sj
        return s * SEG_ELEMS + l * CHUNK

    def in_copy(c, slot):
        return pltpu.make_async_copy(
            hid_ref.at[pl.ds(hbm_off(c), CHUNK)],
            bufs.at[pl.ds(slot * CHUNK, CHUNK)], in_sems.at[slot])

    def out_copy(c, slot):
        return pltpu.make_async_copy(
            bufs.at[pl.ds(slot * CHUNK, CHUNK)],
            out_ref.at[pl.ds(hbm_off(c), CHUNK)], out_sems.at[slot])

    for c in range(NBUF):
        in_copy(c, c % NBUF).start()

    @pl.loop(0, CH)
    def _chunk(c):
        slot = c % NBUF

        @pl.when(c >= NBUF - 1)
        def _free_slot():
            out_copy(c - (NBUF - 1), (c + 1) % NBUF).wait()

        @pl.when(jnp.logical_and(c >= NBUF - 1, c + 1 < CH))
        def _prefetch():
            in_copy(c + 1, (c + 1) % NBUF).start()

        in_copy(c, slot).wait()
        sj = c // CPS

        out_copy(c, slot).start()

    for k in range(NBUF - 1):
        c = CH - (NBUF - 1) + k
        out_copy(c, c % NBUF).wait()


def kernel(hidden_state, aspect_ratio_ids, embedding_table, gate):
    ids = aspect_ratio_ids.astype(jnp.int32)
    g16 = jnp.full((LANES,), jnp.tanh(gate[0]), dtype=jnp.float32)
    flat = hidden_state.reshape(-1)
    table36 = embedding_table.reshape(
        embedding_table.shape[0] * MAX_NUM_TILES, HIDDEN_SIZE)
    seg_rows = (jnp.repeat(ids, MAX_NUM_TILES) * MAX_NUM_TILES
                + jnp.tile(jnp.arange(MAX_NUM_TILES, dtype=jnp.int32), BATCH))
    idx2d = jnp.zeros((NW, IDXW), dtype=jnp.int32)
    idx2d = idx2d.at[:, :SEG_PER_W].set(seg_rows.reshape(NW, SEG_PER_W))
    idx_flat = idx2d.reshape(-1)

    mesh = plsc.VectorSubcoreMesh(core_axis_name="c", subcore_axis_name="s")
    run = functools.partial(
        pl.kernel,
        out_type=jax.ShapeDtypeStruct(flat.shape, flat.dtype),
        mesh=mesh,
        scratch_types=[
            pltpu.VMEM((NW * IDXW,), jnp.int32),
            pltpu.VMEM((LANES,), jnp.float32),
            pltpu.VMEM((IDXW, HIDDEN_SIZE), jnp.float32),
            pltpu.VMEM((SEG_PER_W * HIDDEN_SIZE,), jnp.float32),
            pltpu.VMEM((NBUF * CHUNK,), jnp.float32),
            pltpu.SemaphoreType.DMA((NBUF,)),
            pltpu.SemaphoreType.DMA((NBUF,)),
            pltpu.SemaphoreType.DMA,
        ],
    )(_sc_body)
    out = run(flat, idx_flat, table36, g16)
    return out.reshape(hidden_state.shape)

# --- scband reference (transcript-rebuilt; emitter-appended) ---
"""Pipeline reference for scband-torch-precomputed-aspect-ratio-embedding-8821862826672 (READ-ONLY COPY).

The authoritative reference and input builder live on the scoring server;
editing this copy changes nothing except your own understanding.
"""

import jax, jax.numpy as jnp
import numpy as np

MAX_ASPECT_RATIO_ID = 8
MAX_NUM_TILES = 4
HIDDEN_SIZE = 1280
BATCH = 16
NUM_PATCHES = 1025


def setup_inputs(seed: int = 0) -> dict:
    key = jax.random.key(seed)
    k1, k2, k3 = jax.random.split(key, 3)
    hidden_state = jax.random.normal(k1, (BATCH, MAX_NUM_TILES, NUM_PATCHES, HIDDEN_SIZE), dtype=jnp.float32)
    aspect_ratio_ids = jax.random.randint(k2, (BATCH,), 0, MAX_ASPECT_RATIO_ID + 1, dtype=jnp.int64)
    embedding_table = jax.random.normal(k3, (MAX_ASPECT_RATIO_ID + 1, MAX_NUM_TILES * HIDDEN_SIZE), dtype=jnp.float32) * 0.02
    gate = jnp.full((1,), 0.1, dtype=jnp.float32)
    return {
        "hidden_state": hidden_state,
        "aspect_ratio_ids": aspect_ratio_ids,
        "embedding_table": embedding_table,
        "gate": gate,
    }


def reference(hidden_state, aspect_ratio_ids, embedding_table, gate):
    # nn.Embedding lookup -> row gather
    embeddings = jnp.take(embedding_table, aspect_ratio_ids, axis=0)
    embeddings = embeddings.reshape(-1, MAX_NUM_TILES, 1, HIDDEN_SIZE)
    # gated
    embeddings = embeddings * jnp.tanh(gate)
    hidden_state = hidden_state + embeddings
    return hidden_state

if __name__ == "__main__":
    import jax
    _d = setup_inputs()
    print(jax.jit(kernel)(*tuple(_d.values())))

</pallas_src>

<mosaic_0001>
#map = affine_map<(d0, d1) -> (0)>
#map1 = affine_map<(d0, d1) -> (0, 0)>
module attributes {stable_mosaic.version = 14 : i64} {
  func.func @_sc_body(%arg0: i32, %arg1: i32, %arg2: memref<83968000xf32, #tpu.memory_space<hbm>>, %arg3: memref<256xi32, #tpu.memory_space<hbm>>, %arg4: memref<36x1280xf32, #tpu.memory_space<hbm>>, %arg5: memref<16xf32, #tpu.memory_space<hbm>>, %arg6: memref<83968000xf32, #tpu.memory_space<hbm>>, %arg7: memref<256xi32, #tpu.memory_space<vmem>>, %arg8: memref<16xf32, #tpu.memory_space<vmem>>, %arg9: memref<8x1280xf32, #tpu.memory_space<vmem>>, %arg10: memref<2560xf32, #tpu.memory_space<vmem>>, %arg11: memref<96000xf32, #tpu.memory_space<vmem>>, %arg12: memref<3x!tpu.dma_semaphore, #tpu.memory_space<semaphore_mem>>, %arg13: memref<3x!tpu.dma_semaphore, #tpu.memory_space<semaphore_mem>>, %arg14: memref<!tpu.dma_semaphore, #tpu.memory_space<semaphore_mem>>) attributes {dimension_semantics = [#tpu.dimension_semantics<core_parallel>, #tpu.dimension_semantics<subcore_parallel>], iteration_bounds = array<i64: 2, 16>, scalar_prefetch = 0 : i64, scratch_operands = 8 : i64, tpu.core_type = #tpu.core_type<sc_vector_subcore>, window_params = [{transform_indices = #map}, {transform_indices = #map}, {transform_indices = #map1}, {transform_indices = #map}, {transform_indices = #map}]} {
    %mul3A = arith.constant 2 : i32
    %mul3A_0 = arith.muli %arg1, %mul3A : i32
    %add3A = arith.addi %mul3A_0, %arg0 : i32
    "tpu.region"() ({
      %run_scoped3A = tpu.sem_alloc : memref<!tpu.dma_semaphore, #tpu.memory_space<semaphore_mem>>
      tpu.enqueue_dma source(%arg3 : memref<256xi32, #tpu.memory_space<hbm>>) target(%arg7 : memref<256xi32, #tpu.memory_space<vmem>>) target_semaphore(%run_scoped3A : memref<!tpu.dma_semaphore, #tpu.memory_space<semaphore_mem>>)
      tpu.wait_dma2 semaphore(%run_scoped3A : memref<!tpu.dma_semaphore, #tpu.memory_space<semaphore_mem>>) src(%arg3 : memref<256xi32, #tpu.memory_space<hbm>>) dst(%arg7 : memref<256xi32, #tpu.memory_space<vmem>>)
      tpu.yield
    }) : () -> ()
    "tpu.region"() ({
      %run_scoped3A = tpu.sem_alloc : memref<!tpu.dma_semaphore, #tpu.memory_space<semaphore_mem>>
      tpu.enqueue_dma source(%arg5 : memref<16xf32, #tpu.memory_space<hbm>>) target(%arg8 : memref<16xf32, #tpu.memory_space<vmem>>) target_semaphore(%run_scoped3A : memref<!tpu.dma_semaphore, #tpu.memory_space<semaphore_mem>>)
      tpu.wait_dma2 semaphore(%run_scoped3A : memref<!tpu.dma_semaphore, #tpu.memory_space<semaphore_mem>>) src(%arg5 : memref<16xf32, #tpu.memory_space<hbm>>) dst(%arg8 : memref<16xf32, #tpu.memory_space<vmem>>)
      tpu.yield
    }) : () -> ()
    %get3A = arith.constant 0 : index
    %get3A_1 = tpu.vector_load %arg8[%get3A] {strides = array<i32>} : memref<16xf32, #tpu.memory_space<vmem>>, vector<16xf32>,
    %get3A_2 = vector.shape_cast %get3A_1 : vector<16xf32> to vector<16xf32>
    %mul3A_3 = arith.constant 8 : i32
    %mul3A_4 = arith.muli %add3A, %mul3A_3 : i32
    %dma_start3A = tpu.memref_slice %arg7[%mul3A_4] : memref<256xi32, #tpu.memory_space<vmem>> -> memref<8xi32, #tpu.memory_space<vmem>>
    %dma_start3A_5 = arith.constant 0 : i32
    %dma_start3A_6 = arith.constant 0 : i32
    %dma_start3A_7 = tpu.memref_slice %arg4[%dma_start3A_5, %dma_start3A_6] : memref<36x1280xf32, #tpu.memory_space<hbm>> -> memref<36x1280xf32, #tpu.memory_space<hbm>>
    tpu.enqueue_indirect_dma source(%dma_start3A_7 : memref<36x1280xf32, #tpu.memory_space<hbm>>) target(%arg9 : memref<8x1280xf32, #tpu.memory_space<vmem>>) offsets(%dma_start3A : memref<8xi32, #tpu.memory_space<vmem>>) semaphore(%arg14 : memref<!tpu.dma_semaphore, #tpu.memory_space<semaphore_mem>>)
    %dma_wait3A = tpu.memref_slice %arg7[%mul3A_4] : memref<256xi32, #tpu.memory_space<vmem>> -> memref<8xi32, #tpu.memory_space<vmem>>
    %dma_wait3A_8 = arith.constant 0 : i32
    %dma_wait3A_9 = arith.constant 0 : i32
    %dma_wait3A_10 = tpu.memref_slice %arg4[%dma_wait3A_8, %dma_wait3A_9] : memref<36x1280xf32, #tpu.memory_space<hbm>> -> memref<36x1280xf32, #tpu.memory_space<hbm>>
    tpu.wait_indirect_dma semaphore(%arg14 : memref<!tpu.dma_semaphore, #tpu.memory_space<semaphore_mem>>) src(%dma_wait3A_10 : memref<36x1280xf32, #tpu.memory_space<hbm>>) dst(%arg9 : memref<8x1280xf32, #tpu.memory_space<vmem>>)
    %get3A_11 = arith.constant 0 : i32
    %get3A_12 = arith.index_cast %get3A_11 : i32 to index
    %get3A_13 = arith.constant 0 : index
    %get3A_14 = tpu.vector_load %arg9[%get3A_12, %get3A_13] {strides = array<i32>} : memref<8x1280xf32, #tpu.memory_space<vmem>>, vector<1x16xf32>,
    %get3A_15 = vector.shape_cast %get3A_14 : vector<1x16xf32> to vector<16xf32>
    %mul3A_16 = arith.mulf %get3A_2, %get3A_15 : vector<16xf32>
    %swap3A = arith.constant 0 : index
    %swap3A_17 = tpu.vector_load %arg10[%swap3A] {strides = array<i32>} : memref<2560xf32, #tpu.memory_space<vmem>>, vector<16xf32>,
    %swap3A_18 = vector.shape_cast %swap3A_17 : vector<16xf32> to vector<16xf32>
    %swap3A_19 = vector.shape_cast %mul3A_16 : vector<16xf32> to vector<16xf32>
    tpu.vector_store %arg10[%swap3A], %swap3A_19 {strides = array<i32>} : memref<2560xf32, #tpu.memory_space<vmem>>, vector<16xf32>,
    %get3A_20 = arith.constant 0 : i32
    %get3A_21 = arith.index_cast %get3A_20 : i32 to index
    %get3A_22 = arith.constant 16 : index
    %get3A_23 = tpu.vector_load %arg9[%get3A_21, %get3A_22] {strides = array<i32>} : memref<8x1280xf32, #tpu.memory_space<vmem>>, vector<1x16xf32>,
    %get3A_24 = vector.shape_cast %get3A_23 : vector<1x16xf32> to vector<16xf32>
    %mul3A_25 = arith.mulf %get3A_2, %get3A_24 : vector<16xf32>
    %swap3A_26 = arith.constant 16 : index
    %swap3A_27 = tpu.vector_load %arg10[%swap3A_26] {strides = array<i32>} : memref<2560xf32, #tpu.memory_space<vmem>>, vector<16xf32>,
    %swap3A_28 = vector.shape_cast %swap3A_27 : vector<16xf32> to vector<16xf32>
    %swap3A_29 = vector.shape_cast %mul3A_25 : vector<16xf32> to vector<16xf32>
    tpu.vector_store %arg10[%swap3A_26], %swap3A_29 {strides = array<i32>} : memref<2560xf32, #tpu.memory_space<vmem>>, vector<16xf32>,
    %get3A_30 = arith.constant 0 : i32
    %get3A_31 = arith.index_cast %get3A_30 : i32 to index
    %get3A_32 = arith.constant 32 : index
    %get3A_33 = tpu.vector_load %arg9[%get3A_31, %get3A_32] {strides = array<i32>} : memref<8x1280xf32, #tpu.memory_space<vmem>>, vector<1x16xf32>,
    %get3A_34 = vector.shape_cast %get3A_33 : vector<1x16xf32> to vector<16xf32>
    %mul3A_35 = arith.mulf %get3A_2, %get3A_34 : vector<16xf32>
    %swap3A_36 = arith.constant 32 : index
    %swap3A_37 = tpu.vector_load %arg10[%swap3A_36] {strides = array<i32>} : memref<2560xf32, #tpu.memory_space<vmem>>, vector<16xf32>,
    %swap3A_38 = vector.shape_cast %swap3A_37 : vector<16xf32> to vector<16xf32>
    %swap3A_39 = vector.shape_cast %mul3A_35 : vector<16xf32> to vector<16xf32>
    tpu.vector_store %arg10[%swap3A_36], %swap3A_39 {strides = array<i32>} : memref<2560xf32, #tpu.memory_space<vmem>>, vector<16xf32>,
    %get3A_40 = arith.constant 0 : i32
    %get3A_41 = arith.index_cast %get3A_40 : i32 to index
    %get3A_42 = arith.constant 48 : index
    %get3A_43 = tpu.vector_load %arg9[%get3A_41, %get3A_42] {strides = array<i32>} : memref<8x1280xf32, #tpu.memory_space<vmem>>, vector<1x16xf32>,
    %get3A_44 = vector.shape_cast %get3A_43 : vector<1x16xf32> to vector<16xf32>
    %mul3A_45 = arith.mulf %get3A_2, %get3A_44 : vector<16xf32>
    %swap3A_46 = arith.constant 48 : index
    %swap3A_47 = tpu.vector_load %arg10[%swap3A_46] {strides = array<i32>} : memref<2560xf32, #tpu.memory_space<vmem>>, vector<16xf32>,
    %swap3A_48 = vector.shape_cast %swap3A_47 : vector<16xf32> to vector<16xf32>
    %swap3A_49 = vector.shape_cast %mul3A_45 : vector<16xf32> to vector<16xf32>
    tpu.vector_store %arg10[%swap3A_46], %swap3A_49 {strides = array<i32>} : memref<2560xf32, #tpu.memory_space<vmem>>, vector<16xf32>,
    %get3A_50 = arith.constant 0 : i32
    %get3A_51 = arith.index_cast %get3A_50 : i32 to index
    %get3A_52 = arith.constant 64 : index
    %get3A_53 = tpu.vector_load %arg9[%get3A_51, %get3A_52] {strides = array<i32>} : memref<8x1280xf32, #tpu.memory_space<vmem>>, vector<1x16xf32>,
    %get3A_54 = vector.shape_cast %get3A_53 : vector<1x16xf32> to vector<16xf32>
    %mul3A_55 = arith.mulf %get3A_2, %get3A_54 : vector<16xf32>
    %swap3A_56 = arith.constant 64 : index
    %swap3A_57 = tpu.vector_load %arg10[%swap3A_56] {strides = array<i32>} : memref<2560xf32, #tpu.memory_space<vmem>>, vector<16xf32>,
    %swap3A_58 = vector.shape_cast %swap3A_57 : vector<16xf32> to vector<16xf32>
    %swap3A_59 = vector.shape_cast %mul3A_55 : vector<16xf32> to vector<16xf32>
    tpu.vector_store %arg10[%swap3A_56], %swap3A_59 {strides = array<i32>} : memref<2560xf32, #tpu.memory_space<vmem>>, vector<16xf32>,
    %get3A_60 = arith.constant 0 : i32
    %get3A_61 = arith.index_cast %get3A_60 : i32 to index
    %get3A_62 = arith.constant 80 : index
    %get3A_63 = tpu.vector_load %arg9[%get3A_61, %get3A_62] {strides = array<i32>} : memref<8x1280xf32, #tpu.memory_space<vmem>>, vector<1x16xf32>,
    %get3A_64 = vector.shape_cast %get3A_63 : vector<1x16xf32> to vector<16xf32>
    %mul3A_65 = arith.mulf %get3A_2, %get3A_64 : vector<16xf32>
    %swap3A_66 = arith.constant 80 : index
    %swap3A_67 = tpu.vector_load %arg10[%swap3A_66] {strides = array<i32>} : memref<2560xf32, #tpu.memory_space<vmem>>, vector<16xf32>,
    %swap3A_68 = vector.shape_cast %swap3A_67 : vector<16xf32> to vector<16xf32>
    %swap3A_69 = vector.shape_cast %mul3A_65 : vector<16xf32> to vector<16xf32>
    tpu.vector_store %arg10[%swap3A_66], %swap3A_69 {strides = array<i32>} : memref<2560xf32, #tpu.memory_space<vmem>>, vector<16xf32>,
    %get3A_70 = arith.constant 0 : i32
    %get3A_71 = arith.index_cast %get3A_70 : i32 to index
    %get3A_72 = arith.constant 96 : index
    %get3A_73 = tpu.vector_load %arg9[%get3A_71, %get3A_72] {strides = array<i32>} : memref<8x1280xf32, #tpu.memory_space<vmem>>, vector<1x16xf32>,
    %get3A_74 = vector.shape_cast %get3A_73 : vector<1x16xf32> to vector<16xf32>
    %mul3A_75 = arith.mulf %get3A_2, %get3A_74 : vector<16xf32>
    %swap3A_76 = arith.constant 96 : index
    %swap3A_77 = tpu.vector_load %arg10[%swap3A_76] {strides = array<i32>} : memref<2560xf32, #tpu.memory_space<vmem>>, vector<16xf32>,
    %swap3A_78 = vector.shape_cast %swap3A_77 : vector<16xf32> to vector<16xf32>
    %swap3A_79 = vector.shape_cast %mul3A_75 : vector<16xf32> to vector<16xf32>
    tpu.vector_store %arg10[%swap3A_76], %swap3A_79 {strides = array<i32>} : memref<2560xf32, #tpu.memory_space<vmem>>, vector<16xf32>,
    %get3A_80 = arith.constant 0 : i32
    %get3A_81 = arith.index_cast %get3A_80 : i32 to index
    %get3A_82 = arith.constant 112 : index
    %get3A_83 = tpu.vector_load %arg9[%get3A_81, %get3A_82] {strides = array<i32>} : memref<8x1280xf32, #tpu.memory_space<vmem>>, vector<1x16xf32>,
    %get3A_84 = vector.shape_cast %get3A_83 : vector<1x16xf32> to vector<16xf32>
    %mul3A_85 = arith.mulf %get3A_2, %get3A_84 : vector<16xf32>
    %swap3A_86 = arith.constant 112 : index
    %swap3A_87 = tpu.vector_load %arg10[%swap3A_86] {strides = array<i32>} : memref<2560xf32, #tpu.memory_space<vmem>>, vector<16xf32>,
    %swap3A_88 = vector.shape_cast %swap3A_87 : vector<16xf32> to vector<16xf32>
    %swap3A_89 = vector.shape_cast %mul3A_85 : vector<16xf32> to vector<16xf32>
    tpu.vector_store %arg10[%swap3A_86], %swap3A_89 {strides = array<i32>} : memref<2560xf32, #tpu.memory_space<vmem>>, vector<16xf32>,
    %get3A_90 = arith.constant 0 : i32
    %get3A_91 = arith.index_cast %get3A_90 : i32 to index
    %get3A_92 = arith.constant 128 : index
    %get3A_93 = tpu.vector_load %arg9[%get3A_91, %get3A_92] {strides = array<i32>} : memref<8x1280xf32, #tpu.memory_space<vmem>>, vector<1x16xf32>,
    %get3A_94 = vector.shape_cast %get3A_93 : vector<1x16xf32> to vector<16xf32>
    %mul3A_95 = arith.mulf %get3A_2, %get3A_94 : vector<16xf32>
    %swap3A_96 = arith.constant 128 : index
    %swap3A_97 = tpu.vector_load %arg10[%swap3A_96] {strides = array<i32>} : memref<2560xf32, #tpu.memory_space<vmem>>, vector<16xf32>,
    %swap3A_98 = vector.shape_cast %swap3A_97 : vector<16xf32> to vector<16xf32>
    %swap3A_99 = vector.shape_cast %mul3A_95 : vector<16xf32> to vector<16xf32>
    tpu.vector_store %arg10[%swap3A_96], %swap3A_99 {strides = array<i32>} : memref<2560xf32, #tpu.memory_space<vmem>>, vector<16xf32>,
    %get3A_100 = arith.constant 0 : i32
    %get3A_101 = arith.index_cast %get3A_100 : i32 to index
    %get3A_102 = arith.constant 144 : index
    %get3A_103 = tpu.vector_load %arg9[%get3A_101, %get3A_102] {strides = array<i32>} : memref<8x1280xf32, #tpu.memory_space<vmem>>, vector<1x16xf32>,
    %get3A_104 = vector.shape_cast %get3A_103 : vector<1x16xf32> to vector<16xf32>
    %mul3A_105 = arith.mulf %get3A_2, %get3A_104 : vector<16xf32>
    %swap3A_106 = arith.constant 144 : index
    %swap3A_107 = tpu.vector_load %arg10[%swap3A_106] {strides = array<i32>} : memref<2560xf32, #tpu.memory_space<vmem>>, vector<16xf32>,
    %swap3A_108 = vector.shape_cast %swap3A_107 : vector<16xf32> to vector<16xf32>
    %swap3A_109 = vector.shape_cast %mul3A_105 : vector<16xf32> to vector<16xf32>
    tpu.vector_store %arg10[%swap3A_106], %swap3A_109 {strides = array<i32>} : memref<2560xf32, #tpu.memory_space<vmem>>, vector<16xf32>,
    %get3A_110 = arith.constant 0 : i32
    %get3A_111 = arith.index_cast %get3A_110 : i32 to index
    %get3A_112 = arith.constant 160 : index
    %get3A_113 = tpu.vector_load %arg9[%get3A_111, %get3A_112] {strides = array<i32>} : memref<8x1280xf32, #tpu.memory_space<vmem>>, vector<1x16xf32>,
    %get3A_114 = vector.shape_cast %get3A_113 : vector<1x16xf32> to vector<16xf32>
    %mul3A_115 = arith.mulf %get3A_2, %get3A_114 : vector<16xf32>
    %swap3A_116 = arith.constant 160 : index
    %swap3A_117 = tpu.vector_load %arg10[%swap3A_116] {strides = array<i32>} : memref<2560xf32, #tpu.memory_space<vmem>>, vector<16xf32>,
    %swap3A_118 = vector.shape_cast %swap3A_117 : vector<16xf32> to vector<16xf32>
    %swap3A_119 = vector.shape_cast %mul3A_115 : vector<16xf32> to vector<16xf32>
    tpu.vector_store %arg10[%swap3A_116], %swap3A_119 {strides = array<i32>} : memref<2560xf32, #tpu.memory_space<vmem>>, vector<16xf32>,
    %get3A_120 = arith.constant 0 : i32
    %get3A_121 = arith.index_cast %get3A_120 : i32 to index
    %get3A_122 = arith.constant 176 : index
    %get3A_123 = tpu.vector_load %arg9[%get3A_121, %get3A_122] {strides = array<i32>} : memref<8x1280xf32, #tpu.memory_space<vmem>>, vector<1x16xf32>,
    %get3A_124 = vector.shape_cast %get3A_123 : vector<1x16xf32> to vector<16xf32>
    %mul3A_125 = arith.mulf %get3A_2, %get3A_124 : vector<16xf32>
    %swap3A_126 = arith.constant 176 : index
    %swap3A_127 = tpu.vector_load %arg10[%swap3A_126] {strides = array<i32>} : memref<2560xf32, #tpu.memory_space<vmem>>, vector<16xf32>,
    %swap3A_128 = vector.shape_cast %swap3A_127 : vector<16xf32> to vector<16xf32>
    %swap3A_129 = vector.shape_cast %mul3A_125 : vector<16xf32> to vector<16xf32>
    tpu.vector_store %arg10[%swap3A_126], %swap3A_129 {strides = array<i32>} : memref<2560xf32, #tpu.memory_space<vmem>>, vector<16xf32>,
    %get3A_130 = arith.constant 0 : i32
    %get3A_131 = arith.index_cast %get3A_130 : i32 to index
    %get3A_132 = arith.constant 192 : index
    %get3A_133 = tpu.vector_load %arg9[%get3A_131, %get3A_132] {strides = array<i32>} : memref<8x1280xf32, #tpu.memory_space<vmem>>, vector<1x16xf32>,
    %get3A_134 = vector.shape_cast %get3A_133 : vector<1x16xf32> to vector<16xf32>
    %mul3A_135 = arith.mulf %get3A_2, %get3A_134 : vector<16xf32>
    %swap3A_136 = arith.constant 192 : index
    %swap3A_137 = tpu.vector_load %arg10[%swap3A_136] {strides = array<i32>} : memref<2560xf32, #tpu.memory_space<vmem>>, vector<16xf32>,
    %swap3A_138 = vector.shape_cast %swap3A_137 : vector<16xf32> to vector<16xf32>
    %swap3A_139 = vector.shape_cast %mul3A_135 : vector<16xf32> to vector<16xf32>
    tpu.vector_store %arg10[%swap3A_136], %swap3A_139 {strides = array<i32>} : memref<2560xf32, #tpu.memory_space<vmem>>, vector<16xf32>,
    %get3A_140 = arith.constant 0 : i32
    %get3A_141 = arith.index_cast %get3A_140 : i32 to index
    %get3A_142 = arith.constant 208 : index
    %get3A_143 = tpu.vector_load %arg9[%get3A_141, %get3A_142] {strides = array<i32>} : memref<8x1280xf32, #tpu.memory_space<vmem>>, vector<1x16xf32>,
    %get3A_144 = vector.shape_cast %get3A_143 : vector<1x16xf32> to vector<16xf32>
    %mul3A_145 = arith.mulf %get3A_2, %get3A_144 : vector<16xf32>
    %swap3A_146 = arith.constant 208 : index
    %swap3A_147 = tpu.vector_load %arg10[%swap3A_146] {strides = array<i32>} : memref<2560xf32, #tpu.memory_space<vmem>>, vector<16xf32>,
    %swap3A_148 = vector.shape_cast %swap3A_147 : vector<16xf32> to vector<16xf32>
    %swap3A_149 = vector.shape_cast %mul3A_145 : vector<16xf32> to vector<16xf32>
    tpu.vector_store %arg10[%swap3A_146], %swap3A_149 {strides = array<i32>} : memref<2560xf32, #tpu.memory_space<vmem>>, vector<16xf32>,
    %get3A_150 = arith.constant 0 : i32
    %get3A_151 = arith.index_cast %get3A_150 : i32 to index
    %get3A_152 = arith.constant 224 : index
    %get3A_153 = tpu.vector_load %arg9[%get3A_151, %get3A_152] {strides = array<i32>} : memref<8x1280xf32, #tpu.memory_space<vmem>>, vector<1x16xf32>,
    %get3A_154 = vector.shape_cast %get3A_153 : vector<1x16xf32> to vector<16xf32>
    %mul3A_155 = arith.mulf %get3A_2, %get3A_154 : vector<16xf32>
    %swap3A_156 = arith.constant 224 : index
    %swap3A_157 = tpu.vector_load %arg10[%swap3A_156] {strides = array<i32>} : memref<2560xf32, #tpu.memory_space<vmem>>, vector<16xf32>,
    %swap3A_158 = vector.shape_cast %swap3A_157 : vector<16xf32> to vector<16xf32>
    %swap3A_159 = vector.shape_cast %mul3A_155 : vector<16xf32> to vector<16xf32>
    tpu.vector_store %arg10[%swap3A_156], %swap3A_159 {strides = array<i32>} : memref<2560xf32, #tpu.memory_space<vmem>>, vector<16xf32>,
    %get3A_160 = arith.constant 0 : i32
    %get3A_161 = arith.index_cast %get3A_160 : i32 to index
    %get3A_162 = arith.constant 240 : index
    %get3A_163 = tpu.vector_load %arg9[%get3A_161, %get3A_162] {strides = array<i32>} : memref<8x1280xf32, #tpu.memory_space<vmem>>, vector<1x16xf32>,
    %get3A_164 = vector.shape_cast %get3A_163 : vector<1x16xf32> to vector<16xf32>
    %mul3A_165 = arith.mulf %get3A_2, %get3A_164 : vector<16xf32>
    %swap3A_166 = arith.constant 240 : index
    %swap3A_167 = tpu.vector_load %arg10[%swap3A_166] {strides = array<i32>} : memref<2560xf32, #tpu.memory_space<vmem>>, vector<16xf32>,
    %swap3A_168 = vector.shape_cast %swap3A_167 : vector<16xf32> to vector<16xf32>
    %swap3A_169 = vector.shape_cast %mul3A_165 : vector<16xf32> to vector<16xf32>
    tpu.vector_store %arg10[%swap3A_166], %swap3A_169 {strides = array<i32>} : memref<2560xf32, #tpu.memory_space<vmem>>, vector<16xf32>,
    %get3A_170 = arith.constant 0 : i32
    %get3A_171 = arith.index_cast %get3A_170 : i32 to index
    %get3A_172 = arith.constant 256 : index
    %get3A_173 = tpu.vector_load %arg9[%get3A_171, %get3A_172] {strides = array<i32>} : memref<8x1280xf32, #tpu.memory_space<vmem>>, vector<1x16xf32>,
    %get3A_174 = vector.shape_cast %get3A_173 : vector<1x16xf32> to vector<16xf32>
    %mul3A_175 = arith.mulf %get3A_2, %get3A_174 : vector<16xf32>
    %swap3A_176 = arith.constant 256 : index
    %swap3A_177 = tpu.vector_load %arg10[%swap3A_176] {strides = array<i32>} : memref<2560xf32, #tpu.memory_space<vmem>>, vector<16xf32>,
    %swap3A_178 = vector.shape_cast %swap3A_177 : vector<16xf32> to vector<16xf32>
    %swap3A_179 = vector.shape_cast %mul3A_175 : vector<16xf32> to vector<16xf32>
    tpu.vector_store %arg10[%swap3A_176], %swap3A_179 {strides = array<i32>} : memref<2560xf32, #tpu.memory_space<vmem>>, vector<16xf32>,
    %get3A_180 = arith.constant 0 : i32
    %get3A_181 = arith.index_cast %get3A_180 : i32 to index
    %get3A_182 = arith.constant 272 : index
    %get3A_183 = tpu.vector_load %arg9[%get3A_181, %get3A_182] {strides = array<i32>} : memref<8x1280xf32, #tpu.memory_space<vmem>>, vector<1x16xf32>,
    %get3A_184 = vector.shape_cast %get3A_183 : vector<1x16xf32> to vector<16xf32>
    %mul3A_185 = arith.mulf %get3A_2, %get3A_184 : vector<16xf32>
    %swap3A_186 = arith.constant 272 : index
    %swap3A_187 = tpu.vector_load %arg10[%swap3A_186] {strides = array<i32>} : memref<2560xf32, #tpu.memory_space<vmem>>, vector<16xf32>,
    %swap3A_188 = vector.shape_cast %swap3A_187 : vector<16xf32> to vector<16xf32>
    %swap3A_189 = vector.shape_cast %mul3A_185 : vector<16xf32> to vector<16xf32>
    tpu.vector_store %arg10[%swap3A_186], %swap3A_189 {strides = array<i32>} : memref<2560xf32, #tpu.memory_space<vmem>>, vector<16xf32>,
    %get3A_190 = arith.constant 0 : i32
    %get3A_191 = arith.index_cast %get3A_190 : i32 to index
    %get3A_192 = arith.constant 288 : index
    %get3A_193 = tpu.vector_load %arg9[%get3A_191, %get3A_192] {strides = array<i32>} : memref<8x1280xf32, #tpu.memory_space<vmem>>, vector<1x16xf32>,
    %get3A_194 = vector.shape_cast %get3A_193 : vector<1x16xf32> to vector<16xf32>
    %mul3A_195 = arith.mulf %get3A_2, %get3A_194 : vector<16xf32>
    %swap3A_196 = arith.constant 288 : index
    %swap3A_197 = tpu.vector_load %arg10[%swap3A_196] {strides = array<i32>} : memref<2560xf32, #tpu.memory_space<vmem>>, vector<16xf32>,
    %swap3A_198 = vector.shape_cast %swap3A_197 : vector<16xf32> to vector<16xf32>
    %swap3A_199 = vector.shape_cast %mul3A_195 : vector<16xf32> to vector<16xf32>
    tpu.vector_store %arg10[%swap3A_196], %swap3A_199 {strides = array<i32>} : memref<2560xf32, #tpu.memory_space<vmem>>, vector<16xf32>,
    %get3A_200 = arith.constant 0 : i32
    %get3A_201 = arith.index_cast %get3A_200 : i32 to index
    %get3A_202 = arith.constant 304 : index
    %get3A_203 = tpu.vector_load %arg9[%get3A_201, %get3A_202] {strides = array<i32>} : memref<8x1280xf32, #tpu.memory_space<vmem>>, vector<1x16xf32>,
    %get3A_204 = vector.shape_cast %get3A_203 : vector<1x16xf32> to vector<16xf32>
    %mul3A_205 = arith.mulf %get3A_2, %get3A_204 : vector<16xf32>
    %swap3A_206 = arith.constant 304 : index
    %swap3A_207 = tpu.vector_load %arg10[%swap3A_206] {strides = array<i32>} : memref<2560xf32, #tpu.memory_space<vmem>>, vector<16xf32>,
    %swap3A_208 = vector.shape_cast %swap3A_207 : vector<16xf32> to vector<16xf32>
    %swap3A_209 = vector.shape_cast %mul3A_205 : vector<16xf32> to vector<16xf32>
    tpu.vector_store %arg10[%swap3A_206], %swap3A_209 {strides = array<i32>} : memref<2560xf32, #tpu.memory_space<vmem>>, vector<16xf32>,
    %get3A_210 = arith.constant 0 : i32
    %get3A_211 = arith.index_cast %get3A_210 : i32 to index
    %get3A_212 = arith.constant 320 : index
    %get3A_213 = tpu.vector_load %arg9[%get3A_211, %get3A_212] {strides = array<i32>} : memref<8x1280xf32, #tpu.memory_space<vmem>>, vector<1x16xf32>,
    %get3A_214 = vector.shape_cast %get3A_213 : vector<1x16xf32> to vector<16xf32>
    %mul3A_215 = arith.mulf %get3A_2, %get3A_214 : vector<16xf32>
    %swap3A_216 = arith.constant 320 : index
    %swap3A_217 = tpu.vector_load %arg10[%swap3A_216] {strides = array<i32>} : memref<2560xf32, #tpu.memory_space<vmem>>, vector<16xf32>,
    %swap3A_218 = vector.shape_cast %swap3A_217 : vector<16xf32> to vector<16xf32>
    %swap3A_219 = vector.shape_cast %mul3A_215 : vector<16xf32> to vector<16xf32>
    tpu.vector_store %arg10[%swap3A_216], %swap3A_219 {strides = array<i32>} : memref<2560xf32, #tpu.memory_space<vmem>>, vector<16xf32>,
    %get3A_220 = arith.constant 0 : i32
    %get3A_221 = arith.index_cast %get3A_220 : i32 to index
    %get3A_222 = arith.constant 336 : index
    %get3A_223 = tpu.vector_load %arg9[%get3A_221, %get3A_222] {strides = array<i32>} : memref<8x1280xf32, #tpu.memory_space<vmem>>, vector<1x16xf32>,
    %get3A_224 = vector.shape_cast %get3A_223 : vector<1x16xf32> to vector<16xf32>
    %mul3A_225 = arith.mulf %get3A_2, %get3A_224 : vector<16xf32>
    %swap3A_226 = arith.constant 336 : index
    %swap3A_227 = tpu.vector_load %arg10[%swap3A_226] {strides = array<i32>} : memref<2560xf32, #tpu.memory_space<vmem>>, vector<16xf32>,
    %swap3A_228 = vector.shape_cast %swap3A_227 : vector<16xf32> to vector<16xf32>
    %swap3A_229 = vector.shape_cast %mul3A_225 : vector<16xf32> to vector<16xf32>
    tpu.vector_store %arg10[%swap3A_226], %swap3A_229 {strides = array<i32>} : memref<2560xf32, #tpu.memory_space<vmem>>, vector<16xf32>,
    %get3A_230 = arith.constant 0 : i32
    %get3A_231 = arith.index_cast %get3A_230 : i32 to index
    %get3A_232 = arith.constant 352 : index
    %get3A_233 = tpu.vector_load %arg9[%get3A_231, %get3A_232] {strides = array<i32>} : memref<8x1280xf32, #tpu.memory_space<vmem>>, vector<1x16xf32>,
    %get3A_234 = vector.shape_cast %get3A_233 : vector<1x16xf32> to vector<16xf32>
    %mul3A_235 = arith.mulf %get3A_2, %get3A_234 : vector<16xf32>
    %swap3A_236 = arith.constant 352 : index
    %swap3A_237 = tpu.vector_load %arg10[%swap3A_236] {strides = array<i32>} : memref<2560xf32, #tpu.memory_space<vmem>>, vector<16xf32>,
    %swap3A_238 = vector.shape_cast %swap3A_237 : vector<16xf32> to vector<16xf32>
    %swap3A_239 = vector.shape_cast %mul3A_235 : vector<16xf32> to vector<16xf32>
    tpu.vector_store %arg10[%swap3A_236], %swap3A_239 {strides = array<i32>} : memref<2560xf32, #tpu.memory_space<vmem>>, vector<16xf32>,
    %get3A_240 = arith.constant 0 : i32
    %get3A_241 = arith.index_cast %get3A_240 : i32 to index
    %get3A_242 = arith.constant 368 : index
    %get3A_243 = tpu.vector_load %arg9[%get3A_241, %get3A_242] {strides = array<i32>} : memref<8x1280xf32, #tpu.memory_space<vmem>>, vector<1x16xf32>,
    %get3A_244 = vector.shape_cast %get3A_243 : vector<1x16xf32> to vector<16xf32>
    %mul3A_245 = arith.mulf %get3A_2, %get3A_244 : vector<16xf32>
    %swap3A_246 = arith.constant 368 : index
    %swap3A_247 = tpu.vector_load %arg10[%swap3A_246] {strides = array<i32>} : memref<2560xf32, #tpu.memory_space<vmem>>, vector<16xf32>,
    %swap3A_248 = vector.shape_cast %swap3A_247 : vector<16xf32> to vector<16xf32>
    %swap3A_249 = vector.shape_cast %mul3A_245 : vector<16xf32> to vector<16xf32>
    tpu.vector_store %arg10[%swap3A_246], %swap3A_249 {strides = array<i32>} : memref<2560xf32, #tpu.memory_space<vmem>>, vector<16xf32>,
    %get3A_250 = arith.constant 0 : i32
    %get3A_251 = arith.index_cast %get3A_250 : i32 to index
    %get3A_252 = arith.constant 384 : index
    %get3A_253 = tpu.vector_load %arg9[%get3A_251, %get3A_252] {strides = array<i32>} : memref<8x1280xf32, #tpu.memory_space<vmem>>, vector<1x16xf32>,
    %get3A_254 = vector.shape_cast %get3A_253 : vector<1x16xf32> to vector<16xf32>
    %mul3A_255 = arith.mulf %get3A_2, %get3A_254 : vector<16xf32>
    %swap3A_256 = arith.constant 384 : index
    %swap3A_257 = tpu.vector_load %arg10[%swap3A_256] {strides = array<i32>} : memref<2560xf32, #tpu.memory_space<vmem>>, vector<16xf32>,
    %swap3A_258 = vector.shape_cast %swap3A_257 : vector<16xf32> to vector<16xf32>
    %swap3A_259 = vector.shape_cast %mul3A_255 : vector<16xf32> to vector<16xf32>
    tpu.vector_store %arg10[%swap3A_256], %swap3A_259 {strides = array<i32>} : memref<2560xf32, #tpu.memory_space<vmem>>, vector<16xf32>,
    %get3A_260 = arith.constant 0 : i32
    %get3A_261 = arith.index_cast %get3A_260 : i32 to index
    %get3A_262 = arith.constant 400 : index
    %get3A_263 = tpu.vector_load %arg9[%get3A_261, %get3A_262] {strides = array<i32>} : memref<8x1280xf32, #tpu.memory_space<vmem>>, vector<1x16xf32>,
    %get3A_264 = vector.shape_cast %get3A_263 : vector<1x16xf32> to vector<16xf32>
    %mul3A_265 = arith.mulf %get3A_2, %get3A_264 : vector<16xf32>
    %swap3A_266 = arith.constant 400 : index
    %swap3A_267 = tpu.vector_load %arg10[%swap3A_266] {strides = array<i32>} : memref<2560xf32, #tpu.memory_space<vmem>>, vector<16xf32>,
    %swap3A_268 = vector.shape_cast %swap3A_267 : vector<16xf32> to vector<16xf32>
    %swap3A_269 = vector.shape_cast %mul3A_265 : vector<16xf32> to vector<16xf32>
    tpu.vector_store %arg10[%swap3A_266], %swap3A_269 {strides = array<i32>} : memref<2560xf32, #tpu.memory_space<vmem>>, vector<16xf32>,
    %get3A_270 = arith.constant 0 : i32
    %get3A_271 = arith.index_cast %get3A_270 : i32 to index
    %get3A_272 = arith.constant 416 : index
    %get3A_273 = tpu.vector_load %arg9[%get3A_271, %get3A_272] {strides = array<i32>} : memref<8x1280xf32, #tpu.memory_space<vmem>>, vector<1x16xf32>,
    %get3A_274 = vector.shape_cast %get3A_273 : vector<1x16xf32> to vector<16xf32>
    %mul3A_275 = arith.mulf %get3A_2, %get3A_274 : vector<16xf32>
    %swap3A_276 = arith.constant 416 : index
    %swap3A_277 = tpu.vector_load %arg10[%swap3A_276] {strides = array<i32>} : memref<2560xf32, #tpu.memory_space<vmem>>, vector<16xf32>,
    %swap3A_278 = vector.shape_cast %swap3A_277 : vector<16xf32> to vector<16xf32>
    %swap3A_279 = vector.shape_cast %mul3A_275 : vector<16xf32> to vector<16xf32>
    tpu.vector_store %arg10[%swap3A_276], %swap3A_279 {strides = array<i32>} : memref<2560xf32, #tpu.memory_space<vmem>>, vector<16xf32>,
    %get3A_280 = arith.constant 0 : i32
    %get3A_281 = arith.index_cast %get3A_280 : i32 to index
    %get3A_282 = arith.constant 432 : index
    %get3A_283 = tpu.vector_load %arg9[%get3A_281, %get3A_282] {strides = array<i32>} : memref<8x1280xf32, #tpu.memory_space<vmem>>, vector<1x16xf32>,
    %get3A_284 = vector.shape_cast %get3A_283 : vector<1x16xf32> to vector<16xf32>
    %mul3A_285 = arith.mulf %get3A_2, %get3A_284 : vector<16xf32>
    %swap3A_286 = arith.constant 432 : index
    %swap3A_287 = tpu.vector_load %arg10[%swap3A_286] {strides = array<i32>} : memref<2560xf32, #tpu.memory_space<vmem>>, vector<16xf32>,
    %swap3A_288 = vector.shape_cast %swap3A_287 : vector<16xf32> to vector<16xf32>
    %swap3A_289 = vector.shape_cast %mul3A_285 : vector<16xf32> to vector<16xf32>
    tpu.vector_store %arg10[%swap3A_286], %swap3A_289 {strides = array<i32>} : memref<2560xf32, #tpu.memory_space<vmem>>, vector<16xf32>,
    %get3A_290 = arith.constant 0 : i32
    %get3A_291 = arith.index_cast %get3A_290 : i32 to index
    %get3A_292 = arith.constant 448 : index
    %get3A_293 = tpu.vector_load %arg9[%get3A_291, %get3A_292] {strides = array<i32>} : memref<8x1280xf32, #tpu.memory_space<vmem>>, vector<1x16xf32>,
    %get3A_294 = vector.shape_cast %get3A_293 : vector<1x16xf32> to vector<16xf32>
    %mul3A_295 = arith.mulf %get3A_2, %get3A_294 : vector<16xf32>
    %swap3A_296 = arith.constant 448 : index
    %swap3A_297 = tpu.vector_load %arg10[%swap3A_296] {strides = array<i32>} : memref<2560xf32, #tpu.memory_space<vmem>>, vector<16xf32>,
    %swap3A_298 = vector.shape_cast %swap3A_297 : vector<16xf32> to vector<16xf32>
    %swap3A_299 = vector.shape_cast %mul3A_295 : vector<16xf32> to vector<16xf32>
    tpu.vector_store %arg10[%swap3A_296], %swap3A_299 {strides = array<i32>} : memref<2560xf32, #tpu.memory_space<vmem>>, vector<16xf32>,
    %get3A_300 = arith.constant 0 : i32
    %get3A_301 = arith.index_cast %get3A_300 : i32 to index
    %get3A_302 = arith.constant 464 : index
    %get3A_303 = tpu.vector_load %arg9[%get3A_301, %get3A_302] {strides = array<i32>} : memref<8x1280xf32, #tpu.memory_space<vmem>>, vector<1x16xf32>,
    %get3A_304 = vector.shape_cast %get3A_303 : vector<1x16xf32> to vector<16xf32>
    %mul3A_305 = arith.mulf %get3A_2, %get3A_304 : vector<16xf32>
    %swap3A_306 = arith.constant 464 : index
    %swap3A_307 = tpu.vector_load %arg10[%swap3A_306] {strides = array<i32>} : memref<2560xf32, #tpu.memory_space<vmem>>, vector<16xf32>,
    %swap3A_308 = vector.shape_cast %swap3A_307 : vector<16xf32> to vector<16xf32>
    %swap3A_309 = vector.shape_cast %mul3A_305 : vector<16xf32> to vector<16xf32>
    tpu.vector_store %arg10[%swap3A_306], %swap3A_309 {strides = array<i32>} : memref<2560xf32, #tpu.memory_space<vmem>>, vector<16xf32>,
    %get3A_310 = arith.constant 0 : i32
    %get3A_311 = arith.index_cast %get3A_310 : i32 to index
    %get3A_312 = arith.constant 480 : index
    %get3A_313 = tpu.vector_load %arg9[%get3A_311, %get3A_312] {strides = array<i32>} : memref<8x1280xf32, #tpu.memory_space<vmem>>, vector<1x16xf32>,
    %get3A_314 = vector.shape_cast %get3A_313 : vector<1x16xf32> to vector<16xf32>
    %mul3A_315 = arith.mulf %get3A_2, %get3A_314 : vector<16xf32>
    %swap3A_316 = arith.constant 480 : index
    %swap3A_317 = tpu.vector_load %arg10[%swap3A_316] {strides = array<i32>} : memref<2560xf32, #tpu.memory_space<vmem>>, vector<16xf32>,
    %swap3A_318 = vector.shape_cast %swap3A_317 : vector<16xf32> to vector<16xf32>
    %swap3A_319 = vector.shape_cast %mul3A_315 : vector<16xf32> to vector<16xf32>
    tpu.vector_store %arg10[%swap3A_316], %swap3A_319 {strides = array<i32>} : memref<2560xf32, #tpu.memory_space<vmem>>, vector<16xf32>,
    %get3A_320 = arith.constant 0 : i32
    %get3A_321 = arith.index_cast %get3A_320 : i32 to index
    %get3A_322 = arith.constant 496 : index
    %get3A_323 = tpu.vector_load %arg9[%get3A_321, %get3A_322] {strides = array<i32>} : memref<8x1280xf32, #tpu.memory_space<vmem>>, vector<1x16xf32>,
    %get3A_324 = vector.shape_cast %get3A_323 : vector<1x16xf32> to vector<16xf32>
    %mul3A_325 = arith.mulf %get3A_2, %get3A_324 : vector<16xf32>
    %swap3A_326 = arith.constant 496 : index
    %swap3A_327 = tpu.vector_load %arg10[%swap3A_326] {strides = array<i32>} : memref<2560xf32, #tpu.memory_space<vmem>>, vector<16xf32>,
    %swap3A_328 = vector.shape_cast %swap3A_327 : vector<16xf32> to vector<16xf32>
    %swap3A_329 = vector.shape_cast %mul3A_325 : vector<16xf32> to vector<16xf32>
    tpu.vector_store %arg10[%swap3A_326], %swap3A_329 {strides = array<i32>} : memref<2560xf32, #tpu.memory_space<vmem>>, vector<16xf32>,
    %get3A_330 = arith.constant 0 : i32
    %get3A_331 = arith.index_cast %get3A_330 : i32 to index
    %get3A_332 = arith.constant 512 : index
    %get3A_333 = tpu.vector_load %arg9[%get3A_331, %get3A_332] {strides = array<i32>} : memref<8x1280xf32, #tpu.memory_space<vmem>>, vector<1x16xf32>,
    %get3A_334 = vector.shape_cast %get3A_333 : vector<1x16xf32> to vector<16xf32>
    %mul3A_335 = arith.mulf %get3A_2, %get3A_334 : vector<16xf32>
    %swap3A_336 = arith.constant 512 : index
    %swap3A_337 = tpu.vector_load %arg10[%swap3A_336] {strides = array<i32>} : memref<2560xf32, #tpu.memory_space<vmem>>, vector<16xf32>,
    %swap3A_338 = vector.shape_cast %swap3A_337 : vector<16xf32> to vector<16xf32>
    %swap3A_339 = vector.shape_cast %mul3A_335 : vector<16xf32> to vector<16xf32>
    tpu.vector_store %arg10[%swap3A_336], %swap3A_339 {strides = array<i32>} : memref<2560xf32, #tpu.memory_space<vmem>>, vector<16xf32>,
    %get3A_340 = arith.constant 0 : i32
    %get3A_341 = arith.index_cast %get3A_340 : i32 to index
    %get3A_342 = arith.constant 528 : index
    %get3A_343 = tpu.vector_load %arg9[%get3A_341, %get3A_342] {strides = array<i32>} : memref<8x1280xf32, #tpu.memory_space<vmem>>, vector<1x16xf32>,
    %get3A_344 = vector.shape_cast %get3A_343 : vector<1x16xf32> to vector<16xf32>
    %mul3A_345 = arith.mulf %get3A_2, %get3A_344 : vector<16xf32>
    %swap3A_346 = arith.constant 528 : index
    %swap3A_347 = tpu.vector_load %arg10[%swap3A_346] {strides = array<i32>} : memref<2560xf32, #tpu.memory_space<vmem>>, vector<16xf32>,
    %swap3A_348 = vector.shape_cast %swap3A_347 : vector<16xf32> to vector<16xf32>
    %swap3A_349 = vector.shape_cast %mul3A_345 : vector<16xf32> to vector<16xf32>
    tpu.vector_store %arg10[%swap3A_346], %swap3A_349 {strides = array<i32>} : memref<2560xf32, #tpu.memory_space<vmem>>, vector<16xf32>,
    %get3A_350 = arith.constant 0 : i32
    %get3A_351 = arith.index_cast %get3A_350 : i32 to index
    %get3A_352 = arith.constant 544 : index
    %get3A_353 = tpu.vector_load %arg9[%get3A_351, %get3A_352] {strides = array<i32>} : memref<8x1280xf32, #tpu.memory_space<vmem>>, vector<1x16xf32>,
    %get3A_354 = vector.shape_cast %get3A_353 : vector<1x16xf32> to vector<16xf32>
    %mul3A_355 = arith.mulf %get3A_2, %get3A_354 : vector<16xf32>
    %swap3A_356 = arith.constant 544 : index
    %swap3A_357 = tpu.vector_load %arg10[%swap3A_356] {strides = array<i32>} : memref<2560xf32, #tpu.memory_space<vmem>>, vector<16xf32>,
    %swap3A_358 = vector.shape_cast %swap3A_357 : vector<16xf32> to vector<16xf32>
    %swap3A_359 = vector.shape_cast %mul3A_355 : vector<16xf32> to vector<16xf32>
    tpu.vector_store %arg10[%swap3A_356], %swap3A_359 {strides = array<i32>} : memref<2560xf32, #tpu.memory_space<vmem>>, vector<16xf32>,
    %get3A_360 = arith.constant 0 : i32
    %get3A_361 = arith.index_cast %get3A_360 : i32 to index
    %get3A_362 = arith.constant 560 : index
    %get3A_363 = tpu.vector_load %arg9[%get3A_361, %get3A_362] {strides = array<i32>} : memref<8x1280xf32, #tpu.memory_space<vmem>>, vector<1x16xf32>,
    %get3A_364 = vector.shape_cast %get3A_363 : vector<1x16xf32> to vector<16xf32>
    %mul3A_365 = arith.mulf %get3A_2, %get3A_364 : vector<16xf32>
    %swap3A_366 = arith.constant 560 : index
    %swap3A_367 = tpu.vector_load %arg10[%swap3A_366] {strides = array<i32>} : memref<2560xf32, #tpu.memory_space<vmem>>, vector<16xf32>,
    %swap3A_368 = vector.shape_cast %swap3A_367 : vector<16xf32> to vector<16xf32>
    %swap3A_369 = vector.shape_cast %mul3A_365 : vector<16xf32> to vector<16xf32>
    tpu.vector_store %arg10[%swap3A_366], %swap3A_369 {strides = array<i32>} : memref<2560xf32, #tpu.memory_space<vmem>>, vector<16xf32>,
    %get3A_370 = arith.constant 0 : i32
    %get3A_371 = arith.index_cast %get3A_370 : i32 to index
    %get3A_372 = arith.constant 576 : index
    %get3A_373 = tpu.vector_load %arg9[%get3A_371, %get3A_372] {strides = array<i32>} : memref<8x1280xf32, #tpu.memory_space<vmem>>, vector<1x16xf32>,
    %get3A_374 = vector.shape_cast %get3A_373 : vector<1x16xf32> to vector<16xf32>
    %mul3A_375 = arith.mulf %get3A_2, %get3A_374 : vector<16xf32>
    %swap3A_376 = arith.constant 576 : index
    %swap3A_377 = tpu.vector_load %arg10[%swap3A_376] {strides = array<i32>} : memref<2560xf32, #tpu.memory_space<vmem>>, vector<16xf32>,
    %swap3A_378 = vector.shape_cast %swap3A_377 : vector<16xf32> to vector<16xf32>
    %swap3A_379 = vector.shape_cast %mul3A_375 : vector<16xf32> to vector<16xf32>
    tpu.vector_store %arg10[%swap3A_376], %swap3A_379 {strides = array<i32>} : memref<2560xf32, #tpu.memory_space<vmem>>, vector<16xf32>,
    %get3A_380 = arith.constant 0 : i32
    %get3A_381 = arith.index_cast %get3A_380 : i32 to index
    %get3A_382 = arith.constant 592 : index
    %get3A_383 = tpu.vector_load %arg9[%get3A_381, %get3A_382] {strides = array<i32>} : memref<8x1280xf32, #tpu.memory_space<vmem>>, vector<1x16xf32>,
    %get3A_384 = vector.shape_cast %get3A_383 : vector<1x16xf32> to vector<16xf32>
    %mul3A_385 = arith.mulf %get3A_2, %get3A_384 : vector<16xf32>
    %swap3A_386 = arith.constant 592 : index
    %swap3A_387 = tpu.vector_load %arg10[%swap3A_386] {strides = array<i32>} : memref<2560xf32, #tpu.memory_space<vmem>>, vector<16xf32>,
    %swap3A_388 = vector.shape_cast %swap3A_387 : vector<16xf32> to vector<16xf32>
    %swap3A_389 = vector.shape_cast %mul3A_385 : vector<16xf32> to vector<16xf32>
    tpu.vector_store %arg10[%swap3A_386], %swap3A_389 {strides = array<i32>} : memref<2560xf32, #tpu.memory_space<vmem>>, vector<16xf32>,
    %get3A_390 = arith.constant 0 : i32
    %get3A_391 = arith.index_cast %get3A_390 : i32 to index
    %get3A_392 = arith.constant 608 : index
    %get3A_393 = tpu.vector_load %arg9[%get3A_391, %get3A_392] {strides = array<i32>} : memref<8x1280xf32, #tpu.memory_space<vmem>>, vector<1x16xf32>,
    %get3A_394 = vector.shape_cast %get3A_393 : vector<1x16xf32> to vector<16xf32>
    %mul3A_395 = arith.mulf %get3A_2, %get3A_394 : vector<16xf32>
    %swap3A_396 = arith.constant 608 : index
    %swap3A_397 = tpu.vector_load %arg10[%swap3A_396] {strides = array<i32>} : memref<2560xf32, #tpu.memory_space<vmem>>, vector<16xf32>,
    %swap3A_398 = vector.shape_cast %swap3A_397 : vector<16xf32> to vector<16xf32>
    %swap3A_399 = vector.shape_cast %mul3A_395 : vector<16xf32> to vector<16xf32>
    tpu.vector_store %arg10[%swap3A_396], %swap3A_399 {strides = array<i32>} : memref<2560xf32, #tpu.memory_space<vmem>>, vector<16xf32>,
    %get3A_400 = arith.constant 0 : i32
    %get3A_401 = arith.index_cast %get3A_400 : i32 to index
    %get3A_402 = arith.constant 624 : index
    %get3A_403 = tpu.vector_load %arg9[%get3A_401, %get3A_402] {strides = array<i32>} : memref<8x1280xf32, #tpu.memory_space<vmem>>, vector<1x16xf32>,
    %get3A_404 = vector.shape_cast %get3A_403 : vector<1x16xf32> to vector<16xf32>
    %mul3A_405 = arith.mulf %get3A_2, %get3A_404 : vector<16xf32>
    %swap3A_406 = arith.constant 624 : index
    %swap3A_407 = tpu.vector_load %arg10[%swap3A_406] {strides = array<i32>} : memref<2560xf32, #tpu.memory_space<vmem>>, vector<16xf32>,
    %swap3A_408 = vector.shape_cast %swap3A_407 : vector<16xf32> to vector<16xf32>
    %swap3A_409 = vector.shape_cast %mul3A_405 : vector<16xf32> to vector<16xf32>
    tpu.vector_store %arg10[%swap3A_406], %swap3A_409 {strides = array<i32>} : memref<2560xf32, #tpu.memory_space<vmem>>, vector<16xf32>,
    %get3A_410 = arith.constant 0 : i32
    %get3A_411 = arith.index_cast %get3A_410 : i32 to index
    %get3A_412 = arith.constant 640 : index
    %get3A_413 = tpu.vector_load %arg9[%get3A_411, %get3A_412] {strides = array<i32>} : memref<8x1280xf32, #tpu.memory_space<vmem>>, vector<1x16xf32>,
    %get3A_414 = vector.shape_cast %get3A_413 : vector<1x16xf32> to vector<16xf32>
    %mul3A_415 = arith.mulf %get3A_2, %get3A_414 : vector<16xf32>
    %swap3A_416 = arith.constant 640 : index
    %swap3A_417 = tpu.vector_load %arg10[%swap3A_416] {strides = array<i32>} : memref<2560xf32, #tpu.memory_space<vmem>>, vector<16xf32>,
    %swap3A_418 = vector.shape_cast %swap3A_417 : vector<16xf32> to vector<16xf32>
    %swap3A_419 = vector.shape_cast %mul3A_415 : vector<16xf32> to vector<16xf32>
    tpu.vector_store %arg10[%swap3A_416], %swap3A_419 {strides = array<i32>} : memref<2560xf32, #tpu.memory_space<vmem>>, vector<16xf32>,
    %get3A_420 = arith.constant 0 : i32
    %get3A_421 = arith.index_cast %get3A_420 : i32 to index
    %get3A_422 = arith.constant 656 : index
    %get3A_423 = tpu.vector_load %arg9[%get3A_421, %get3A_422] {strides = array<i32>} : memref<8x1280xf32, #tpu.memory_space<vmem>>, vector<1x16xf32>,
    %get3A_424 = vector.shape_cast %get3A_423 : vector<1x16xf32> to vector<16xf32>
    %mul3A_425 = arith.mulf %get3A_2, %get3A_424 : vector<16xf32>
    %swap3A_426 = arith.constant 656 : index
    %swap3A_427 = tpu.vector_load %arg10[%swap3A_426] {strides = array<i32>} : memref<2560xf32, #tpu.memory_space<vmem>>, vector<16xf32>,
    %swap3A_428 = vector.shape_cast %swap3A_427 : vector<16xf32> to vector<16xf32>
    %swap3A_429 = vector.shape_cast %mul3A_425 : vector<16xf32> to vector<16xf32>
    tpu.vector_store %arg10[%swap3A_426], %swap3A_429 {strides = array<i32>} : memref<2560xf32, #tpu.memory_space<vmem>>, vector<16xf32>,
    %get3A_430 = arith.constant 0 : i32
    %get3A_431 = arith.index_cast %get3A_430 : i32 to index
    %get3A_432 = arith.constant 672 : index
    %get3A_433 = tpu.vector_load %arg9[%get3A_431, %get3A_432] {strides = array<i32>} : memref<8x1280xf32, #tpu.memory_space<vmem>>, vector<1x16xf32>,
    %get3A_434 = vector.shape_cast %get3A_433 : vector<1x16xf32> to vector<16xf32>
    %mul3A_435 = arith.mulf %get3A_2, %get3A_434 : vector<16xf32>
    %swap3A_436 = arith.constant 672 : index
    %swap3A_437 = tpu.vector_load %arg10[%swap3A_436] {strides = array<i32>} : memref<2560xf32, #tpu.memory_space<vmem>>, vector<16xf32>,
    %swap3A_438 = vector.shape_cast %swap3A_437 : vector<16xf32> to vector<16xf32>
    %swap3A_439 = vector.shape_cast %mul3A_435 : vector<16xf32> to vector<16xf32>
    tpu.vector_store %arg10[%swap3A_436], %swap3A_439 {strides = array<i32>} : memref<2560xf32, #tpu.memory_space<vmem>>, vector<16xf32>,
    %get3A_440 = arith.constant 0 : i32
    %get3A_441 = arith.index_cast %get3A_440 : i32 to index
    %get3A_442 = arith.constant 688 : index
    %get3A_443 = tpu.vector_load %arg9[%get3A_441, %get3A_442] {strides = array<i32>} : memref<8x1280xf32, #tpu.memory_space<vmem>>, vector<1x16xf32>,
    %get3A_444 = vector.shape_cast %get3A_443 : vector<1x16xf32> to vector<16xf32>
    %mul3A_445 = arith.mulf %get3A_2, %get3A_444 : vector<16xf32>
    %swap3A_446 = arith.constant 688 : index
    %swap3A_447 = tpu.vector_load %arg10[%swap3A_446] {strides = array<i32>} : memref<2560xf32, #tpu.memory_space<vmem>>, vector<16xf32>,
    %swap3A_448 = vector.shape_cast %swap3A_447 : vector<16xf32> to vector<16xf32>
    %swap3A_449 = vector.shape_cast %mul3A_445 : vector<16xf32> to vector<16xf32>
    tpu.vector_store %arg10[%swap3A_446], %swap3A_449 {strides = array<i32>} : memref<2560xf32, #tpu.memory_space<vmem>>, vector<16xf32>,
    %get3A_450 = arith.constant 0 : i32
    %get3A_451 = arith.index_cast %get3A_450 : i32 to index
    %get3A_452 = arith.constant 704 : index
    %get3A_453 = tpu.vector_load %arg9[%get3A_451, %get3A_452] {strides = array<i32>} : memref<8x1280xf32, #tpu.memory_space<vmem>>, vector<1x16xf32>,
    %get3A_454 = vector.shape_cast %get3A_453 : vector<1x16xf32> to vector<16xf32>
    %mul3A_455 = arith.mulf %get3A_2, %get3A_454 : vector<16xf32>
    %swap3A_456 = arith.constant 704 : index
    %swap3A_457 = tpu.vector_load %arg10[%swap3A_456] {strides = array<i32>} : memref<2560xf32, #tpu.memory_space<vmem>>, vector<16xf32>,
    %swap3A_458 = vector.shape_cast %swap3A_457 : vector<16xf32> to vector<16xf32>
    %swap3A_459 = vector.shape_cast %mul3A_455 : vector<16xf32> to vector<16xf32>
    tpu.vector_store %arg10[%swap3A_456], %swap3A_459 {strides = array<i32>} : memref<2560xf32, #tpu.memory_space<vmem>>, vector<16xf32>,
    %get3A_460 = arith.constant 0 : i32
    %get3A_461 = arith.index_cast %get3A_460 : i32 to index
    %get3A_462 = arith.constant 720 : index
    %get3A_463 = tpu.vector_load %arg9[%get3A_461, %get3A_462] {strides = array<i32>} : memref<8x1280xf32, #tpu.memory_space<vmem>>, vector<1x16xf32>,
    %get3A_464 = vector.shape_cast %get3A_463 : vector<1x16xf32> to vector<16xf32>
    %mul3A_465 = arith.mulf %get3A_2, %get3A_464 : vector<16xf32>
    %swap3A_466 = arith.constant 720 : index
    %swap3A_467 = tpu.vector_load %arg10[%swap3A_466] {strides = array<i32>} : memref<2560xf32, #tpu.memory_space<vmem>>, vector<16xf32>,
    %swap3A_468 = vector.shape_cast %swap3A_467 : vector<16xf32> to vector<16xf32>
    %swap3A_469 = vector.shape_cast %mul3A_465 : vector<16xf32> to vector<16xf32>
    tpu.vector_store %arg10[%swap3A_466], %swap3A_469 {strides = array<i32>} : memref<2560xf32, #tpu.memory_space<vmem>>, vector<16xf32>,
    %get3A_470 = arith.constant 0 : i32
    %get3A_471 = arith.index_cast %get3A_470 : i32 to index
    %get3A_472 = arith.constant 736 : index
    %get3A_473 = tpu.vector_load %arg9[%get3A_471, %get3A_472] {strides = array<i32>} : memref<8x1280xf32, #tpu.memory_space<vmem>>, vector<1x16xf32>,
    %get3A_474 = vector.shape_cast %get3A_473 : vector<1x16xf32> to vector<16xf32>
    %mul3A_475 = arith.mulf %get3A_2, %get3A_474 : vector<16xf32>
    %swap3A_476 = arith.constant 736 : index
    %swap3A_477 = tpu.vector_load %arg10[%swap3A_476] {strides = array<i32>} : memref<2560xf32, #tpu.memory_space<vmem>>, vector<16xf32>,
    %swap3A_478 = vector.shape_cast %swap3A_477 : vector<16xf32> to vector<16xf32>
    %swap3A_479 = vector.shape_cast %mul3A_475 : vector<16xf32> to vector<16xf32>
    tpu.vector_store %arg10[%swap3A_476], %swap3A_479 {strides = array<i32>} : memref<2560xf32, #tpu.memory_space<vmem>>, vector<16xf32>,
    %get3A_480 = arith.constant 0 : i32
    %get3A_481 = arith.index_cast %get3A_480 : i32 to index
    %get3A_482 = arith.constant 752 : index
    %get3A_483 = tpu.vector_load %arg9[%get3A_481, %get3A_482] {strides = array<i32>} : memref<8x1280xf32, #tpu.memory_space<vmem>>, vector<1x16xf32>,
    %get3A_484 = vector.shape_cast %get3A_483 : vector<1x16xf32> to vector<16xf32>
    %mul3A_485 = arith.mulf %get3A_2, %get3A_484 : vector<16xf32>
    %swap3A_486 = arith.constant 752 : index
    %swap3A_487 = tpu.vector_load %arg10[%swap3A_486] {strides = array<i32>} : memref<2560xf32, #tpu.memory_space<vmem>>, vector<16xf32>,
    %swap3A_488 = vector.shape_cast %swap3A_487 : vector<16xf32> to vector<16xf32>
    %swap3A_489 = vector.shape_cast %mul3A_485 : vector<16xf32> to vector<16xf32>
    tpu.vector_store %arg10[%swap3A_486], %swap3A_489 {strides = array<i32>} : memref<2560xf32, #tpu.memory_space<vmem>>, vector<16xf32>,
    %get3A_490 = arith.constant 0 : i32
    %get3A_491 = arith.index_cast %get3A_490 : i32 to index
    %get3A_492 = arith.constant 768 : index
    %get3A_493 = tpu.vector_load %arg9[%get3A_491, %get3A_492] {strides = array<i32>} : memref<8x1280xf32, #tpu.memory_space<vmem>>, vector<1x16xf32>,
    %get3A_494 = vector.shape_cast %get3A_493 : vector<1x16xf32> to vector<16xf32>
    %mul3A_495 = arith.mulf %get3A_2, %get3A_494 : vector<16xf32>
    %swap3A_496 = arith.constant 768 : index
    %swap3A_497 = tpu.vector_load %arg10[%swap3A_496] {strides = array<i32>} : memref<2560xf32, #tpu.memory_space<vmem>>, vector<16xf32>,
    %swap3A_498 = vector.shape_cast %swap3A_497 : vector<16xf32> to vector<16xf32>
    %swap3A_499 = vector.shape_cast %mul3A_495 : vector<16xf32> to vector<16xf32>
    tpu.vector_store %arg10[%swap3A_496], %swap3A_499 {strides = array<i32>} : memref<2560xf32, #tpu.memory_space<vmem>>, vector<16xf32>,
    %get3A_500 = arith.constant 0 : i32
    %get3A_501 = arith.index_cast %get3A_500 : i32 to index
    %get3A_502 = arith.constant 784 : index
    %get3A_503 = tpu.vector_load %arg9[%get3A_501, %get3A_502] {strides = array<i32>} : memref<8x1280xf32, #tpu.memory_space<vmem>>, vector<1x16xf32>,
    %get3A_504 = vector.shape_cast %get3A_503 : vector<1x16xf32> to vector<16xf32>
    %mul3A_505 = arith.mulf %get3A_2, %get3A_504 : vector<16xf32>
    %swap3A_506 = arith.constant 784 : index
    %swap3A_507 = tpu.vector_load %arg10[%swap3A_506] {strides = array<i32>} : memref<2560xf32, #tpu.memory_space<vmem>>, vector<16xf32>,
    %swap3A_508 = vector.shape_cast %swap3A_507 : vector<16xf32> to vector<16xf32>
    %swap3A_509 = vector.shape_cast %mul3A_505 : vector<16xf32> to vector<16xf32>
    tpu.vector_store %arg10[%swap3A_506], %swap3A_509 {strides = array<i32>} : memref<2560xf32, #tpu.memory_space<vmem>>, vector<16xf32>,
    %get3A_510 = arith.constant 0 : i32
    %get3A_511 = arith.index_cast %get3A_510 : i32 to index
    %get3A_512 = arith.constant 800 : index
    %get3A_513 = tpu.vector_load %arg9[%get3A_511, %get3A_512] {strides = array<i32>} : memref<8x1280xf32, #tpu.memory_space<vmem>>, vector<1x16xf32>,
    %get3A_514 = vector.shape_cast %get3A_513 : vector<1x16xf32> to vector<16xf32>
    %mul3A_515 = arith.mulf %get3A_2, %get3A_514 : vector<16xf32>
    %swap3A_516 = arith.constant 800 : index
    %swap3A_517 = tpu.vector_load %arg10[%swap3A_516] {strides = array<i32>} : memref<2560xf32, #tpu.memory_space<vmem>>, vector<16xf32>,
    %swap3A_518 = vector.shape_cast %swap3A_517 : vector<16xf32> to vector<16xf32>
    %swap3A_519 = vector.shape_cast %mul3A_515 : vector<16xf32> to vector<16xf32>
    tpu.vector_store %arg10[%swap3A_516], %swap3A_519 {strides = array<i32>} : memref<2560xf32, #tpu.memory_space<vmem>>, vector<16xf32>,
    %get3A_520 = arith.constant 0 : i32
    %get3A_521 = arith.index_cast %get3A_520 : i32 to index
    %get3A_522 = arith.constant 816 : index
    %get3A_523 = tpu.vector_load %arg9[%get3A_521, %get3A_522] {strides = array<i32>} : memref<8x1280xf32, #tpu.memory_space<vmem>>, vector<1x16xf32>,
    %get3A_524 = vector.shape_cast %get3A_523 : vector<1x16xf32> to vector<16xf32>
    %mul3A_525 = arith.mulf %get3A_2, %get3A_524 : vector<16xf32>
    %swap3A_526 = arith.constant 816 : index
    %swap3A_527 = tpu.vector_load %arg10[%swap3A_526] {strides = array<i32>} : memref<2560xf32, #tpu.memory_space<vmem>>, vector<16xf32>,
    %swap3A_528 = vector.shape_cast %swap3A_527 : vector<16xf32> to vector<16xf32>
    %swap3A_529 = vector.shape_cast %mul3A_525 : vector<16xf32> to vector<16xf32>
    tpu.vector_store %arg10[%swap3A_526], %swap3A_529 {strides = array<i32>} : memref<2560xf32, #tpu.memory_space<vmem>>, vector<16xf32>,
    %get3A_530 = arith.constant 0 : i32
    %get3A_531 = arith.index_cast %get3A_530 : i32 to index
    %get3A_532 = arith.constant 832 : index
    %get3A_533 = tpu.vector_load %arg9[%get3A_531, %get3A_532] {strides = array<i32>} : memref<8x1280xf32, #tpu.memory_space<vmem>>, vector<1x16xf32>,
    %get3A_534 = vector.shape_cast %get3A_533 : vector<1x16xf32> to vector<16xf32>
    %mul3A_535 = arith.mulf %get3A_2, %get3A_534 : vector<16xf32>
    %swap3A_536 = arith.constant 832 : index
    %swap3A_537 = tpu.vector_load %arg10[%swap3A_536] {strides = array<i32>} : memref<2560xf32, #tpu.memory_space<vmem>>, vector<16xf32>,
    %swap3A_538 = vector.shape_cast %swap3A_537 : vector<16xf32> to vector<16xf32>
    %swap3A_539 = vector.shape_cast %mul3A_535 : vector<16xf32> to vector<16xf32>
    tpu.vector_store %arg10[%swap3A_536], %swap3A_539 {strides = array<i32>} : memref<2560xf32, #tpu.memory_space<vmem>>, vector<16xf32>,
    %get3A_540 = arith.constant 0 : i32
    %get3A_541 = arith.index_cast %get3A_540 : i32 to index
    %get3A_542 = arith.constant 848 : index
    %get3A_543 = tpu.vector_load %arg9[%get3A_541, %get3A_542] {strides = array<i32>} : memref<8x1280xf32, #tpu.memory_space<vmem>>, vector<1x16xf32>,
    %get3A_544 = vector.shape_cast %get3A_543 : vector<1x16xf32> to vector<16xf32>
    %mul3A_545 = arith.mulf %get3A_2, %get3A_544 : vector<16xf32>
    %swap3A_546 = arith.constant 848 : index
    %swap3A_547 = tpu.vector_load %arg10[%swap3A_546] {strides = array<i32>} : memref<2560xf32, #tpu.memory_space<vmem>>, vector<16xf32>,
    %swap3A_548 = vector.shape_cast %swap3A_547 : vector<16xf32> to vector<16xf32>
    %swap3A_549 = vector.shape_cast %mul3A_545 : vector<16xf32> to vector<16xf32>
    tpu.vector_store %arg10[%swap3A_546], %swap3A_549 {strides = array<i32>} : memref<2560xf32, #tpu.memory_space<vmem>>, vector<16xf32>,
    %get3A_550 = arith.constant 0 : i32
    %get3A_551 = arith.index_cast %get3A_550 : i32 to index
    %get3A_552 = arith.constant 864 : index
    %get3A_553 = tpu.vector_load %arg9[%get3A_551, %get3A_552] {strides = array<i32>} : memref<8x1280xf32, #tpu.memory_space<vmem>>, vector<1x16xf32>,
    %get3A_554 = vector.shape_cast %get3A_553 : vector<1x16xf32> to vector<16xf32>
    %mul3A_555 = arith.mulf %get3A_2, %get3A_554 : vector<16xf32>
    %swap3A_556 = arith.constant 864 : index
    %swap3A_557 = tpu.vector_load %arg10[%swap3A_556] {strides = array<i32>} : memref<2560xf32, #tpu.memory_space<vmem>>, vector<16xf32>,
    %swap3A_558 = vector.shape_cast %swap3A_557 : vector<16xf32> to vector<16xf32>
    %swap3A_559 = vector.shape_cast %mul3A_555 : vector<16xf32> to vector<16xf32>
    tpu.vector_store %arg10[%swap3A_556], %swap3A_559 {strides = array<i32>} : memref<2560xf32, #tpu.memory_space<vmem>>, vector<16xf32>,
    %get3A_560 = arith.constant 0 : i32
    %get3A_561 = arith.index_cast %get3A_560 : i32 to index
    %get3A_562 = arith.constant 880 : index
    %get3A_563 = tpu.vector_load %arg9[%get3A_561, %get3A_562] {strides = array<i32>} : memref<8x1280xf32, #tpu.memory_space<vmem>>, vector<1x16xf32>,
    %get3A_564 = vector.shape_cast %get3A_563 : vector<1x16xf32> to vector<16xf32>
    %mul3A_565 = arith.mulf %get3A_2, %get3A_564 : vector<16xf32>
    %swap3A_566 = arith.constant 880 : index
    %swap3A_567 = tpu.vector_load %arg10[%swap3A_566] {strides = array<i32>} : memref<2560xf32, #tpu.memory_space<vmem>>, vector<16xf32>,
    %swap3A_568 = vector.shape_cast %swap3A_567 : vector<16xf32> to vector<16xf32>
    %swap3A_569 = vector.shape_cast %mul3A_565 : vector<16xf32> to vector<16xf32>
    tpu.vector_store %arg10[%swap3A_566], %swap3A_569 {strides = array<i32>} : memref<2560xf32, #tpu.memory_space<vmem>>, vector<16xf32>,
    %get3A_570 = arith.constant 0 : i32
    %get3A_571 = arith.index_cast %get3A_570 : i32 to index
    %get3A_572 = arith.constant 896 : index
    %get3A_573 = tpu.vector_load %arg9[%get3A_571, %get3A_572] {strides = array<i32>} : memref<8x1280xf32, #tpu.memory_space<vmem>>, vector<1x16xf32>,
    %get3A_574 = vector.shape_cast %get3A_573 : vector<1x16xf32> to vector<16xf32>
    %mul3A_575 = arith.mulf %get3A_2, %get3A_574 : vector<16xf32>
    %swap3A_576 = arith.constant 896 : index
    %swap3A_577 = tpu.vector_load %arg10[%swap3A_576] {strides = array<i32>} : memref<2560xf32, #tpu.memory_space<vmem>>, vector<16xf32>,
    %swap3A_578 = vector.shape_cast %swap3A_577 : vector<16xf32> to vector<16xf32>
    %swap3A_579 = vector.shape_cast %mul3A_575 : vector<16xf32> to vector<16xf32>
    tpu.vector_store %arg10[%swap3A_576], %swap3A_579 {strides = array<i32>} : memref<2560xf32, #tpu.memory_space<vmem>>, vector<16xf32>,
    %get3A_580 = arith.constant 0 : i32
    %get3A_581 = arith.index_cast %get3A_580 : i32 to index
    %get3A_582 = arith.constant 912 : index
    %get3A_583 = tpu.vector_load %arg9[%get3A_581, %get3A_582] {strides = array<i32>} : memref<8x1280xf32, #tpu.memory_space<vmem>>, vector<1x16xf32>,
    %get3A_584 = vector.shape_cast %get3A_583 : vector<1x16xf32> to vector<16xf32>
    %mul3A_585 = arith.mulf %get3A_2, %get3A_584 : vector<16xf32>
    %swap3A_586 = arith.constant 912 : index
    %swap3A_587 = tpu.vector_load %arg10[%swap3A_586] {strides = array<i32>} : memref<2560xf32, #tpu.memory_space<vmem>>, vector<16xf32>,
    %swap3A_588 = vector.shape_cast %swap3A_587 : vector<16xf32> to vector<16xf32>
    %swap3A_589 = vector.shape_cast %mul3A_585 : vector<16xf32> to vector<16xf32>
    tpu.vector_store %arg10[%swap3A_586], %swap3A_589 {strides = array<i32>} : memref<2560xf32, #tpu.memory_space<vmem>>, vector<16xf32>,
    %get3A_590 = arith.constant 0 : i32
    %get3A_591 = arith.index_cast %get3A_590 : i32 to index
    %get3A_592 = arith.constant 928 : index
    %get3A_593 = tpu.vector_load %arg9[%get3A_591, %get3A_592] {strides = array<i32>} : memref<8x1280xf32, #tpu.memory_space<vmem>>, vector<1x16xf32>,
    %get3A_594 = vector.shape_cast %get3A_593 : vector<1x16xf32> to vector<16xf32>
    %mul3A_595 = arith.mulf %get3A_2, %get3A_594 : vector<16xf32>
    %swap3A_596 = arith.constant 928 : index
    %swap3A_597 = tpu.vector_load %arg10[%swap3A_596] {strides = array<i32>} : memref<2560xf32, #tpu.memory_space<vmem>>, vector<16xf32>,
    %swap3A_598 = vector.shape_cast %swap3A_597 : vector<16xf32> to vector<16xf32>
    %swap3A_599 = vector.shape_cast %mul3A_595 : vector<16xf32> to vector<16xf32>
    tpu.vector_store %arg10[%swap3A_596], %swap3A_599 {strides = array<i32>} : memref<2560xf32, #tpu.memory_space<vmem>>, vector<16xf32>,
    %get3A_600 = arith.constant 0 : i32
    %get3A_601 = arith.index_cast %get3A_600 : i32 to index
    %get3A_602 = arith.constant 944 : index
    %get3A_603 = tpu.vector_load %arg9[%get3A_601, %get3A_602] {strides = array<i32>} : memref<8x1280xf32, #tpu.memory_space<vmem>>, vector<1x16xf32>,
    %get3A_604 = vector.shape_cast %get3A_603 : vector<1x16xf32> to vector<16xf32>
    %mul3A_605 = arith.mulf %get3A_2, %get3A_604 : vector<16xf32>
    %swap3A_606 = arith.constant 944 : index
    %swap3A_607 = tpu.vector_load %arg10[%swap3A_606] {strides = array<i32>} : memref<2560xf32, #tpu.memory_space<vmem>>, vector<16xf32>,
    %swap3A_608 = vector.shape_cast %swap3A_607 : vector<16xf32> to vector<16xf32>
    %swap3A_609 = vector.shape_cast %mul3A_605 : vector<16xf32> to vector<16xf32>
    tpu.vector_store %arg10[%swap3A_606], %swap3A_609 {strides = array<i32>} : memref<2560xf32, #tpu.memory_space<vmem>>, vector<16xf32>,
    %get3A_610 = arith.constant 0 : i32
    %get3A_611 = arith.index_cast %get3A_610 : i32 to index
    %get3A_612 = arith.constant 960 : index
    %get3A_613 = tpu.vector_load %arg9[%get3A_611, %get3A_612] {strides = array<i32>} : memref<8x1280xf32, #tpu.memory_space<vmem>>, vector<1x16xf32>,
    %get3A_614 = vector.shape_cast %get3A_613 : vector<1x16xf32> to vector<16xf32>
    %mul3A_615 = arith.mulf %get3A_2, %get3A_614 : vector<16xf32>
    %swap3A_616 = arith.constant 960 : index
    %swap3A_617 = tpu.vector_load %arg10[%swap3A_616] {strides = array<i32>} : memref<2560xf32, #tpu.memory_space<vmem>>, vector<16xf32>,
    %swap3A_618 = vector.shape_cast %swap3A_617 : vector<16xf32> to vector<16xf32>
    %swap3A_619 = vector.shape_cast %mul3A_615 : vector<16xf32> to vector<16xf32>
    tpu.vector_store %arg10[%swap3A_616], %swap3A_619 {strides = array<i32>} : memref<2560xf32, #tpu.memory_space<vmem>>, vector<16xf32>,
    %get3A_620 = arith.constant 0 : i32
    %get3A_621 = arith.index_cast %get3A_620 : i32 to index
    %get3A_622 = arith.constant 976 : index
    %get3A_623 = tpu.vector_load %arg9[%get3A_621, %get3A_622] {strides = array<i32>} : memref<8x1280xf32, #tpu.memory_space<vmem>>, vector<1x16xf32>,
    %get3A_624 = vector.shape_cast %get3A_623 : vector<1x16xf32> to vector<16xf32>
    %mul3A_625 = arith.mulf %get3A_2, %get3A_624 : vector<16xf32>
    %swap3A_626 = arith.constant 976 : index
    %swap3A_627 = tpu.vector_load %arg10[%swap3A_626] {strides = array<i32>} : memref<2560xf32, #tpu.memory_space<vmem>>, vector<16xf32>,
    %swap3A_628 = vector.shape_cast %swap3A_627 : vector<16xf32> to vector<16xf32>
    %swap3A_629 = vector.shape_cast %mul3A_625 : vector<16xf32> to vector<16xf32>
    tpu.vector_store %arg10[%swap3A_626], %swap3A_629 {strides = array<i32>} : memref<2560xf32, #tpu.memory_space<vmem>>, vector<16xf32>,
    %get3A_630 = arith.constant 0 : i32
    %get3A_631 = arith.index_cast %get3A_630 : i32 to index
    %get3A_632 = arith.constant 992 : index
    %get3A_633 = tpu.vector_load %arg9[%get3A_631, %get3A_632] {strides = array<i32>} : memref<8x1280xf32, #tpu.memory_space<vmem>>, vector<1x16xf32>,
    %get3A_634 = vector.shape_cast %get3A_633 : vector<1x16xf32> to vector<16xf32>
    %mul3A_635 = arith.mulf %get3A_2, %get3A_634 : vector<16xf32>
    %swap3A_636 = arith.constant 992 : index
    %swap3A_637 = tpu.vector_load %arg10[%swap3A_636] {strides = array<i32>} : memref<2560xf32, #tpu.memory_space<vmem>>, vector<16xf32>,
    %swap3A_638 = vector.shape_cast %swap3A_637 : vector<16xf32> to vector<16xf32>
    %swap3A_639 = vector.shape_cast %mul3A_635 : vector<16xf32> to vector<16xf32>
    tpu.vector_store %arg10[%swap3A_636], %swap3A_639 {strides = array<i32>} : memref<2560xf32, #tpu.memory_space<vmem>>, vector<16xf32>,
    %get3A_640 = arith.constant 0 : i32
    %get3A_641 = arith.index_cast %get3A_640 : i32 to index
    %get3A_642 = arith.constant 1008 : index
    %get3A_643 = tpu.vector_load %arg9[%get3A_641, %get3A_642] {strides = array<i32>} : memref<8x1280xf32, #tpu.memory_space<vmem>>, vector<1x16xf32>,
    %get3A_644 = vector.shape_cast %get3A_643 : vector<1x16xf32> to vector<16xf32>
    %mul3A_645 = arith.mulf %get3A_2, %get3A_644 : vector<16xf32>
    %swap3A_646 = arith.constant 1008 : index
    %swap3A_647 = tpu.vector_load %arg10[%swap3A_646] {strides = array<i32>} : memref<2560xf32, #tpu.memory_space<vmem>>, vector<16xf32>,
    %swap3A_648 = vector.shape_cast %swap3A_647 : vector<16xf32> to vector<16xf32>
    %swap3A_649 = vector.shape_cast %mul3A_645 : vector<16xf32> to vector<16xf32>
    tpu.vector_store %arg10[%swap3A_646], %swap3A_649 {strides = array<i32>} : memref<2560xf32, #tpu.memory_space<vmem>>, vector<16xf32>,
    %get3A_650 = arith.constant 0 : i32
    %get3A_651 = arith.index_cast %get3A_650 : i32 to index
    %get3A_652 = arith.constant 1024 : index
    %get3A_653 = tpu.vector_load %arg9[%get3A_651, %get3A_652] {strides = array<i32>} : memref<8x1280xf32, #tpu.memory_space<vmem>>, vector<1x16xf32>,
    %get3A_654 = vector.shape_cast %get3A_653 : vector<1x16xf32> to vector<16xf32>
    %mul3A_655 = arith.mulf %get3A_2, %get3A_654 : vector<16xf32>
    %swap3A_656 = arith.constant 1024 : index
    %swap3A_657 = tpu.vector_load %arg10[%swap3A_656] {strides = array<i32>} : memref<2560xf32, #tpu.memory_space<vmem>>, vector<16xf32>,
    %swap3A_658 = vector.shape_cast %swap3A_657 : vector<16xf32> to vector<16xf32>
    %swap3A_659 = vector.shape_cast %mul3A_655 : vector<16xf32> to vector<16xf32>
    tpu.vector_store %arg10[%swap3A_656], %swap3A_659 {strides = array<i32>} : memref<2560xf32, #tpu.memory_space<vmem>>, vector<16xf32>,
    %get3A_660 = arith.constant 0 : i32
    %get3A_661 = arith.index_cast %get3A_660 : i32 to index
    %get3A_662 = arith.constant 1040 : index
    %get3A_663 = tpu.vector_load %arg9[%get3A_661, %get3A_662] {strides = array<i32>} : memref<8x1280xf32, #tpu.memory_space<vmem>>, vector<1x16xf32>,
    %get3A_664 = vector.shape_cast %get3A_663 : vector<1x16xf32> to vector<16xf32>
    %mul3A_665 = arith.mulf %get3A_2, %get3A_664 : vector<16xf32>
    %swap3A_666 = arith.constant 1040 : index
    %swap3A_667 = tpu.vector_load %arg10[%swap3A_666] {strides = array<i32>} : memref<2560xf32, #tpu.memory_space<vmem>>, vector<16xf32>,
    %swap3A_668 = vector.shape_cast %swap3A_667 : vector<16xf32> to vector<16xf32>
    %swap3A_669 = vector.shape_cast %mul3A_665 : vector<16xf32> to vector<16xf32>
    tpu.vector_store %arg10[%swap3A_666], %swap3A_669 {strides = array<i32>} : memref<2560xf32, #tpu.memory_space<vmem>>, vector<16xf32>,
    %get3A_670 = arith.constant 0 : i32
    %get3A_671 = arith.index_cast %get3A_670 : i32 to index
    %get3A_672 = arith.constant 1056 : index
    %get3A_673 = tpu.vector_load %arg9[%get3A_671, %get3A_672] {strides = array<i32>} : memref<8x1280xf32, #tpu.memory_space<vmem>>, vector<1x16xf32>,
    %get3A_674 = vector.shape_cast %get3A_673 : vector<1x16xf32> to vector<16xf32>
    %mul3A_675 = arith.mulf %get3A_2, %get3A_674 : vector<16xf32>
    %swap3A_676 = arith.constant 1056 : index
    %swap3A_677 = tpu.vector_load %arg10[%swap3A_676] {strides = array<i32>} : memref<2560xf32, #tpu.memory_space<vmem>>, vector<16xf32>,
    %swap3A_678 = vector.shape_cast %swap3A_677 : vector<16xf32> to vector<16xf32>
    %swap3A_679 = vector.shape_cast %mul3A_675 : vector<16xf32> to vector<16xf32>
    tpu.vector_store %arg10[%swap3A_676], %swap3A_679 {strides = array<i32>} : memref<2560xf32, #tpu.memory_space<vmem>>, vector<16xf32>,
    %get3A_680 = arith.constant 0 : i32
    %get3A_681 = arith.index_cast %get3A_680 : i32 to index
    %get3A_682 = arith.constant 1072 : index
    %get3A_683 = tpu.vector_load %arg9[%get3A_681, %get3A_682] {strides = array<i32>} : memref<8x1280xf32, #tpu.memory_space<vmem>>, vector<1x16xf32>,
    %get3A_684 = vector.shape_cast %get3A_683 : vector<1x16xf32> to vector<16xf32>
    %mul3A_685 = arith.mulf %get3A_2, %get3A_684 : vector<16xf32>
    %swap3A_686 = arith.constant 1072 : index
    %swap3A_687 = tpu.vector_load %arg10[%swap3A_686] {strides = array<i32>} : memref<2560xf32, #tpu.memory_space<vmem>>, vector<16xf32>,
    %swap3A_688 = vector.shape_cast %swap3A_687 : vector<16xf32> to vector<16xf32>
    %swap3A_689 = vector.shape_cast %mul3A_685 : vector<16xf32> to vector<16xf32>
    tpu.vector_store %arg10[%swap3A_686], %swap3A_689 {strides = array<i32>} : memref<2560xf32, #tpu.memory_space<vmem>>, vector<16xf32>,
    %get3A_690 = arith.constant 0 : i32
    %get3A_691 = arith.index_cast %get3A_690 : i32 to index
    %get3A_692 = arith.constant 1088 : index
    %get3A_693 = tpu.vector_load %arg9[%get3A_691, %get3A_692] {strides = array<i32>} : memref<8x1280xf32, #tpu.memory_space<vmem>>, vector<1x16xf32>,
    %get3A_694 = vector.shape_cast %get3A_693 : vector<1x16xf32> to vector<16xf32>
    %mul3A_695 = arith.mulf %get3A_2, %get3A_694 : vector<16xf32>
    %swap3A_696 = arith.constant 1088 : index
    %swap3A_697 = tpu.vector_load %arg10[%swap3A_696] {strides = array<i32>} : memref<2560xf32, #tpu.memory_space<vmem>>, vector<16xf32>,
    %swap3A_698 = vector.shape_cast %swap3A_697 : vector<16xf32> to vector<16xf32>
    %swap3A_699 = vector.shape_cast %mul3A_695 : vector<16xf32> to vector<16xf32>
    tpu.vector_store %arg10[%swap3A_696], %swap3A_699 {strides = array<i32>} : memref<2560xf32, #tpu.memory_space<vmem>>, vector<16xf32>,
    %get3A_700 = arith.constant 0 : i32
    %get3A_701 = arith.index_cast %get3A_700 : i32 to index
    %get3A_702 = arith.constant 1104 : index
    %get3A_703 = tpu.vector_load %arg9[%get3A_701, %get3A_702] {strides = array<i32>} : memref<8x1280xf32, #tpu.memory_space<vmem>>, vector<1x16xf32>,
    %get3A_704 = vector.shape_cast %get3A_703 : vector<1x16xf32> to vector<16xf32>
    %mul3A_705 = arith.mulf %get3A_2, %get3A_704 : vector<16xf32>
    %swap3A_706 = arith.constant 1104 : index
    %swap3A_707 = tpu.vector_load %arg10[%swap3A_706] {strides = array<i32>} : memref<2560xf32, #tpu.memory_space<vmem>>, vector<16xf32>,
    %swap3A_708 = vector.shape_cast %swap3A_707 : vector<16xf32> to vector<16xf32>
    %swap3A_709 = vector.shape_cast %mul3A_705 : vector<16xf32> to vector<16xf32>
    tpu.vector_store %arg10[%swap3A_706], %swap3A_709 {strides = array<i32>} : memref<2560xf32, #tpu.memory_space<vmem>>, vector<16xf32>,
    %get3A_710 = arith.constant 0 : i32
    %get3A_711 = arith.index_cast %get3A_710 : i32 to index
    %get3A_712 = arith.constant 1120 : index
    %get3A_713 = tpu.vector_load %arg9[%get3A_711, %get3A_712] {strides = array<i32>} : memref<8x1280xf32, #tpu.memory_space<vmem>>, vector<1x16xf32>,
    %get3A_714 = vector.shape_cast %get3A_713 : vector<1x16xf32> to vector<16xf32>
    %mul3A_715 = arith.mulf %get3A_2, %get3A_714 : vector<16xf32>
    %swap3A_716 = arith.constant 1120 : index
    %swap3A_717 = tpu.vector_load %arg10[%swap3A_716] {strides = array<i32>} : memref<2560xf32, #tpu.memory_space<vmem>>, vector<16xf32>,
    %swap3A_718 = vector.shape_cast %swap3A_717 : vector<16xf32> to vector<16xf32>
    %swap3A_719 = vector.shape_cast %mul3A_715 : vector<16xf32> to vector<16xf32>
    tpu.vector_store %arg10[%swap3A_716], %swap3A_719 {strides = array<i32>} : memref<2560xf32, #tpu.memory_space<vmem>>, vector<16xf32>,
    %get3A_720 = arith.constant 0 : i32
    %get3A_721 = arith.index_cast %get3A_720 : i32 to index
    %get3A_722 = arith.constant 1136 : index
    %get3A_723 = tpu.vector_load %arg9[%get3A_721, %get3A_722] {strides = array<i32>} : memref<8x1280xf32, #tpu.memory_space<vmem>>, vector<1x16xf32>,
    %get3A_724 = vector.shape_cast %get3A_723 : vector<1x16xf32> to vector<16xf32>
    %mul3A_725 = arith.mulf %get3A_2, %get3A_724 : vector<16xf32>
    %swap3A_726 = arith.constant 1136 : index
    %swap3A_727 = tpu.vector_load %arg10[%swap3A_726] {strides = array<i32>} : memref<2560xf32, #tpu.memory_space<vmem>>, vector<16xf32>,
    %swap3A_728 = vector.shape_cast %swap3A_727 : vector<16xf32> to vector<16xf32>
    %swap3A_729 = vector.shape_cast %mul3A_725 : vector<16xf32> to vector<16xf32>
    tpu.vector_store %arg10[%swap3A_726], %swap3A_729 {strides = array<i32>} : memref<2560xf32, #tpu.memory_space<vmem>>, vector<16xf32>,
    %get3A_730 = arith.constant 0 : i32
    %get3A_731 = arith.index_cast %get3A_730 : i32 to index
    %get3A_732 = arith.constant 1152 : index
    %get3A_733 = tpu.vector_load %arg9[%get3A_731, %get3A_732] {strides = array<i32>} : memref<8x1280xf32, #tpu.memory_space<vmem>>, vector<1x16xf32>,
    %get3A_734 = vector.shape_cast %get3A_733 : vector<1x16xf32> to vector<16xf32>
    %mul3A_735 = arith.mulf %get3A_2, %get3A_734 : vector<16xf32>
    %swap3A_736 = arith.constant 1152 : index
    %swap3A_737 = tpu.vector_load %arg10[%swap3A_736] {strides = array<i32>} : memref<2560xf32, #tpu.memory_space<vmem>>, vector<16xf32>,
    %swap3A_738 = vector.shape_cast %swap3A_737 : vector<16xf32> to vector<16xf32>
    %swap3A_739 = vector.shape_cast %mul3A_735 : vector<16xf32> to vector<16xf32>
    tpu.vector_store %arg10[%swap3A_736], %swap3A_739 {strides = array<i32>} : memref<2560xf32, #tpu.memory_space<vmem>>, vector<16xf32>,
    %get3A_740 = arith.constant 0 : i32
    %get3A_741 = arith.index_cast %get3A_740 : i32 to index
    %get3A_742 = arith.constant 1168 : index
    %get3A_743 = tpu.vector_load %arg9[%get3A_741, %get3A_742] {strides = array<i32>} : memref<8x1280xf32, #tpu.memory_space<vmem>>, vector<1x16xf32>,
    %get3A_744 = vector.shape_cast %get3A_743 : vector<1x16xf32> to vector<16xf32>
    %mul3A_745 = arith.mulf %get3A_2, %get3A_744 : vector<16xf32>
    %swap3A_746 = arith.constant 1168 : index
    %swap3A_747 = tpu.vector_load %arg10[%swap3A_746] {strides = array<i32>} : memref<2560xf32, #tpu.memory_space<vmem>>, vector<16xf32>,
    %swap3A_748 = vector.shape_cast %swap3A_747 : vector<16xf32> to vector<16xf32>
    %swap3A_749 = vector.shape_cast %mul3A_745 : vector<16xf32> to vector<16xf32>
    tpu.vector_store %arg10[%swap3A_746], %swap3A_749 {strides = array<i32>} : memref<2560xf32, #tpu.memory_space<vmem>>, vector<16xf32>,
    %get3A_750 = arith.constant 0 : i32
    %get3A_751 = arith.index_cast %get3A_750 : i32 to index
    %get3A_752 = arith.constant 1184 : index
    %get3A_753 = tpu.vector_load %arg9[%get3A_751, %get3A_752] {strides = array<i32>} : memref<8x1280xf32, #tpu.memory_space<vmem>>, vector<1x16xf32>,
    %get3A_754 = vector.shape_cast %get3A_753 : vector<1x16xf32> to vector<16xf32>
    %mul3A_755 = arith.mulf %get3A_2, %get3A_754 : vector<16xf32>
    %swap3A_756 = arith.constant 1184 : index
    %swap3A_757 = tpu.vector_load %arg10[%swap3A_756] {strides = array<i32>} : memref<2560xf32, #tpu.memory_space<vmem>>, vector<16xf32>,
    %swap3A_758 = vector.shape_cast %swap3A_757 : vector<16xf32> to vector<16xf32>
    %swap3A_759 = vector.shape_cast %mul3A_755 : vector<16xf32> to vector<16xf32>
    tpu.vector_store %arg10[%swap3A_756], %swap3A_759 {strides = array<i32>} : memref<2560xf32, #tpu.memory_space<vmem>>, vector<16xf32>,
    %get3A_760 = arith.constant 0 : i32
    %get3A_761 = arith.index_cast %get3A_760 : i32 to index
    %get3A_762 = arith.constant 1200 : index
    %get3A_763 = tpu.vector_load %arg9[%get3A_761, %get3A_762] {strides = array<i32>} : memref<8x1280xf32, #tpu.memory_space<vmem>>, vector<1x16xf32>,
    %get3A_764 = vector.shape_cast %get3A_763 : vector<1x16xf32> to vector<16xf32>
    %mul3A_765 = arith.mulf %get3A_2, %get3A_764 : vector<16xf32>
    %swap3A_766 = arith.constant 1200 : index
    %swap3A_767 = tpu.vector_load %arg10[%swap3A_766] {strides = array<i32>} : memref<2560xf32, #tpu.memory_space<vmem>>, vector<16xf32>,
    %swap3A_768 = vector.shape_cast %swap3A_767 : vector<16xf32> to vector<16xf32>
    %swap3A_769 = vector.shape_cast %mul3A_765 : vector<16xf32> to vector<16xf32>
    tpu.vector_store %arg10[%swap3A_766], %swap3A_769 {strides = array<i32>} : memref<2560xf32, #tpu.memory_space<vmem>>, vector<16xf32>,
    %get3A_770 = arith.constant 0 : i32
    %get3A_771 = arith.index_cast %get3A_770 : i32 to index
    %get3A_772 = arith.constant 1216 : index
    %get3A_773 = tpu.vector_load %arg9[%get3A_771, %get3A_772] {strides = array<i32>} : memref<8x1280xf32, #tpu.memory_space<vmem>>, vector<1x16xf32>,
    %get3A_774 = vector.shape_cast %get3A_773 : vector<1x16xf32> to vector<16xf32>
    %mul3A_775 = arith.mulf %get3A_2, %get3A_774 : vector<16xf32>
    %swap3A_776 = arith.constant 1216 : index
    %swap3A_777 = tpu.vector_load %arg10[%swap3A_776] {strides = array<i32>} : memref<2560xf32, #tpu.memory_space<vmem>>, vector<16xf32>,
    %swap3A_778 = vector.shape_cast %swap3A_777 : vector<16xf32> to vector<16xf32>
    %swap3A_779 = vector.shape_cast %mul3A_775 : vector<16xf32> to vector<16xf32>
    tpu.vector_store %arg10[%swap3A_776], %swap3A_779 {strides = array<i32>} : memref<2560xf32, #tpu.memory_space<vmem>>, vector<16xf32>,
    %get3A_780 = arith.constant 0 : i32
    %get3A_781 = arith.index_cast %get3A_780 : i32 to index
    %get3A_782 = arith.constant 1232 : index
    %get3A_783 = tpu.vector_load %arg9[%get3A_781, %get3A_782] {strides = array<i32>} : memref<8x1280xf32, #tpu.memory_space<vmem>>, vector<1x16xf32>,
    %get3A_784 = vector.shape_cast %get3A_783 : vector<1x16xf32> to vector<16xf32>
    %mul3A_785 = arith.mulf %get3A_2, %get3A_784 : vector<16xf32>
    %swap3A_786 = arith.constant 1232 : index
    %swap3A_787 = tpu.vector_load %arg10[%swap3A_786] {strides = array<i32>} : memref<2560xf32, #tpu.memory_space<vmem>>, vector<16xf32>,
    %swap3A_788 = vector.shape_cast %swap3A_787 : vector<16xf32> to vector<16xf32>
    %swap3A_789 = vector.shape_cast %mul3A_785 : vector<16xf32> to vector<16xf32>
    tpu.vector_store %arg10[%swap3A_786], %swap3A_789 {strides = array<i32>} : memref<2560xf32, #tpu.memory_space<vmem>>, vector<16xf32>,
    %get3A_790 = arith.constant 0 : i32
    %get3A_791 = arith.index_cast %get3A_790 : i32 to index
    %get3A_792 = arith.constant 1248 : index
    %get3A_793 = tpu.vector_load %arg9[%get3A_791, %get3A_792] {strides = array<i32>} : memref<8x1280xf32, #tpu.memory_space<vmem>>, vector<1x16xf32>,
    %get3A_794 = vector.shape_cast %get3A_793 : vector<1x16xf32> to vector<16xf32>
    %mul3A_795 = arith.mulf %get3A_2, %get3A_794 : vector<16xf32>
    %swap3A_796 = arith.constant 1248 : index
    %swap3A_797 = tpu.vector_load %arg10[%swap3A_796] {strides = array<i32>} : memref<2560xf32, #tpu.memory_space<vmem>>, vector<16xf32>,
    %swap3A_798 = vector.shape_cast %swap3A_797 : vector<16xf32> to vector<16xf32>
    %swap3A_799 = vector.shape_cast %mul3A_795 : vector<16xf32> to vector<16xf32>
    tpu.vector_store %arg10[%swap3A_796], %swap3A_799 {strides = array<i32>} : memref<2560xf32, #tpu.memory_space<vmem>>, vector<16xf32>,
    %get3A_800 = arith.constant 0 : i32
    %get3A_801 = arith.index_cast %get3A_800 : i32 to index
    %get3A_802 = arith.constant 1264 : index
    %get3A_803 = tpu.vector_load %arg9[%get3A_801, %get3A_802] {strides = array<i32>} : memref<8x1280xf32, #tpu.memory_space<vmem>>, vector<1x16xf32>,
    %get3A_804 = vector.shape_cast %get3A_803 : vector<1x16xf32> to vector<16xf32>
    %mul3A_805 = arith.mulf %get3A_2, %get3A_804 : vector<16xf32>
    %swap3A_806 = arith.constant 1264 : index
    %swap3A_807 = tpu.vector_load %arg10[%swap3A_806] {strides = array<i32>} : memref<2560xf32, #tpu.memory_space<vmem>>, vector<16xf32>,
    %swap3A_808 = vector.shape_cast %swap3A_807 : vector<16xf32> to vector<16xf32>
    %swap3A_809 = vector.shape_cast %mul3A_805 : vector<16xf32> to vector<16xf32>
    tpu.vector_store %arg10[%swap3A_806], %swap3A_809 {strides = array<i32>} : memref<2560xf32, #tpu.memory_space<vmem>>, vector<16xf32>,
    %get3A_810 = arith.constant 1 : i32
    %get3A_811 = arith.index_cast %get3A_810 : i32 to index
    %get3A_812 = arith.constant 0 : index
    %get3A_813 = tpu.vector_load %arg9[%get3A_811, %get3A_812] {strides = array<i32>} : memref<8x1280xf32, #tpu.memory_space<vmem>>, vector<1x16xf32>,
    %get3A_814 = vector.shape_cast %get3A_813 : vector<1x16xf32> to vector<16xf32>
    %mul3A_815 = arith.mulf %get3A_2, %get3A_814 : vector<16xf32>
    %swap3A_816 = arith.constant 1280 : index
    %swap3A_817 = tpu.vector_load %arg10[%swap3A_816] {strides = array<i32>} : memref<2560xf32, #tpu.memory_space<vmem>>, vector<16xf32>,
    %swap3A_818 = vector.shape_cast %swap3A_817 : vector<16xf32> to vector<16xf32>
    %swap3A_819 = vector.shape_cast %mul3A_815 : vector<16xf32> to vector<16xf32>
    tpu.vector_store %arg10[%swap3A_816], %swap3A_819 {strides = array<i32>} : memref<2560xf32, #tpu.memory_space<vmem>>, vector<16xf32>,
    %get3A_820 = arith.constant 1 : i32
    %get3A_821 = arith.index_cast %get3A_820 : i32 to index
    %get3A_822 = arith.constant 16 : index
    %get3A_823 = tpu.vector_load %arg9[%get3A_821, %get3A_822] {strides = array<i32>} : memref<8x1280xf32, #tpu.memory_space<vmem>>, vector<1x16xf32>,
    %get3A_824 = vector.shape_cast %get3A_823 : vector<1x16xf32> to vector<16xf32>
    %mul3A_825 = arith.mulf %get3A_2, %get3A_824 : vector<16xf32>
    %swap3A_826 = arith.constant 1296 : index
    %swap3A_827 = tpu.vector_load %arg10[%swap3A_826] {strides = array<i32>} : memref<2560xf32, #tpu.memory_space<vmem>>, vector<16xf32>,
    %swap3A_828 = vector.shape_cast %swap3A_827 : vector<16xf32> to vector<16xf32>
    %swap3A_829 = vector.shape_cast %mul3A_825 : vector<16xf32> to vector<16xf32>
    tpu.vector_store %arg10[%swap3A_826], %swap3A_829 {strides = array<i32>} : memref<2560xf32, #tpu.memory_space<vmem>>, vector<16xf32>,
    %get3A_830 = arith.constant 1 : i32
    %get3A_831 = arith.index_cast %get3A_830 : i32 to index
    %get3A_832 = arith.constant 32 : index
    %get3A_833 = tpu.vector_load %arg9[%get3A_831, %get3A_832] {strides = array<i32>} : memref<8x1280xf32, #tpu.memory_space<vmem>>, vector<1x16xf32>,
    %get3A_834 = vector.shape_cast %get3A_833 : vector<1x16xf32> to vector<16xf32>
    %mul3A_835 = arith.mulf %get3A_2, %get3A_834 : vector<16xf32>
    %swap3A_836 = arith.constant 1312 : index
    %swap3A_837 = tpu.vector_load %arg10[%swap3A_836] {strides = array<i32>} : memref<2560xf32, #tpu.memory_space<vmem>>, vector<16xf32>,
    %swap3A_838 = vector.shape_cast %swap3A_837 : vector<16xf32> to vector<16xf32>
    %swap3A_839 = vector.shape_cast %mul3A_835 : vector<16xf32> to vector<16xf32>
    tpu.vector_store %arg10[%swap3A_836], %swap3A_839 {strides = array<i32>} : memref<2560xf32, #tpu.memory_space<vmem>>, vector<16xf32>,
    %get3A_840 = arith.constant 1 : i32
    %get3A_841 = arith.index_cast %get3A_840 : i32 to index
    %get3A_842 = arith.constant 48 : index
    %get3A_843 = tpu.vector_load %arg9[%get3A_841, %get3A_842] {strides = array<i32>} : memref<8x1280xf32, #tpu.memory_space<vmem>>, vector<1x16xf32>,
    %get3A_844 = vector.shape_cast %get3A_843 : vector<1x16xf32> to vector<16xf32>
    %mul3A_845 = arith.mulf %get3A_2, %get3A_844 : vector<16xf32>
    %swap3A_846 = arith.constant 1328 : index
    %swap3A_847 = tpu.vector_load %arg10[%swap3A_846] {strides = array<i32>} : memref<2560xf32, #tpu.memory_space<vmem>>, vector<16xf32>,
    %swap3A_848 = vector.shape_cast %swap3A_847 : vector<16xf32> to vector<16xf32>
    %swap3A_849 = vector.shape_cast %mul3A_845 : vector<16xf32> to vector<16xf32>
    tpu.vector_store %arg10[%swap3A_846], %swap3A_849 {strides = array<i32>} : memref<2560xf32, #tpu.memory_space<vmem>>, vector<16xf32>,
    %get3A_850 = arith.constant 1 : i32
    %get3A_851 = arith.index_cast %get3A_850 : i32 to index
    %get3A_852 = arith.constant 64 : index
    %get3A_853 = tpu.vector_load %arg9[%get3A_851, %get3A_852] {strides = array<i32>} : memref<8x1280xf32, #tpu.memory_space<vmem>>, vector<1x16xf32>,
    %get3A_854 = vector.shape_cast %get3A_853 : vector<1x16xf32> to vector<16xf32>
    %mul3A_855 = arith.mulf %get3A_2, %get3A_854 : vector<16xf32>
    %swap3A_856 = arith.constant 1344 : index
    %swap3A_857 = tpu.vector_load %arg10[%swap3A_856] {strides = array<i32>} : memref<2560xf32, #tpu.memory_space<vmem>>, vector<16xf32>,
    %swap3A_858 = vector.shape_cast %swap3A_857 : vector<16xf32> to vector<16xf32>
    %swap3A_859 = vector.shape_cast %mul3A_855 : vector<16xf32> to vector<16xf32>
    tpu.vector_store %arg10[%swap3A_856], %swap3A_859 {strides = array<i32>} : memref<2560xf32, #tpu.memory_space<vmem>>, vector<16xf32>,
    %get3A_860 = arith.constant 1 : i32
    %get3A_861 = arith.index_cast %get3A_860 : i32 to index
    %get3A_862 = arith.constant 80 : index
    %get3A_863 = tpu.vector_load %arg9[%get3A_861, %get3A_862] {strides = array<i32>} : memref<8x1280xf32, #tpu.memory_space<vmem>>, vector<1x16xf32>,
    %get3A_864 = vector.shape_cast %get3A_863 : vector<1x16xf32> to vector<16xf32>
    %mul3A_865 = arith.mulf %get3A_2, %get3A_864 : vector<16xf32>
    %swap3A_866 = arith.constant 1360 : index
    %swap3A_867 = tpu.vector_load %arg10[%swap3A_866] {strides = array<i32>} : memref<2560xf32, #tpu.memory_space<vmem>>, vector<16xf32>,
    %swap3A_868 = vector.shape_cast %swap3A_867 : vector<16xf32> to vector<16xf32>
    %swap3A_869 = vector.shape_cast %mul3A_865 : vector<16xf32> to vector<16xf32>
    tpu.vector_store %arg10[%swap3A_866], %swap3A_869 {strides = array<i32>} : memref<2560xf32, #tpu.memory_space<vmem>>, vector<16xf32>,
    %get3A_870 = arith.constant 1 : i32
    %get3A_871 = arith.index_cast %get3A_870 : i32 to index
    %get3A_872 = arith.constant 96 : index
    %get3A_873 = tpu.vector_load %arg9[%get3A_871, %get3A_872] {strides = array<i32>} : memref<8x1280xf32, #tpu.memory_space<vmem>>, vector<1x16xf32>,
    %get3A_874 = vector.shape_cast %get3A_873 : vector<1x16xf32> to vector<16xf32>
    %mul3A_875 = arith.mulf %get3A_2, %get3A_874 : vector<16xf32>
    %swap3A_876 = arith.constant 1376 : index
    %swap3A_877 = tpu.vector_load %arg10[%swap3A_876] {strides = array<i32>} : memref<2560xf32, #tpu.memory_space<vmem>>, vector<16xf32>,
    %swap3A_878 = vector.shape_cast %swap3A_877 : vector<16xf32> to vector<16xf32>
    %swap3A_879 = vector.shape_cast %mul3A_875 : vector<16xf32> to vector<16xf32>
    tpu.vector_store %arg10[%swap3A_876], %swap3A_879 {strides = array<i32>} : memref<2560xf32, #tpu.memory_space<vmem>>, vector<16xf32>,
    %get3A_880 = arith.constant 1 : i32
    %get3A_881 = arith.index_cast %get3A_880 : i32 to index
    %get3A_882 = arith.constant 112 : index
    %get3A_883 = tpu.vector_load %arg9[%get3A_881, %get3A_882] {strides = array<i32>} : memref<8x1280xf32, #tpu.memory_space<vmem>>, vector<1x16xf32>,
    %get3A_884 = vector.shape_cast %get3A_883 : vector<1x16xf32> to vector<16xf32>
    %mul3A_885 = arith.mulf %get3A_2, %get3A_884 : vector<16xf32>
    %swap3A_886 = arith.constant 1392 : index
    %swap3A_887 = tpu.vector_load %arg10[%swap3A_886] {strides = array<i32>} : memref<2560xf32, #tpu.memory_space<vmem>>, vector<16xf32>,
    %swap3A_888 = vector.shape_cast %swap3A_887 : vector<16xf32> to vector<16xf32>
    %swap3A_889 = vector.shape_cast %mul3A_885 : vector<16xf32> to vector<16xf32>
    tpu.vector_store %arg10[%swap3A_886], %swap3A_889 {strides = array<i32>} : memref<2560xf32, #tpu.memory_space<vmem>>, vector<16xf32>,
    %get3A_890 = arith.constant 1 : i32
    %get3A_891 = arith.index_cast %get3A_890 : i32 to index
    %get3A_892 = arith.constant 128 : index
    %get3A_893 = tpu.vector_load %arg9[%get3A_891, %get3A_892] {strides = array<i32>} : memref<8x1280xf32, #tpu.memory_space<vmem>>, vector<1x16xf32>,
    %get3A_894 = vector.shape_cast %get3A_893 : vector<1x16xf32> to vector<16xf32>
    %mul3A_895 = arith.mulf %get3A_2, %get3A_894 : vector<16xf32>
    %swap3A_896 = arith.constant 1408 : index
    %swap3A_897 = tpu.vector_load %arg10[%swap3A_896] {strides = array<i32>} : memref<2560xf32, #tpu.memory_space<vmem>>, vector<16xf32>,
    %swap3A_898 = vector.shape_cast %swap3A_897 : vector<16xf32> to vector<16xf32>
    %swap3A_899 = vector.shape_cast %mul3A_895 : vector<16xf32> to vector<16xf32>
    tpu.vector_store %arg10[%swap3A_896], %swap3A_899 {strides = array<i32>} : memref<2560xf32, #tpu.memory_space<vmem>>, vector<16xf32>,
    %get3A_900 = arith.constant 1 : i32
    %get3A_901 = arith.index_cast %get3A_900 : i32 to index
    %get3A_902 = arith.constant 144 : index
    %get3A_903 = tpu.vector_load %arg9[%get3A_901, %get3A_902] {strides = array<i32>} : memref<8x1280xf32, #tpu.memory_space<vmem>>, vector<1x16xf32>,
    %get3A_904 = vector.shape_cast %get3A_903 : vector<1x16xf32> to vector<16xf32>
    %mul3A_905 = arith.mulf %get3A_2, %get3A_904 : vector<16xf32>
    %swap3A_906 = arith.constant 1424 : index
    %swap3A_907 = tpu.vector_load %arg10[%swap3A_906] {strides = array<i32>} : memref<2560xf32, #tpu.memory_space<vmem>>, vector<16xf32>,
    %swap3A_908 = vector.shape_cast %swap3A_907 : vector<16xf32> to vector<16xf32>
    %swap3A_909 = vector.shape_cast %mul3A_905 : vector<16xf32> to vector<16xf32>
    tpu.vector_store %arg10[%swap3A_906], %swap3A_909 {strides = array<i32>} : memref<2560xf32, #tpu.memory_space<vmem>>, vector<16xf32>,
    %get3A_910 = arith.constant 1 : i32
    %get3A_911 = arith.index_cast %get3A_910 : i32 to index
    %get3A_912 = arith.constant 160 : index
    %get3A_913 = tpu.vector_load %arg9[%get3A_911, %get3A_912] {strides = array<i32>} : memref<8x1280xf32, #tpu.memory_space<vmem>>, vector<1x16xf32>,
    %get3A_914 = vector.shape_cast %get3A_913 : vector<1x16xf32> to vector<16xf32>
    %mul3A_915 = arith.mulf %get3A_2, %get3A_914 : vector<16xf32>
    %swap3A_916 = arith.constant 1440 : index
    %swap3A_917 = tpu.vector_load %arg10[%swap3A_916] {strides = array<i32>} : memref<2560xf32, #tpu.memory_space<vmem>>, vector<16xf32>,
    %swap3A_918 = vector.shape_cast %swap3A_917 : vector<16xf32> to vector<16xf32>
    %swap3A_919 = vector.shape_cast %mul3A_915 : vector<16xf32> to vector<16xf32>
    tpu.vector_store %arg10[%swap3A_916], %swap3A_919 {strides = array<i32>} : memref<2560xf32, #tpu.memory_space<vmem>>, vector<16xf32>,
    %get3A_920 = arith.constant 1 : i32
    %get3A_921 = arith.index_cast %get3A_920 : i32 to index
    %get3A_922 = arith.constant 176 : index
    %get3A_923 = tpu.vector_load %arg9[%get3A_921, %get3A_922] {strides = array<i32>} : memref<8x1280xf32, #tpu.memory_space<vmem>>, vector<1x16xf32>,
    %get3A_924 = vector.shape_cast %get3A_923 : vector<1x16xf32> to vector<16xf32>
    %mul3A_925 = arith.mulf %get3A_2, %get3A_924 : vector<16xf32>
    %swap3A_926 = arith.constant 1456 : index
    %swap3A_927 = tpu.vector_load %arg10[%swap3A_926] {strides = array<i32>} : memref<2560xf32, #tpu.memory_space<vmem>>, vector<16xf32>,
    %swap3A_928 = vector.shape_cast %swap3A_927 : vector<16xf32> to vector<16xf32>
    %swap3A_929 = vector.shape_cast %mul3A_925 : vector<16xf32> to vector<16xf32>
    tpu.vector_store %arg10[%swap3A_926], %swap3A_929 {strides = array<i32>} : memref<2560xf32, #tpu.memory_space<vmem>>, vector<16xf32>,
    %get3A_930 = arith.constant 1 : i32
    %get3A_931 = arith.index_cast %get3A_930 : i32 to index
    %get3A_932 = arith.constant 192 : index
    %get3A_933 = tpu.vector_load %arg9[%get3A_931, %get3A_932] {strides = array<i32>} : memref<8x1280xf32, #tpu.memory_space<vmem>>, vector<1x16xf32>,
    %get3A_934 = vector.shape_cast %get3A_933 : vector<1x16xf32> to vector<16xf32>
    %mul3A_935 = arith.mulf %get3A_2, %get3A_934 : vector<16xf32>
    %swap3A_936 = arith.constant 1472 : index
    %swap3A_937 = tpu.vector_load %arg10[%swap3A_936] {strides = array<i32>} : memref<2560xf32, #tpu.memory_space<vmem>>, vector<16xf32>,
    %swap3A_938 = vector.shape_cast %swap3A_937 : vector<16xf32> to vector<16xf32>
    %swap3A_939 = vector.shape_cast %mul3A_935 : vector<16xf32> to vector<16xf32>
    tpu.vector_store %arg10[%swap3A_936], %swap3A_939 {strides = array<i32>} : memref<2560xf32, #tpu.memory_space<vmem>>, vector<16xf32>,
    %get3A_940 = arith.constant 1 : i32
    %get3A_941 = arith.index_cast %get3A_940 : i32 to index
    %get3A_942 = arith.constant 208 : index
    %get3A_943 = tpu.vector_load %arg9[%get3A_941, %get3A_942] {strides = array<i32>} : memref<8x1280xf32, #tpu.memory_space<vmem>>, vector<1x16xf32>,
    %get3A_944 = vector.shape_cast %get3A_943 : vector<1x16xf32> to vector<16xf32>
    %mul3A_945 = arith.mulf %get3A_2, %get3A_944 : vector<16xf32>
    %swap3A_946 = arith.constant 1488 : index
    %swap3A_947 = tpu.vector_load %arg10[%swap3A_946] {strides = array<i32>} : memref<2560xf32, #tpu.memory_space<vmem>>, vector<16xf32>,
    %swap3A_948 = vector.shape_cast %swap3A_947 : vector<16xf32> to vector<16xf32>
    %swap3A_949 = vector.shape_cast %mul3A_945 : vector<16xf32> to vector<16xf32>
    tpu.vector_store %arg10[%swap3A_946], %swap3A_949 {strides = array<i32>} : memref<2560xf32, #tpu.memory_space<vmem>>, vector<16xf32>,
    %get3A_950 = arith.constant 1 : i32
    %get3A_951 = arith.index_cast %get3A_950 : i32 to index
    %get3A_952 = arith.constant 224 : index
    %get3A_953 = tpu.vector_load %arg9[%get3A_951, %get3A_952] {strides = array<i32>} : memref<8x1280xf32, #tpu.memory_space<vmem>>, vector<1x16xf32>,
    %get3A_954 = vector.shape_cast %get3A_953 : vector<1x16xf32> to vector<16xf32>
    %mul3A_955 = arith.mulf %get3A_2, %get3A_954 : vector<16xf32>
    %swap3A_956 = arith.constant 1504 : index
    %swap3A_957 = tpu.vector_load %arg10[%swap3A_956] {strides = array<i32>} : memref<2560xf32, #tpu.memory_space<vmem>>, vector<16xf32>,
    %swap3A_958 = vector.shape_cast %swap3A_957 : vector<16xf32> to vector<16xf32>
    %swap3A_959 = vector.shape_cast %mul3A_955 : vector<16xf32> to vector<16xf32>
    tpu.vector_store %arg10[%swap3A_956], %swap3A_959 {strides = array<i32>} : memref<2560xf32, #tpu.memory_space<vmem>>, vector<16xf32>,
    %get3A_960 = arith.constant 1 : i32
    %get3A_961 = arith.index_cast %get3A_960 : i32 to index
    %get3A_962 = arith.constant 240 : index
    %get3A_963 = tpu.vector_load %arg9[%get3A_961, %get3A_962] {strides = array<i32>} : memref<8x1280xf32, #tpu.memory_space<vmem>>, vector<1x16xf32>,
    %get3A_964 = vector.shape_cast %get3A_963 : vector<1x16xf32> to vector<16xf32>
    %mul3A_965 = arith.mulf %get3A_2, %get3A_964 : vector<16xf32>
    %swap3A_966 = arith.constant 1520 : index
    %swap3A_967 = tpu.vector_load %arg10[%swap3A_966] {strides = array<i32>} : memref<2560xf32, #tpu.memory_space<vmem>>, vector<16xf32>,
    %swap3A_968 = vector.shape_cast %swap3A_967 : vector<16xf32> to vector<16xf32>
    %swap3A_969 = vector.shape_cast %mul3A_965 : vector<16xf32> to vector<16xf32>
    tpu.vector_store %arg10[%swap3A_966], %swap3A_969 {strides = array<i32>} : memref<2560xf32, #tpu.memory_space<vmem>>, vector<16xf32>,
    %get3A_970 = arith.constant 1 : i32
    %get3A_971 = arith.index_cast %get3A_970 : i32 to index
    %get3A_972 = arith.constant 256 : index
    %get3A_973 = tpu.vector_load %arg9[%get3A_971, %get3A_972] {strides = array<i32>} : memref<8x1280xf32, #tpu.memory_space<vmem>>, vector<1x16xf32>,
    %get3A_974 = vector.shape_cast %get3A_973 : vector<1x16xf32> to vector<16xf32>
    %mul3A_975 = arith.mulf %get3A_2, %get3A_974 : vector<16xf32>
    %swap3A_976 = arith.constant 1536 : index
    %swap3A_977 = tpu.vector_load %arg10[%swap3A_976] {strides = array<i32>} : memref<2560xf32, #tpu.memory_space<vmem>>, vector<16xf32>,
    %swap3A_978 = vector.shape_cast %swap3A_977 : vector<16xf32> to vector<16xf32>
    %swap3A_979 = vector.shape_cast %mul3A_975 : vector<16xf32> to vector<16xf32>
    tpu.vector_store %arg10[%swap3A_976], %swap3A_979 {strides = array<i32>} : memref<2560xf32, #tpu.memory_space<vmem>>, vector<16xf32>,
    %get3A_980 = arith.constant 1 : i32
    %get3A_981 = arith.index_cast %get3A_980 : i32 to index
    %get3A_982 = arith.constant 272 : index
    %get3A_983 = tpu.vector_load %arg9[%get3A_981, %get3A_982] {strides = array<i32>} : memref<8x1280xf32, #tpu.memory_space<vmem>>, vector<1x16xf32>,
    %get3A_984 = vector.shape_cast %get3A_983 : vector<1x16xf32> to vector<16xf32>
    %mul3A_985 = arith.mulf %get3A_2, %get3A_984 : vector<16xf32>
    %swap3A_986 = arith.constant 1552 : index
    %swap3A_987 = tpu.vector_load %arg10[%swap3A_986] {strides = array<i32>} : memref<2560xf32, #tpu.memory_space<vmem>>, vector<16xf32>,
    %swap3A_988 = vector.shape_cast %swap3A_987 : vector<16xf32> to vector<16xf32>
    %swap3A_989 = vector.shape_cast %mul3A_985 : vector<16xf32> to vector<16xf32>
    tpu.vector_store %arg10[%swap3A_986], %swap3A_989 {strides = array<i32>} : memref<2560xf32, #tpu.memory_space<vmem>>, vector<16xf32>,
    %get3A_990 = arith.constant 1 : i32
    %get3A_991 = arith.index_cast %get3A_990 : i32 to index
    %get3A_992 = arith.constant 288 : index
    %get3A_993 = tpu.vector_load %arg9[%get3A_991, %get3A_992] {strides = array<i32>} : memref<8x1280xf32, #tpu.memory_space<vmem>>, vector<1x16xf32>,
    %get3A_994 = vector.shape_cast %get3A_993 : vector<1x16xf32> to vector<16xf32>
    %mul3A_995 = arith.mulf %get3A_2, %get3A_994 : vector<16xf32>
    %swap3A_996 = arith.constant 1568 : index
    %swap3A_997 = tpu.vector_load %arg10[%swap3A_996] {strides = array<i32>} : memref<2560xf32, #tpu.memory_space<vmem>>, vector<16xf32>,
    %swap3A_998 = vector.shape_cast %swap3A_997 : vector<16xf32> to vector<16xf32>
    %swap3A_999 = vector.shape_cast %mul3A_995 : vector<16xf32> to vector<16xf32>
    tpu.vector_store %arg10[%swap3A_996], %swap3A_999 {strides = array<i32>} : memref<2560xf32, #tpu.memory_space<vmem>>, vector<16xf32>,
    %get3A_1000 = arith.constant 1 : i32
    %get3A_1001 = arith.index_cast %get3A_1000 : i32 to index
    %get3A_1002 = arith.constant 304 : index
    %get3A_1003 = tpu.vector_load %arg9[%get3A_1001, %get3A_1002] {strides = array<i32>} : memref<8x1280xf32, #tpu.memory_space<vmem>>, vector<1x16xf32>,
    %get3A_1004 = vector.shape_cast %get3A_1003 : vector<1x16xf32> to vector<16xf32>
    %mul3A_1005 = arith.mulf %get3A_2, %get3A_1004 : vector<16xf32>
    %swap3A_1006 = arith.constant 1584 : index
    %swap3A_1007 = tpu.vector_load %arg10[%swap3A_1006] {strides = array<i32>} : memref<2560xf32, #tpu.memory_space<vmem>>, vector<16xf32>,
    %swap3A_1008 = vector.shape_cast %swap3A_1007 : vector<16xf32> to vector<16xf32>
    %swap3A_1009 = vector.shape_cast %mul3A_1005 : vector<16xf32> to vector<16xf32>
    tpu.vector_store %arg10[%swap3A_1006], %swap3A_1009 {strides = array<i32>} : memref<2560xf32, #tpu.memory_space<vmem>>, vector<16xf32>,
    %get3A_1010 = arith.constant 1 : i32
    %get3A_1011 = arith.index_cast %get3A_1010 : i32 to index
    %get3A_1012 = arith.constant 320 : index
    %get3A_1013 = tpu.vector_load %arg9[%get3A_1011, %get3A_1012] {strides = array<i32>} : memref<8x1280xf32, #tpu.memory_space<vmem>>, vector<1x16xf32>,
    %get3A_1014 = vector.shape_cast %get3A_1013 : vector<1x16xf32> to vector<16xf32>
    %mul3A_1015 = arith.mulf %get3A_2, %get3A_1014 : vector<16xf32>
    %swap3A_1016 = arith.constant 1600 : index
    %swap3A_1017 = tpu.vector_load %arg10[%swap3A_1016] {strides = array<i32>} : memref<2560xf32, #tpu.memory_space<vmem>>, vector<16xf32>,
    %swap3A_1018 = vector.shape_cast %swap3A_1017 : vector<16xf32> to vector<16xf32>
    %swap3A_1019 = vector.shape_cast %mul3A_1015 : vector<16xf32> to vector<16xf32>
    tpu.vector_store %arg10[%swap3A_1016], %swap3A_1019 {strides = array<i32>} : memref<2560xf32, #tpu.memory_space<vmem>>, vector<16xf32>,
    %get3A_1020 = arith.constant 1 : i32
    %get3A_1021 = arith.index_cast %get3A_1020 : i32 to index
    %get3A_1022 = arith.constant 336 : index
    %get3A_1023 = tpu.vector_load %arg9[%get3A_1021, %get3A_1022] {strides = array<i32>} : memref<8x1280xf32, #tpu.memory_space<vmem>>, vector<1x16xf32>,
    %get3A_1024 = vector.shape_cast %get3A_1023 : vector<1x16xf32> to vector<16xf32>
    %mul3A_1025 = arith.mulf %get3A_2, %get3A_1024 : vector<16xf32>
    %swap3A_1026 = arith.constant 1616 : index
    %swap3A_1027 = tpu.vector_load %arg10[%swap3A_1026] {strides = array<i32>} : memref<2560xf32, #tpu.memory_space<vmem>>, vector<16xf32>,
    %swap3A_1028 = vector.shape_cast %swap3A_1027 : vector<16xf32> to vector<16xf32>
    %swap3A_1029 = vector.shape_cast %mul3A_1025 : vector<16xf32> to vector<16xf32>
    tpu.vector_store %arg10[%swap3A_1026], %swap3A_1029 {strides = array<i32>} : memref<2560xf32, #tpu.memory_space<vmem>>, vector<16xf32>,
    %get3A_1030 = arith.constant 1 : i32
    %get3A_1031 = arith.index_cast %get3A_1030 : i32 to index
    %get3A_1032 = arith.constant 352 : index
    %get3A_1033 = tpu.vector_load %arg9[%get3A_1031, %get3A_1032] {strides = array<i32>} : memref<8x1280xf32, #tpu.memory_space<vmem>>, vector<1x16xf32>,
    %get3A_1034 = vector.shape_cast %get3A_1033 : vector<1x16xf32> to vector<16xf32>
    %mul3A_1035 = arith.mulf %get3A_2, %get3A_1034 : vector<16xf32>
    %swap3A_1036 = arith.constant 1632 : index
    %swap3A_1037 = tpu.vector_load %arg10[%swap3A_1036] {strides = array<i32>} : memref<2560xf32, #tpu.memory_space<vmem>>, vector<16xf32>,
    %swap3A_1038 = vector.shape_cast %swap3A_1037 : vector<16xf32> to vector<16xf32>
    %swap3A_1039 = vector.shape_cast %mul3A_1035 : vector<16xf32> to vector<16xf32>
    tpu.vector_store %arg10[%swap3A_1036], %swap3A_1039 {strides = array<i32>} : memref<2560xf32, #tpu.memory_space<vmem>>, vector<16xf32>,
    %get3A_1040 = arith.constant 1 : i32
    %get3A_1041 = arith.index_cast %get3A_1040 : i32 to index
    %get3A_1042 = arith.constant 368 : index
    %get3A_1043 = tpu.vector_load %arg9[%get3A_1041, %get3A_1042] {strides = array<i32>} : memref<8x1280xf32, #tpu.memory_space<vmem>>, vector<1x16xf32>,
    %get3A_1044 = vector.shape_cast %get3A_1043 : vector<1x16xf32> to vector<16xf32>
    %mul3A_1045 = arith.mulf %get3A_2, %get3A_1044 : vector<16xf32>
    %swap3A_1046 = arith.constant 1648 : index
    %swap3A_1047 = tpu.vector_load %arg10[%swap3A_1046] {strides = array<i32>} : memref<2560xf32, #tpu.memory_space<vmem>>, vector<16xf32>,
    %swap3A_1048 = vector.shape_cast %swap3A_1047 : vector<16xf32> to vector<16xf32>
    %swap3A_1049 = vector.shape_cast %mul3A_1045 : vector<16xf32> to vector<16xf32>
    tpu.vector_store %arg10[%swap3A_1046], %swap3A_1049 {strides = array<i32>} : memref<2560xf32, #tpu.memory_space<vmem>>, vector<16xf32>,
    %get3A_1050 = arith.constant 1 : i32
    %get3A_1051 = arith.index_cast %get3A_1050 : i32 to index
    %get3A_1052 = arith.constant 384 : index
    %get3A_1053 = tpu.vector_load %arg9[%get3A_1051, %get3A_1052] {strides = array<i32>} : memref<8x1280xf32, #tpu.memory_space<vmem>>, vector<1x16xf32>,
    %get3A_1054 = vector.shape_cast %get3A_1053 : vector<1x16xf32> to vector<16xf32>
    %mul3A_1055 = arith.mulf %get3A_2, %get3A_1054 : vector<16xf32>
    %swap3A_1056 = arith.constant 1664 : index
    %swap3A_1057 = tpu.vector_load %arg10[%swap3A_1056] {strides = array<i32>} : memref<2560xf32, #tpu.memory_space<vmem>>, vector<16xf32>,
    %swap3A_1058 = vector.shape_cast %swap3A_1057 : vector<16xf32> to vector<16xf32>
    %swap3A_1059 = vector.shape_cast %mul3A_1055 : vector<16xf32> to vector<16xf32>
    tpu.vector_store %arg10[%swap3A_1056], %swap3A_1059 {strides = array<i32>} : memref<2560xf32, #tpu.memory_space<vmem>>, vector<16xf32>,
    %get3A_1060 = arith.constant 1 : i32
    %get3A_1061 = arith.index_cast %get3A_1060 : i32 to index
    %get3A_1062 = arith.constant 400 : index
    %get3A_1063 = tpu.vector_load %arg9[%get3A_1061, %get3A_1062] {strides = array<i32>} : memref<8x1280xf32, #tpu.memory_space<vmem>>, vector<1x16xf32>,
    %get3A_1064 = vector.shape_cast %get3A_1063 : vector<1x16xf32> to vector<16xf32>
    %mul3A_1065 = arith.mulf %get3A_2, %get3A_1064 : vector<16xf32>
    %swap3A_1066 = arith.constant 1680 : index
    %swap3A_1067 = tpu.vector_load %arg10[%swap3A_1066] {strides = array<i32>} : memref<2560xf32, #tpu.memory_space<vmem>>, vector<16xf32>,
    %swap3A_1068 = vector.shape_cast %swap3A_1067 : vector<16xf32> to vector<16xf32>
    %swap3A_1069 = vector.shape_cast %mul3A_1065 : vector<16xf32> to vector<16xf32>
    tpu.vector_store %arg10[%swap3A_1066], %swap3A_1069 {strides = array<i32>} : memref<2560xf32, #tpu.memory_space<vmem>>, vector<16xf32>,
    %get3A_1070 = arith.constant 1 : i32
    %get3A_1071 = arith.index_cast %get3A_1070 : i32 to index
    %get3A_1072 = arith.constant 416 : index
    %get3A_1073 = tpu.vector_load %arg9[%get3A_1071, %get3A_1072] {strides = array<i32>} : memref<8x1280xf32, #tpu.memory_space<vmem>>, vector<1x16xf32>,
    %get3A_1074 = vector.shape_cast %get3A_1073 : vector<1x16xf32> to vector<16xf32>
    %mul3A_1075 = arith.mulf %get3A_2, %get3A_1074 : vector<16xf32>
    %swap3A_1076 = arith.constant 1696 : index
    %swap3A_1077 = tpu.vector_load %arg10[%swap3A_1076] {strides = array<i32>} : memref<2560xf32, #tpu.memory_space<vmem>>, vector<16xf32>,
    %swap3A_1078 = vector.shape_cast %swap3A_1077 : vector<16xf32> to vector<16xf32>
    %swap3A_1079 = vector.shape_cast %mul3A_1075 : vector<16xf32> to vector<16xf32>
    tpu.vector_store %arg10[%swap3A_1076], %swap3A_1079 {strides = array<i32>} : memref<2560xf32, #tpu.memory_space<vmem>>, vector<16xf32>,
    %get3A_1080 = arith.constant 1 : i32
    %get3A_1081 = arith.index_cast %get3A_1080 : i32 to index
    %get3A_1082 = arith.constant 432 : index
    %get3A_1083 = tpu.vector_load %arg9[%get3A_1081, %get3A_1082] {strides = array<i32>} : memref<8x1280xf32, #tpu.memory_space<vmem>>, vector<1x16xf32>,
    %get3A_1084 = vector.shape_cast %get3A_1083 : vector<1x16xf32> to vector<16xf32>
    %mul3A_1085 = arith.mulf %get3A_2, %get3A_1084 : vector<16xf32>
    %swap3A_1086 = arith.constant 1712 : index
    %swap3A_1087 = tpu.vector_load %arg10[%swap3A_1086] {strides = array<i32>} : memref<2560xf32, #tpu.memory_space<vmem>>, vector<16xf32>,
    %swap3A_1088 = vector.shape_cast %swap3A_1087 : vector<16xf32> to vector<16xf32>
    %swap3A_1089 = vector.shape_cast %mul3A_1085 : vector<16xf32> to vector<16xf32>
    tpu.vector_store %arg10[%swap3A_1086], %swap3A_1089 {strides = array<i32>} : memref<2560xf32, #tpu.memory_space<vmem>>, vector<16xf32>,
    %get3A_1090 = arith.constant 1 : i32
    %get3A_1091 = arith.index_cast %get3A_1090 : i32 to index
    %get3A_1092 = arith.constant 448 : index
    %get3A_1093 = tpu.vector_load %arg9[%get3A_1091, %get3A_1092] {strides = array<i32>} : memref<8x1280xf32, #tpu.memory_space<vmem>>, vector<1x16xf32>,
    %get3A_1094 = vector.shape_cast %get3A_1093 : vector<1x16xf32> to vector<16xf32>
    %mul3A_1095 = arith.mulf %get3A_2, %get3A_1094 : vector<16xf32>
    %swap3A_1096 = arith.constant 1728 : index
    %swap3A_1097 = tpu.vector_load %arg10[%swap3A_1096] {strides = array<i32>} : memref<2560xf32, #tpu.memory_space<vmem>>, vector<16xf32>,
    %swap3A_1098 = vector.shape_cast %swap3A_1097 : vector<16xf32> to vector<16xf32>
    %swap3A_1099 = vector.shape_cast %mul3A_1095 : vector<16xf32> to vector<16xf32>
    tpu.vector_store %arg10[%swap3A_1096], %swap3A_1099 {strides = array<i32>} : memref<2560xf32, #tpu.memory_space<vmem>>, vector<16xf32>,
    %get3A_1100 = arith.constant 1 : i32
    %get3A_1101 = arith.index_cast %get3A_1100 : i32 to index
    %get3A_1102 = arith.constant 464 : index
    %get3A_1103 = tpu.vector_load %arg9[%get3A_1101, %get3A_1102] {strides = array<i32>} : memref<8x1280xf32, #tpu.memory_space<vmem>>, vector<1x16xf32>,
    %get3A_1104 = vector.shape_cast %get3A_1103 : vector<1x16xf32> to vector<16xf32>
    %mul3A_1105 = arith.mulf %get3A_2, %get3A_1104 : vector<16xf32>
    %swap3A_1106 = arith.constant 1744 : index
    %swap3A_1107 = tpu.vector_load %arg10[%swap3A_1106] {strides = array<i32>} : memref<2560xf32, #tpu.memory_space<vmem>>, vector<16xf32>,
    %swap3A_1108 = vector.shape_cast %swap3A_1107 : vector<16xf32> to vector<16xf32>
    %swap3A_1109 = vector.shape_cast %mul3A_1105 : vector<16xf32> to vector<16xf32>
    tpu.vector_store %arg10[%swap3A_1106], %swap3A_1109 {strides = array<i32>} : memref<2560xf32, #tpu.memory_space<vmem>>, vector<16xf32>,
    %get3A_1110 = arith.constant 1 : i32
    %get3A_1111 = arith.index_cast %get3A_1110 : i32 to index
    %get3A_1112 = arith.constant 480 : index
    %get3A_1113 = tpu.vector_load %arg9[%get3A_1111, %get3A_1112] {strides = array<i32>} : memref<8x1280xf32, #tpu.memory_space<vmem>>, vector<1x16xf32>,
    %get3A_1114 = vector.shape_cast %get3A_1113 : vector<1x16xf32> to vector<16xf32>
    %mul3A_1115 = arith.mulf %get3A_2, %get3A_1114 : vector<16xf32>
    %swap3A_1116 = arith.constant 1760 : index
    %swap3A_1117 = tpu.vector_load %arg10[%swap3A_1116] {strides = array<i32>} : memref<2560xf32, #tpu.memory_space<vmem>>, vector<16xf32>,
    %swap3A_1118 = vector.shape_cast %swap3A_1117 : vector<16xf32> to vector<16xf32>
    %swap3A_1119 = vector.shape_cast %mul3A_1115 : vector<16xf32> to vector<16xf32>
    tpu.vector_store %arg10[%swap3A_1116], %swap3A_1119 {strides = array<i32>} : memref<2560xf32, #tpu.memory_space<vmem>>, vector<16xf32>,
    %get3A_1120 = arith.constant 1 : i32
    %get3A_1121 = arith.index_cast %get3A_1120 : i32 to index
    %get3A_1122 = arith.constant 496 : index
    %get3A_1123 = tpu.vector_load %arg9[%get3A_1121, %get3A_1122] {strides = array<i32>} : memref<8x1280xf32, #tpu.memory_space<vmem>>, vector<1x16xf32>,
    %get3A_1124 = vector.shape_cast %get3A_1123 : vector<1x16xf32> to vector<16xf32>
    %mul3A_1125 = arith.mulf %get3A_2, %get3A_1124 : vector<16xf32>
    %swap3A_1126 = arith.constant 1776 : index
    %swap3A_1127 = tpu.vector_load %arg10[%swap3A_1126] {strides = array<i32>} : memref<2560xf32, #tpu.memory_space<vmem>>, vector<16xf32>,
    %swap3A_1128 = vector.shape_cast %swap3A_1127 : vector<16xf32> to vector<16xf32>
    %swap3A_1129 = vector.shape_cast %mul3A_1125 : vector<16xf32> to vector<16xf32>
    tpu.vector_store %arg10[%swap3A_1126], %swap3A_1129 {strides = array<i32>} : memref<2560xf32, #tpu.memory_space<vmem>>, vector<16xf32>,
    %get3A_1130 = arith.constant 1 : i32
    %get3A_1131 = arith.index_cast %get3A_1130 : i32 to index
    %get3A_1132 = arith.constant 512 : index
    %get3A_1133 = tpu.vector_load %arg9[%get3A_1131, %get3A_1132] {strides = array<i32>} : memref<8x1280xf32, #tpu.memory_space<vmem>>, vector<1x16xf32>,
    %get3A_1134 = vector.shape_cast %get3A_1133 : vector<1x16xf32> to vector<16xf32>
    %mul3A_1135 = arith.mulf %get3A_2, %get3A_1134 : vector<16xf32>
    %swap3A_1136 = arith.constant 1792 : index
    %swap3A_1137 = tpu.vector_load %arg10[%swap3A_1136] {strides = array<i32>} : memref<2560xf32, #tpu.memory_space<vmem>>, vector<16xf32>,
    %swap3A_1138 = vector.shape_cast %swap3A_1137 : vector<16xf32> to vector<16xf32>
    %swap3A_1139 = vector.shape_cast %mul3A_1135 : vector<16xf32> to vector<16xf32>
    tpu.vector_store %arg10[%swap3A_1136], %swap3A_1139 {strides = array<i32>} : memref<2560xf32, #tpu.memory_space<vmem>>, vector<16xf32>,
    %get3A_1140 = arith.constant 1 : i32
    %get3A_1141 = arith.index_cast %get3A_1140 : i32 to index
    %get3A_1142 = arith.constant 528 : index
    %get3A_1143 = tpu.vector_load %arg9[%get3A_1141, %get3A_1142] {strides = array<i32>} : memref<8x1280xf32, #tpu.memory_space<vmem>>, vector<1x16xf32>,
    %get3A_1144 = vector.shape_cast %get3A_1143 : vector<1x16xf32> to vector<16xf32>
    %mul3A_1145 = arith.mulf %get3A_2, %get3A_1144 : vector<16xf32>
    %swap3A_1146 = arith.constant 1808 : index
    %swap3A_1147 = tpu.vector_load %arg10[%swap3A_1146] {strides = array<i32>} : memref<2560xf32, #tpu.memory_space<vmem>>, vector<16xf32>,
    %swap3A_1148 = vector.shape_cast %swap3A_1147 : vector<16xf32> to vector<16xf32>
    %swap3A_1149 = vector.shape_cast %mul3A_1145 : vector<16xf32> to vector<16xf32>
    tpu.vector_store %arg10[%swap3A_1146], %swap3A_1149 {strides = array<i32>} : memref<2560xf32, #tpu.memory_space<vmem>>, vector<16xf32>,
    %get3A_1150 = arith.constant 1 : i32
    %get3A_1151 = arith.index_cast %get3A_1150 : i32 to index
    %get3A_1152 = arith.constant 544 : index
    %get3A_1153 = tpu.vector_load %arg9[%get3A_1151, %get3A_1152] {strides = array<i32>} : memref<8x1280xf32, #tpu.memory_space<vmem>>, vector<1x16xf32>,
    %get3A_1154 = vector.shape_cast %get3A_1153 : vector<1x16xf32> to vector<16xf32>
    %mul3A_1155 = arith.mulf %get3A_2, %get3A_1154 : vector<16xf32>
    %swap3A_1156 = arith.constant 1824 : index
    %swap3A_1157 = tpu.vector_load %arg10[%swap3A_1156] {strides = array<i32>} : memref<2560xf32, #tpu.memory_space<vmem>>, vector<16xf32>,
    %swap3A_1158 = vector.shape_cast %swap3A_1157 : vector<16xf32> to vector<16xf32>
    %swap3A_1159 = vector.shape_cast %mul3A_1155 : vector<16xf32> to vector<16xf32>
    tpu.vector_store %arg10[%swap3A_1156], %swap3A_1159 {strides = array<i32>} : memref<2560xf32, #tpu.memory_space<vmem>>, vector<16xf32>,
    %get3A_1160 = arith.constant 1 : i32
    %get3A_1161 = arith.index_cast %get3A_1160 : i32 to index
    %get3A_1162 = arith.constant 560 : index
    %get3A_1163 = tpu.vector_load %arg9[%get3A_1161, %get3A_1162] {strides = array<i32>} : memref<8x1280xf32, #tpu.memory_space<vmem>>, vector<1x16xf32>,
    %get3A_1164 = vector.shape_cast %get3A_1163 : vector<1x16xf32> to vector<16xf32>
    %mul3A_1165 = arith.mulf %get3A_2, %get3A_1164 : vector<16xf32>
    %swap3A_1166 = arith.constant 1840 : index
    %swap3A_1167 = tpu.vector_load %arg10[%swap3A_1166] {strides = array<i32>} : memref<2560xf32, #tpu.memory_space<vmem>>, vector<16xf32>,
    %swap3A_1168 = vector.shape_cast %swap3A_1167 : vector<16xf32> to vector<16xf32>
    %swap3A_1169 = vector.shape_cast %mul3A_1165 : vector<16xf32> to vector<16xf32>
    tpu.vector_store %arg10[%swap3A_1166], %swap3A_1169 {strides = array<i32>} : memref<2560xf32, #tpu.memory_space<vmem>>, vector<16xf32>,
    %get3A_1170 = arith.constant 1 : i32
    %get3A_1171 = arith.index_cast %get3A_1170 : i32 to index
    %get3A_1172 = arith.constant 576 : index
    %get3A_1173 = tpu.vector_load %arg9[%get3A_1171, %get3A_1172] {strides = array<i32>} : memref<8x1280xf32, #tpu.memory_space<vmem>>, vector<1x16xf32>,
    %get3A_1174 = vector.shape_cast %get3A_1173 : vector<1x16xf32> to vector<16xf32>
    %mul3A_1175 = arith.mulf %get3A_2, %get3A_1174 : vector<16xf32>
    %swap3A_1176 = arith.constant 1856 : index
    %swap3A_1177 = tpu.vector_load %arg10[%swap3A_1176] {strides = array<i32>} : memref<2560xf32, #tpu.memory_space<vmem>>, vector<16xf32>,
    %swap3A_1178 = vector.shape_cast %swap3A_1177 : vector<16xf32> to vector<16xf32>
    %swap3A_1179 = vector.shape_cast %mul3A_1175 : vector<16xf32> to vector<16xf32>
    tpu.vector_store %arg10[%swap3A_1176], %swap3A_1179 {strides = array<i32>} : memref<2560xf32, #tpu.memory_space<vmem>>, vector<16xf32>,
    %get3A_1180 = arith.constant 1 : i32
    %get3A_1181 = arith.index_cast %get3A_1180 : i32 to index
    %get3A_1182 = arith.constant 592 : index
    %get3A_1183 = tpu.vector_load %arg9[%get3A_1181, %get3A_1182] {strides = array<i32>} : memref<8x1280xf32, #tpu.memory_space<vmem>>, vector<1x16xf32>,
    %get3A_1184 = vector.shape_cast %get3A_1183 : vector<1x16xf32> to vector<16xf32>
    %mul3A_1185 = arith.mulf %get3A_2, %get3A_1184 : vector<16xf32>
    %swap3A_1186 = arith.constant 1872 : index
    %swap3A_1187 = tpu.vector_load %arg10[%swap3A_1186] {strides = array<i32>} : memref<2560xf32, #tpu.memory_space<vmem>>, vector<16xf32>,
    %swap3A_1188 = vector.shape_cast %swap3A_1187 : vector<16xf32> to vector<16xf32>
    %swap3A_1189 = vector.shape_cast %mul3A_1185 : vector<16xf32> to vector<16xf32>
    tpu.vector_store %arg10[%swap3A_1186], %swap3A_1189 {strides = array<i32>} : memref<2560xf32, #tpu.memory_space<vmem>>, vector<16xf32>,
    %get3A_1190 = arith.constant 1 : i32
    %get3A_1191 = arith.index_cast %get3A_1190 : i32 to index
    %get3A_1192 = arith.constant 608 : index
    %get3A_1193 = tpu.vector_load %arg9[%get3A_1191, %get3A_1192] {strides = array<i32>} : memref<8x1280xf32, #tpu.memory_space<vmem>>, vector<1x16xf32>,
    %get3A_1194 = vector.shape_cast %get3A_1193 : vector<1x16xf32> to vector<16xf32>
    %mul3A_1195 = arith.mulf %get3A_2, %get3A_1194 : vector<16xf32>
    %swap3A_1196 = arith.constant 1888 : index
    %swap3A_1197 = tpu.vector_load %arg10[%swap3A_1196] {strides = array<i32>} : memref<2560xf32, #tpu.memory_space<vmem>>, vector<16xf32>,
    %swap3A_1198 = vector.shape_cast %swap3A_1197 : vector<16xf32> to vector<16xf32>
    %swap3A_1199 = vector.shape_cast %mul3A_1195 : vector<16xf32> to vector<16xf32>
    tpu.vector_store %arg10[%swap3A_1196], %swap3A_1199 {strides = array<i32>} : memref<2560xf32, #tpu.memory_space<vmem>>, vector<16xf32>,
    %get3A_1200 = arith.constant 1 : i32
    %get3A_1201 = arith.index_cast %get3A_1200 : i32 to index
    %get3A_1202 = arith.constant 624 : index
    %get3A_1203 = tpu.vector_load %arg9[%get3A_1201, %get3A_1202] {strides = array<i32>} : memref<8x1280xf32, #tpu.memory_space<vmem>>, vector<1x16xf32>,
    %get3A_1204 = vector.shape_cast %get3A_1203 : vector<1x16xf32> to vector<16xf32>
    %mul3A_1205 = arith.mulf %get3A_2, %get3A_1204 : vector<16xf32>
    %swap3A_1206 = arith.constant 1904 : index
    %swap3A_1207 = tpu.vector_load %arg10[%swap3A_1206] {strides = array<i32>} : memref<2560xf32, #tpu.memory_space<vmem>>, vector<16xf32>,
    %swap3A_1208 = vector.shape_cast %swap3A_1207 : vector<16xf32> to vector<16xf32>
    %swap3A_1209 = vector.shape_cast %mul3A_1205 : vector<16xf32> to vector<16xf32>
    tpu.vector_store %arg10[%swap3A_1206], %swap3A_1209 {strides = array<i32>} : memref<2560xf32, #tpu.memory_space<vmem>>, vector<16xf32>,
    %get3A_1210 = arith.constant 1 : i32
    %get3A_1211 = arith.index_cast %get3A_1210 : i32 to index
    %get3A_1212 = arith.constant 640 : index
    %get3A_1213 = tpu.vector_load %arg9[%get3A_1211, %get3A_1212] {strides = array<i32>} : memref<8x1280xf32, #tpu.memory_space<vmem>>, vector<1x16xf32>,
    %get3A_1214 = vector.shape_cast %get3A_1213 : vector<1x16xf32> to vector<16xf32>
    %mul3A_1215 = arith.mulf %get3A_2, %get3A_1214 : vector<16xf32>
    %swap3A_1216 = arith.constant 1920 : index
    %swap3A_1217 = tpu.vector_load %arg10[%swap3A_1216] {strides = array<i32>} : memref<2560xf32, #tpu.memory_space<vmem>>, vector<16xf32>,
    %swap3A_1218 = vector.shape_cast %swap3A_1217 : vector<16xf32> to vector<16xf32>
    %swap3A_1219 = vector.shape_cast %mul3A_1215 : vector<16xf32> to vector<16xf32>
    tpu.vector_store %arg10[%swap3A_1216], %swap3A_1219 {strides = array<i32>} : memref<2560xf32, #tpu.memory_space<vmem>>, vector<16xf32>,
    %get3A_1220 = arith.constant 1 : i32
    %get3A_1221 = arith.index_cast %get3A_1220 : i32 to index
    %get3A_1222 = arith.constant 656 : index
    %get3A_1223 = tpu.vector_load %arg9[%get3A_1221, %get3A_1222] {strides = array<i32>} : memref<8x1280xf32, #tpu.memory_space<vmem>>, vector<1x16xf32>,
    %get3A_1224 = vector.shape_cast %get3A_1223 : vector<1x16xf32> to vector<16xf32>
    %mul3A_1225 = arith.mulf %get3A_2, %get3A_1224 : vector<16xf32>
    %swap3A_1226 = arith.constant 1936 : index
    %swap3A_1227 = tpu.vector_load %arg10[%swap3A_1226] {strides = array<i32>} : memref<2560xf32, #tpu.memory_space<vmem>>, vector<16xf32>,
    %swap3A_1228 = vector.shape_cast %swap3A_1227 : vector<16xf32> to vector<16xf32>
    %swap3A_1229 = vector.shape_cast %mul3A_1225 : vector<16xf32> to vector<16xf32>
    tpu.vector_store %arg10[%swap3A_1226], %swap3A_1229 {strides = array<i32>} : memref<2560xf32, #tpu.memory_space<vmem>>, vector<16xf32>,
    %get3A_1230 = arith.constant 1 : i32
    %get3A_1231 = arith.index_cast %get3A_1230 : i32 to index
    %get3A_1232 = arith.constant 672 : index
    %get3A_1233 = tpu.vector_load %arg9[%get3A_1231, %get3A_1232] {strides = array<i32>} : memref<8x1280xf32, #tpu.memory_space<vmem>>, vector<1x16xf32>,
    %get3A_1234 = vector.shape_cast %get3A_1233 : vector<1x16xf32> to vector<16xf32>
    %mul3A_1235 = arith.mulf %get3A_2, %get3A_1234 : vector<16xf32>
    %swap3A_1236 = arith.constant 1952 : index
    %swap3A_1237 = tpu.vector_load %arg10[%swap3A_1236] {strides = array<i32>} : memref<2560xf32, #tpu.memory_space<vmem>>, vector<16xf32>,
    %swap3A_1238 = vector.shape_cast %swap3A_1237 : vector<16xf32> to vector<16xf32>
    %swap3A_1239 = vector.shape_cast %mul3A_1235 : vector<16xf32> to vector<16xf32>
    tpu.vector_store %arg10[%swap3A_1236], %swap3A_1239 {strides = array<i32>} : memref<2560xf32, #tpu.memory_space<vmem>>, vector<16xf32>,
    %get3A_1240 = arith.constant 1 : i32
    %get3A_1241 = arith.index_cast %get3A_1240 : i32 to index
    %get3A_1242 = arith.constant 688 : index
    %get3A_1243 = tpu.vector_load %arg9[%get3A_1241, %get3A_1242] {strides = array<i32>} : memref<8x1280xf32, #tpu.memory_space<vmem>>, vector<1x16xf32>,
    %get3A_1244 = vector.shape_cast %get3A_1243 : vector<1x16xf32> to vector<16xf32>
    %mul3A_1245 = arith.mulf %get3A_2, %get3A_1244 : vector<16xf32>
    %swap3A_1246 = arith.constant 1968 : index
    %swap3A_1247 = tpu.vector_load %arg10[%swap3A_1246] {strides = array<i32>} : memref<2560xf32, #tpu.memory_space<vmem>>, vector<16xf32>,
    %swap3A_1248 = vector.shape_cast %swap3A_1247 : vector<16xf32> to vector<16xf32>
    %swap3A_1249 = vector.shape_cast %mul3A_1245 : vector<16xf32> to vector<16xf32>
    tpu.vector_store %arg10[%swap3A_1246], %swap3A_1249 {strides = array<i32>} : memref<2560xf32, #tpu.memory_space<vmem>>, vector<16xf32>,
    %get3A_1250 = arith.constant 1 : i32
    %get3A_1251 = arith.index_cast %get3A_1250 : i32 to index
    %get3A_1252 = arith.constant 704 : index
    %get3A_1253 = tpu.vector_load %arg9[%get3A_1251, %get3A_1252] {strides = array<i32>} : memref<8x1280xf32, #tpu.memory_space<vmem>>, vector<1x16xf32>,
    %get3A_1254 = vector.shape_cast %get3A_1253 : vector<1x16xf32> to vector<16xf32>
    %mul3A_1255 = arith.mulf %get3A_2, %get3A_1254 : vector<16xf32>
    %swap3A_1256 = arith.constant 1984 : index
    %swap3A_1257 = tpu.vector_load %arg10[%swap3A_1256] {strides = array<i32>} : memref<2560xf32, #tpu.memory_space<vmem>>, vector<16xf32>,
    %swap3A_1258 = vector.shape_cast %swap3A_1257 : vector<16xf32> to vector<16xf32>
    %swap3A_1259 = vector.shape_cast %mul3A_1255 : vector<16xf32> to vector<16xf32>
    tpu.vector_store %arg10[%swap3A_1256], %swap3A_1259 {strides = array<i32>} : memref<2560xf32, #tpu.memory_space<vmem>>, vector<16xf32>,
    %get3A_1260 = arith.constant 1 : i32
    %get3A_1261 = arith.index_cast %get3A_1260 : i32 to index
    %get3A_1262 = arith.constant 720 : index
    %get3A_1263 = tpu.vector_load %arg9[%get3A_1261, %get3A_1262] {strides = array<i32>} : memref<8x1280xf32, #tpu.memory_space<vmem>>, vector<1x16xf32>,
    %get3A_1264 = vector.shape_cast %get3A_1263 : vector<1x16xf32> to vector<16xf32>
    %mul3A_1265 = arith.mulf %get3A_2, %get3A_1264 : vector<16xf32>
    %swap3A_1266 = arith.constant 2000 : index
    %swap3A_1267 = tpu.vector_load %arg10[%swap3A_1266] {strides = array<i32>} : memref<2560xf32, #tpu.memory_space<vmem>>, vector<16xf32>,
    %swap3A_1268 = vector.shape_cast %swap3A_1267 : vector<16xf32> to vector<16xf32>
    %swap3A_1269 = vector.shape_cast %mul3A_1265 : vector<16xf32> to vector<16xf32>
    tpu.vector_store %arg10[%swap3A_1266], %swap3A_1269 {strides = array<i32>} : memref<2560xf32, #tpu.memory_space<vmem>>, vector<16xf32>,
    %get3A_1270 = arith.constant 1 : i32
    %get3A_1271 = arith.index_cast %get3A_1270 : i32 to index
    %get3A_1272 = arith.constant 736 : index
    %get3A_1273 = tpu.vector_load %arg9[%get3A_1271, %get3A_1272] {strides = array<i32>} : memref<8x1280xf32, #tpu.memory_space<vmem>>, vector<1x16xf32>,
    %get3A_1274 = vector.shape_cast %get3A_1273 : vector<1x16xf32> to vector<16xf32>
    %mul3A_1275 = arith.mulf %get3A_2, %get3A_1274 : vector<16xf32>
    %swap3A_1276 = arith.constant 2016 : index
    %swap3A_1277 = tpu.vector_load %arg10[%swap3A_1276] {strides = array<i32>} : memref<2560xf32, #tpu.memory_space<vmem>>, vector<16xf32>,
    %swap3A_1278 = vector.shape_cast %swap3A_1277 : vector<16xf32> to vector<16xf32>
    %swap3A_1279 = vector.shape_cast %mul3A_1275 : vector<16xf32> to vector<16xf32>
    tpu.vector_store %arg10[%swap3A_1276], %swap3A_1279 {strides = array<i32>} : memref<2560xf32, #tpu.memory_space<vmem>>, vector<16xf32>,
    %get3A_1280 = arith.constant 1 : i32
    %get3A_1281 = arith.index_cast %get3A_1280 : i32 to index
    %get3A_1282 = arith.constant 752 : index
    %get3A_1283 = tpu.vector_load %arg9[%get3A_1281, %get3A_1282] {strides = array<i32>} : memref<8x1280xf32, #tpu.memory_space<vmem>>, vector<1x16xf32>,
    %get3A_1284 = vector.shape_cast %get3A_1283 : vector<1x16xf32> to vector<16xf32>
    %mul3A_1285 = arith.mulf %get3A_2, %get3A_1284 : vector<16xf32>
    %swap3A_1286 = arith.constant 2032 : index
    %swap3A_1287 = tpu.vector_load %arg10[%swap3A_1286] {strides = array<i32>} : memref<2560xf32, #tpu.memory_space<vmem>>, vector<16xf32>,
    %swap3A_1288 = vector.shape_cast %swap3A_1287 : vector<16xf32> to vector<16xf32>
    %swap3A_1289 = vector.shape_cast %mul3A_1285 : vector<16xf32> to vector<16xf32>
    tpu.vector_store %arg10[%swap3A_1286], %swap3A_1289 {strides = array<i32>} : memref<2560xf32, #tpu.memory_space<vmem>>, vector<16xf32>,
    %get3A_1290 = arith.constant 1 : i32
    %get3A_1291 = arith.index_cast %get3A_1290 : i32 to index
    %get3A_1292 = arith.constant 768 : index
    %get3A_1293 = tpu.vector_load %arg9[%get3A_1291, %get3A_1292] {strides = array<i32>} : memref<8x1280xf32, #tpu.memory_space<vmem>>, vector<1x16xf32>,
    %get3A_1294 = vector.shape_cast %get3A_1293 : vector<1x16xf32> to vector<16xf32>
    %mul3A_1295 = arith.mulf %get3A_2, %get3A_1294 : vector<16xf32>
    %swap3A_1296 = arith.constant 2048 : index
    %swap3A_1297 = tpu.vector_load %arg10[%swap3A_1296] {strides = array<i32>} : memref<2560xf32, #tpu.memory_space<vmem>>, vector<16xf32>,
    %swap3A_1298 = vector.shape_cast %swap3A_1297 : vector<16xf32> to vector<16xf32>
    %swap3A_1299 = vector.shape_cast %mul3A_1295 : vector<16xf32> to vector<16xf32>
    tpu.vector_store %arg10[%swap3A_1296], %swap3A_1299 {strides = array<i32>} : memref<2560xf32, #tpu.memory_space<vmem>>, vector<16xf32>,
    %get3A_1300 = arith.constant 1 : i32
    %get3A_1301 = arith.index_cast %get3A_1300 : i32 to index
    %get3A_1302 = arith.constant 784 : index
    %get3A_1303 = tpu.vector_load %arg9[%get3A_1301, %get3A_1302] {strides = array<i32>} : memref<8x1280xf32, #tpu.memory_space<vmem>>, vector<1x16xf32>,
    %get3A_1304 = vector.shape_cast %get3A_1303 : vector<1x16xf32> to vector<16xf32>
    %mul3A_1305 = arith.mulf %get3A_2, %get3A_1304 : vector<16xf32>
    %swap3A_1306 = arith.constant 2064 : index
    %swap3A_1307 = tpu.vector_load %arg10[%swap3A_1306] {strides = array<i32>} : memref<2560xf32, #tpu.memory_space<vmem>>, vector<16xf32>,
    %swap3A_1308 = vector.shape_cast %swap3A_1307 : vector<16xf32> to vector<16xf32>
    %swap3A_1309 = vector.shape_cast %mul3A_1305 : vector<16xf32> to vector<16xf32>
    tpu.vector_store %arg10[%swap3A_1306], %swap3A_1309 {strides = array<i32>} : memref<2560xf32, #tpu.memory_space<vmem>>, vector<16xf32>,
    %get3A_1310 = arith.constant 1 : i32
    %get3A_1311 = arith.index_cast %get3A_1310 : i32 to index
    %get3A_1312 = arith.constant 800 : index
    %get3A_1313 = tpu.vector_load %arg9[%get3A_1311, %get3A_1312] {strides = array<i32>} : memref<8x1280xf32, #tpu.memory_space<vmem>>, vector<1x16xf32>,
    %get3A_1314 = vector.shape_cast %get3A_1313 : vector<1x16xf32> to vector<16xf32>
    %mul3A_1315 = arith.mulf %get3A_2, %get3A_1314 : vector<16xf32>
    %swap3A_1316 = arith.constant 2080 : index
    %swap3A_1317 = tpu.vector_load %arg10[%swap3A_1316] {strides = array<i32>} : memref<2560xf32, #tpu.memory_space<vmem>>, vector<16xf32>,
    %swap3A_1318 = vector.shape_cast %swap3A_1317 : vector<16xf32> to vector<16xf32>
    %swap3A_1319 = vector.shape_cast %mul3A_1315 : vector<16xf32> to vector<16xf32>
    tpu.vector_store %arg10[%swap3A_1316], %swap3A_1319 {strides = array<i32>} : memref<2560xf32, #tpu.memory_space<vmem>>, vector<16xf32>,
    %get3A_1320 = arith.constant 1 : i32
    %get3A_1321 = arith.index_cast %get3A_1320 : i32 to index
    %get3A_1322 = arith.constant 816 : index
    %get3A_1323 = tpu.vector_load %arg9[%get3A_1321, %get3A_1322] {strides = array<i32>} : memref<8x1280xf32, #tpu.memory_space<vmem>>, vector<1x16xf32>,
    %get3A_1324 = vector.shape_cast %get3A_1323 : vector<1x16xf32> to vector<16xf32>
    %mul3A_1325 = arith.mulf %get3A_2, %get3A_1324 : vector<16xf32>
    %swap3A_1326 = arith.constant 2096 : index
    %swap3A_1327 = tpu.vector_load %arg10[%swap3A_1326] {strides = array<i32>} : memref<2560xf32, #tpu.memory_space<vmem>>, vector<16xf32>,
    %swap3A_1328 = vector.shape_cast %swap3A_1327 : vector<16xf32> to vector<16xf32>
    %swap3A_1329 = vector.shape_cast %mul3A_1325 : vector<16xf32> to vector<16xf32>
    tpu.vector_store %arg10[%swap3A_1326], %swap3A_1329 {strides = array<i32>} : memref<2560xf32, #tpu.memory_space<vmem>>, vector<16xf32>,
    %get3A_1330 = arith.constant 1 : i32
    %get3A_1331 = arith.index_cast %get3A_1330 : i32 to index
    %get3A_1332 = arith.constant 832 : index
    %get3A_1333 = tpu.vector_load %arg9[%get3A_1331, %get3A_1332] {strides = array<i32>} : memref<8x1280xf32, #tpu.memory_space<vmem>>, vector<1x16xf32>,
    %get3A_1334 = vector.shape_cast %get3A_1333 : vector<1x16xf32> to vector<16xf32>
    %mul3A_1335 = arith.mulf %get3A_2, %get3A_1334 : vector<16xf32>
    %swap3A_1336 = arith.constant 2112 : index
    %swap3A_1337 = tpu.vector_load %arg10[%swap3A_1336] {strides = array<i32>} : memref<2560xf32, #tpu.memory_space<vmem>>, vector<16xf32>,
    %swap3A_1338 = vector.shape_cast %swap3A_1337 : vector<16xf32> to vector<16xf32>
    %swap3A_1339 = vector.shape_cast %mul3A_1335 : vector<16xf32> to vector<16xf32>
    tpu.vector_store %arg10[%swap3A_1336], %swap3A_1339 {strides = array<i32>} : memref<2560xf32, #tpu.memory_space<vmem>>, vector<16xf32>,
    %get3A_1340 = arith.constant 1 : i32
    %get3A_1341 = arith.index_cast %get3A_1340 : i32 to index
    %get3A_1342 = arith.constant 848 : index
    %get3A_1343 = tpu.vector_load %arg9[%get3A_1341, %get3A_1342] {strides = array<i32>} : memref<8x1280xf32, #tpu.memory_space<vmem>>, vector<1x16xf32>,
    %get3A_1344 = vector.shape_cast %get3A_1343 : vector<1x16xf32> to vector<16xf32>
    %mul3A_1345 = arith.mulf %get3A_2, %get3A_1344 : vector<16xf32>
    %swap3A_1346 = arith.constant 2128 : index
    %swap3A_1347 = tpu.vector_load %arg10[%swap3A_1346] {strides = array<i32>} : memref<2560xf32, #tpu.memory_space<vmem>>, vector<16xf32>,
    %swap3A_1348 = vector.shape_cast %swap3A_1347 : vector<16xf32> to vector<16xf32>
    %swap3A_1349 = vector.shape_cast %mul3A_1345 : vector<16xf32> to vector<16xf32>
    tpu.vector_store %arg10[%swap3A_1346], %swap3A_1349 {strides = array<i32>} : memref<2560xf32, #tpu.memory_space<vmem>>, vector<16xf32>,
    %get3A_1350 = arith.constant 1 : i32
    %get3A_1351 = arith.index_cast %get3A_1350 : i32 to index
    %get3A_1352 = arith.constant 864 : index
    %get3A_1353 = tpu.vector_load %arg9[%get3A_1351, %get3A_1352] {strides = array<i32>} : memref<8x1280xf32, #tpu.memory_space<vmem>>, vector<1x16xf32>,
    %get3A_1354 = vector.shape_cast %get3A_1353 : vector<1x16xf32> to vector<16xf32>
    %mul3A_1355 = arith.mulf %get3A_2, %get3A_1354 : vector<16xf32>
    %swap3A_1356 = arith.constant 2144 : index
    %swap3A_1357 = tpu.vector_load %arg10[%swap3A_1356] {strides = array<i32>} : memref<2560xf32, #tpu.memory_space<vmem>>, vector<16xf32>,
    %swap3A_1358 = vector.shape_cast %swap3A_1357 : vector<16xf32> to vector<16xf32>
    %swap3A_1359 = vector.shape_cast %mul3A_1355 : vector<16xf32> to vector<16xf32>
    tpu.vector_store %arg10[%swap3A_1356], %swap3A_1359 {strides = array<i32>} : memref<2560xf32, #tpu.memory_space<vmem>>, vector<16xf32>,
    %get3A_1360 = arith.constant 1 : i32
    %get3A_1361 = arith.index_cast %get3A_1360 : i32 to index
    %get3A_1362 = arith.constant 880 : index
    %get3A_1363 = tpu.vector_load %arg9[%get3A_1361, %get3A_1362] {strides = array<i32>} : memref<8x1280xf32, #tpu.memory_space<vmem>>, vector<1x16xf32>,
    %get3A_1364 = vector.shape_cast %get3A_1363 : vector<1x16xf32> to vector<16xf32>
    %mul3A_1365 = arith.mulf %get3A_2, %get3A_1364 : vector<16xf32>
    %swap3A_1366 = arith.constant 2160 : index
    %swap3A_1367 = tpu.vector_load %arg10[%swap3A_1366] {strides = array<i32>} : memref<2560xf32, #tpu.memory_space<vmem>>, vector<16xf32>,
    %swap3A_1368 = vector.shape_cast %swap3A_1367 : vector<16xf32> to vector<16xf32>
    %swap3A_1369 = vector.shape_cast %mul3A_1365 : vector<16xf32> to vector<16xf32>
    tpu.vector_store %arg10[%swap3A_1366], %swap3A_1369 {strides = array<i32>} : memref<2560xf32, #tpu.memory_space<vmem>>, vector<16xf32>,
    %get3A_1370 = arith.constant 1 : i32
    %get3A_1371 = arith.index_cast %get3A_1370 : i32 to index
    %get3A_1372 = arith.constant 896 : index
    %get3A_1373 = tpu.vector_load %arg9[%get3A_1371, %get3A_1372] {strides = array<i32>} : memref<8x1280xf32, #tpu.memory_space<vmem>>, vector<1x16xf32>,
    %get3A_1374 = vector.shape_cast %get3A_1373 : vector<1x16xf32> to vector<16xf32>
    %mul3A_1375 = arith.mulf %get3A_2, %get3A_1374 : vector<16xf32>
    %swap3A_1376 = arith.constant 2176 : index
    %swap3A_1377 = tpu.vector_load %arg10[%swap3A_1376] {strides = array<i32>} : memref<2560xf32, #tpu.memory_space<vmem>>, vector<16xf32>,
    %swap3A_1378 = vector.shape_cast %swap3A_1377 : vector<16xf32> to vector<16xf32>
    %swap3A_1379 = vector.shape_cast %mul3A_1375 : vector<16xf32> to vector<16xf32>
    tpu.vector_store %arg10[%swap3A_1376], %swap3A_1379 {strides = array<i32>} : memref<2560xf32, #tpu.memory_space<vmem>>, vector<16xf32>,
    %get3A_1380 = arith.constant 1 : i32
    %get3A_1381 = arith.index_cast %get3A_1380 : i32 to index
    %get3A_1382 = arith.constant 912 : index
    %get3A_1383 = tpu.vector_load %arg9[%get3A_1381, %get3A_1382] {strides = array<i32>} : memref<8x1280xf32, #tpu.memory_space<vmem>>, vector<1x16xf32>,
    %get3A_1384 = vector.shape_cast %get3A_1383 : vector<1x16xf32> to vector<16xf32>
    %mul3A_1385 = arith.mulf %get3A_2, %get3A_1384 : vector<16xf32>
    %swap3A_1386 = arith.constant 2192 : index
    %swap3A_1387 = tpu.vector_load %arg10[%swap3A_1386] {strides = array<i32>} : memref<2560xf32, #tpu.memory_space<vmem>>, vector<16xf32>,
    %swap3A_1388 = vector.shape_cast %swap3A_1387 : vector<16xf32> to vector<16xf32>
    %swap3A_1389 = vector.shape_cast %mul3A_1385 : vector<16xf32> to vector<16xf32>
    tpu.vector_store %arg10[%swap3A_1386], %swap3A_1389 {strides = array<i32>} : memref<2560xf32, #tpu.memory_space<vmem>>, vector<16xf32>,
    %get3A_1390 = arith.constant 1 : i32
    %get3A_1391 = arith.index_cast %get3A_1390 : i32 to index
    %get3A_1392 = arith.constant 928 : index
    %get3A_1393 = tpu.vector_load %arg9[%get3A_1391, %get3A_1392] {strides = array<i32>} : memref<8x1280xf32, #tpu.memory_space<vmem>>, vector<1x16xf32>,
    %get3A_1394 = vector.shape_cast %get3A_1393 : vector<1x16xf32> to vector<16xf32>
    %mul3A_1395 = arith.mulf %get3A_2, %get3A_1394 : vector<16xf32>
    %swap3A_1396 = arith.constant 2208 : index
    %swap3A_1397 = tpu.vector_load %arg10[%swap3A_1396] {strides = array<i32>} : memref<2560xf32, #tpu.memory_space<vmem>>, vector<16xf32>,
    %swap3A_1398 = vector.shape_cast %swap3A_1397 : vector<16xf32> to vector<16xf32>
    %swap3A_1399 = vector.shape_cast %mul3A_1395 : vector<16xf32> to vector<16xf32>
    tpu.vector_store %arg10[%swap3A_1396], %swap3A_1399 {strides = array<i32>} : memref<2560xf32, #tpu.memory_space<vmem>>, vector<16xf32>,
    %get3A_1400 = arith.constant 1 : i32
    %get3A_1401 = arith.index_cast %get3A_1400 : i32 to index
    %get3A_1402 = arith.constant 944 : index
    %get3A_1403 = tpu.vector_load %arg9[%get3A_1401, %get3A_1402] {strides = array<i32>} : memref<8x1280xf32, #tpu.memory_space<vmem>>, vector<1x16xf32>,
    %get3A_1404 = vector.shape_cast %get3A_1403 : vector<1x16xf32> to vector<16xf32>
    %mul3A_1405 = arith.mulf %get3A_2, %get3A_1404 : vector<16xf32>
    %swap3A_1406 = arith.constant 2224 : index
    %swap3A_1407 = tpu.vector_load %arg10[%swap3A_1406] {strides = array<i32>} : memref<2560xf32, #tpu.memory_space<vmem>>, vector<16xf32>,
    %swap3A_1408 = vector.shape_cast %swap3A_1407 : vector<16xf32> to vector<16xf32>
    %swap3A_1409 = vector.shape_cast %mul3A_1405 : vector<16xf32> to vector<16xf32>
    tpu.vector_store %arg10[%swap3A_1406], %swap3A_1409 {strides = array<i32>} : memref<2560xf32, #tpu.memory_space<vmem>>, vector<16xf32>,
    %get3A_1410 = arith.constant 1 : i32
    %get3A_1411 = arith.index_cast %get3A_1410 : i32 to index
    %get3A_1412 = arith.constant 960 : index
    %get3A_1413 = tpu.vector_load %arg9[%get3A_1411, %get3A_1412] {strides = array<i32>} : memref<8x1280xf32, #tpu.memory_space<vmem>>, vector<1x16xf32>,
    %get3A_1414 = vector.shape_cast %get3A_1413 : vector<1x16xf32> to vector<16xf32>
    %mul3A_1415 = arith.mulf %get3A_2, %get3A_1414 : vector<16xf32>
    %swap3A_1416 = arith.constant 2240 : index
    %swap3A_1417 = tpu.vector_load %arg10[%swap3A_1416] {strides = array<i32>} : memref<2560xf32, #tpu.memory_space<vmem>>, vector<16xf32>,
    %swap3A_1418 = vector.shape_cast %swap3A_1417 : vector<16xf32> to vector<16xf32>
    %swap3A_1419 = vector.shape_cast %mul3A_1415 : vector<16xf32> to vector<16xf32>
    tpu.vector_store %arg10[%swap3A_1416], %swap3A_1419 {strides = array<i32>} : memref<2560xf32, #tpu.memory_space<vmem>>, vector<16xf32>,
    %get3A_1420 = arith.constant 1 : i32
    %get3A_1421 = arith.index_cast %get3A_1420 : i32 to index
    %get3A_1422 = arith.constant 976 : index
    %get3A_1423 = tpu.vector_load %arg9[%get3A_1421, %get3A_1422] {strides = array<i32>} : memref<8x1280xf32, #tpu.memory_space<vmem>>, vector<1x16xf32>,
    %get3A_1424 = vector.shape_cast %get3A_1423 : vector<1x16xf32> to vector<16xf32>
    %mul3A_1425 = arith.mulf %get3A_2, %get3A_1424 : vector<16xf32>
    %swap3A_1426 = arith.constant 2256 : index
    %swap3A_1427 = tpu.vector_load %arg10[%swap3A_1426] {strides = array<i32>} : memref<2560xf32, #tpu.memory_space<vmem>>, vector<16xf32>,
    %swap3A_1428 = vector.shape_cast %swap3A_1427 : vector<16xf32> to vector<16xf32>
    %swap3A_1429 = vector.shape_cast %mul3A_1425 : vector<16xf32> to vector<16xf32>
    tpu.vector_store %arg10[%swap3A_1426], %swap3A_1429 {strides = array<i32>} : memref<2560xf32, #tpu.memory_space<vmem>>, vector<16xf32>,
    %get3A_1430 = arith.constant 1 : i32
    %get3A_1431 = arith.index_cast %get3A_1430 : i32 to index
    %get3A_1432 = arith.constant 992 : index
    %get3A_1433 = tpu.vector_load %arg9[%get3A_1431, %get3A_1432] {strides = array<i32>} : memref<8x1280xf32, #tpu.memory_space<vmem>>, vector<1x16xf32>,
    %get3A_1434 = vector.shape_cast %get3A_1433 : vector<1x16xf32> to vector<16xf32>
    %mul3A_1435 = arith.mulf %get3A_2, %get3A_1434 : vector<16xf32>
    %swap3A_1436 = arith.constant 2272 : index
    %swap3A_1437 = tpu.vector_load %arg10[%swap3A_1436] {strides = array<i32>} : memref<2560xf32, #tpu.memory_space<vmem>>, vector<16xf32>,
    %swap3A_1438 = vector.shape_cast %swap3A_1437 : vector<16xf32> to vector<16xf32>
    %swap3A_1439 = vector.shape_cast %mul3A_1435 : vector<16xf32> to vector<16xf32>
    tpu.vector_store %arg10[%swap3A_1436], %swap3A_1439 {strides = array<i32>} : memref<2560xf32, #tpu.memory_space<vmem>>, vector<16xf32>,
    %get3A_1440 = arith.constant 1 : i32
    %get3A_1441 = arith.index_cast %get3A_1440 : i32 to index
    %get3A_1442 = arith.constant 1008 : index
    %get3A_1443 = tpu.vector_load %arg9[%get3A_1441, %get3A_1442] {strides = array<i32>} : memref<8x1280xf32, #tpu.memory_space<vmem>>, vector<1x16xf32>,
    %get3A_1444 = vector.shape_cast %get3A_1443 : vector<1x16xf32> to vector<16xf32>
    %mul3A_1445 = arith.mulf %get3A_2, %get3A_1444 : vector<16xf32>
    %swap3A_1446 = arith.constant 2288 : index
    %swap3A_1447 = tpu.vector_load %arg10[%swap3A_1446] {strides = array<i32>} : memref<2560xf32, #tpu.memory_space<vmem>>, vector<16xf32>,
    %swap3A_1448 = vector.shape_cast %swap3A_1447 : vector<16xf32> to vector<16xf32>
    %swap3A_1449 = vector.shape_cast %mul3A_1445 : vector<16xf32> to vector<16xf32>
    tpu.vector_store %arg10[%swap3A_1446], %swap3A_1449 {strides = array<i32>} : memref<2560xf32, #tpu.memory_space<vmem>>, vector<16xf32>,
    %get3A_1450 = arith.constant 1 : i32
    %get3A_1451 = arith.index_cast %get3A_1450 : i32 to index
    %get3A_1452 = arith.constant 1024 : index
    %get3A_1453 = tpu.vector_load %arg9[%get3A_1451, %get3A_1452] {strides = array<i32>} : memref<8x1280xf32, #tpu.memory_space<vmem>>, vector<1x16xf32>,
    %get3A_1454 = vector.shape_cast %get3A_1453 : vector<1x16xf32> to vector<16xf32>
    %mul3A_1455 = arith.mulf %get3A_2, %get3A_1454 : vector<16xf32>
    %swap3A_1456 = arith.constant 2304 : index
    %swap3A_1457 = tpu.vector_load %arg10[%swap3A_1456] {strides = array<i32>} : memref<2560xf32, #tpu.memory_space<vmem>>, vector<16xf32>,
    %swap3A_1458 = vector.shape_cast %swap3A_1457 : vector<16xf32> to vector<16xf32>
    %swap3A_1459 = vector.shape_cast %mul3A_1455 : vector<16xf32> to vector<16xf32>
    tpu.vector_store %arg10[%swap3A_1456], %swap3A_1459 {strides = array<i32>} : memref<2560xf32, #tpu.memory_space<vmem>>, vector<16xf32>,
    %get3A_1460 = arith.constant 1 : i32
    %get3A_1461 = arith.index_cast %get3A_1460 : i32 to index
    %get3A_1462 = arith.constant 1040 : index
    %get3A_1463 = tpu.vector_load %arg9[%get3A_1461, %get3A_1462] {strides = array<i32>} : memref<8x1280xf32, #tpu.memory_space<vmem>>, vector<1x16xf32>,
    %get3A_1464 = vector.shape_cast %get3A_1463 : vector<1x16xf32> to vector<16xf32>
    %mul3A_1465 = arith.mulf %get3A_2, %get3A_1464 : vector<16xf32>
    %swap3A_1466 = arith.constant 2320 : index
    %swap3A_1467 = tpu.vector_load %arg10[%swap3A_1466] {strides = array<i32>} : memref<2560xf32, #tpu.memory_space<vmem>>, vector<16xf32>,
    %swap3A_1468 = vector.shape_cast %swap3A_1467 : vector<16xf32> to vector<16xf32>
    %swap3A_1469 = vector.shape_cast %mul3A_1465 : vector<16xf32> to vector<16xf32>
    tpu.vector_store %arg10[%swap3A_1466], %swap3A_1469 {strides = array<i32>} : memref<2560xf32, #tpu.memory_space<vmem>>, vector<16xf32>,
    %get3A_1470 = arith.constant 1 : i32
    %get3A_1471 = arith.index_cast %get3A_1470 : i32 to index
    %get3A_1472 = arith.constant 1056 : index
    %get3A_1473 = tpu.vector_load %arg9[%get3A_1471, %get3A_1472] {strides = array<i32>} : memref<8x1280xf32, #tpu.memory_space<vmem>>, vector<1x16xf32>,
    %get3A_1474 = vector.shape_cast %get3A_1473 : vector<1x16xf32> to vector<16xf32>
    %mul3A_1475 = arith.mulf %get3A_2, %get3A_1474 : vector<16xf32>
    %swap3A_1476 = arith.constant 2336 : index
    %swap3A_1477 = tpu.vector_load %arg10[%swap3A_1476] {strides = array<i32>} : memref<2560xf32, #tpu.memory_space<vmem>>, vector<16xf32>,
    %swap3A_1478 = vector.shape_cast %swap3A_1477 : vector<16xf32> to vector<16xf32>
    %swap3A_1479 = vector.shape_cast %mul3A_1475 : vector<16xf32> to vector<16xf32>
    tpu.vector_store %arg10[%swap3A_1476], %swap3A_1479 {strides = array<i32>} : memref<2560xf32, #tpu.memory_space<vmem>>, vector<16xf32>,
    %get3A_1480 = arith.constant 1 : i32
    %get3A_1481 = arith.index_cast %get3A_1480 : i32 to index
    %get3A_1482 = arith.constant 1072 : index
    %get3A_1483 = tpu.vector_load %arg9[%get3A_1481, %get3A_1482] {strides = array<i32>} : memref<8x1280xf32, #tpu.memory_space<vmem>>, vector<1x16xf32>,
    %get3A_1484 = vector.shape_cast %get3A_1483 : vector<1x16xf32> to vector<16xf32>
    %mul3A_1485 = arith.mulf %get3A_2, %get3A_1484 : vector<16xf32>
    %swap3A_1486 = arith.constant 2352 : index
    %swap3A_1487 = tpu.vector_load %arg10[%swap3A_1486] {strides = array<i32>} : memref<2560xf32, #tpu.memory_space<vmem>>, vector<16xf32>,
    %swap3A_1488 = vector.shape_cast %swap3A_1487 : vector<16xf32> to vector<16xf32>
    %swap3A_1489 = vector.shape_cast %mul3A_1485 : vector<16xf32> to vector<16xf32>
    tpu.vector_store %arg10[%swap3A_1486], %swap3A_1489 {strides = array<i32>} : memref<2560xf32, #tpu.memory_space<vmem>>, vector<16xf32>,
    %get3A_1490 = arith.constant 1 : i32
    %get3A_1491 = arith.index_cast %get3A_1490 : i32 to index
    %get3A_1492 = arith.constant 1088 : index
    %get3A_1493 = tpu.vector_load %arg9[%get3A_1491, %get3A_1492] {strides = array<i32>} : memref<8x1280xf32, #tpu.memory_space<vmem>>, vector<1x16xf32>,
    %get3A_1494 = vector.shape_cast %get3A_1493 : vector<1x16xf32> to vector<16xf32>
    %mul3A_1495 = arith.mulf %get3A_2, %get3A_1494 : vector<16xf32>
    %swap3A_1496 = arith.constant 2368 : index
    %swap3A_1497 = tpu.vector_load %arg10[%swap3A_1496] {strides = array<i32>} : memref<2560xf32, #tpu.memory_space<vmem>>, vector<16xf32>,
    %swap3A_1498 = vector.shape_cast %swap3A_1497 : vector<16xf32> to vector<16xf32>
    %swap3A_1499 = vector.shape_cast %mul3A_1495 : vector<16xf32> to vector<16xf32>
    tpu.vector_store %arg10[%swap3A_1496], %swap3A_1499 {strides = array<i32>} : memref<2560xf32, #tpu.memory_space<vmem>>, vector<16xf32>,
    %get3A_1500 = arith.constant 1 : i32
    %get3A_1501 = arith.index_cast %get3A_1500 : i32 to index
    %get3A_1502 = arith.constant 1104 : index
    %get3A_1503 = tpu.vector_load %arg9[%get3A_1501, %get3A_1502] {strides = array<i32>} : memref<8x1280xf32, #tpu.memory_space<vmem>>, vector<1x16xf32>,
    %get3A_1504 = vector.shape_cast %get3A_1503 : vector<1x16xf32> to vector<16xf32>
    %mul3A_1505 = arith.mulf %get3A_2, %get3A_1504 : vector<16xf32>
    %swap3A_1506 = arith.constant 2384 : index
    %swap3A_1507 = tpu.vector_load %arg10[%swap3A_1506] {strides = array<i32>} : memref<2560xf32, #tpu.memory_space<vmem>>, vector<16xf32>,
    %swap3A_1508 = vector.shape_cast %swap3A_1507 : vector<16xf32> to vector<16xf32>
    %swap3A_1509 = vector.shape_cast %mul3A_1505 : vector<16xf32> to vector<16xf32>
    tpu.vector_store %arg10[%swap3A_1506], %swap3A_1509 {strides = array<i32>} : memref<2560xf32, #tpu.memory_space<vmem>>, vector<16xf32>,
    %get3A_1510 = arith.constant 1 : i32
    %get3A_1511 = arith.index_cast %get3A_1510 : i32 to index
    %get3A_1512 = arith.constant 1120 : index
    %get3A_1513 = tpu.vector_load %arg9[%get3A_1511, %get3A_1512] {strides = array<i32>} : memref<8x1280xf32, #tpu.memory_space<vmem>>, vector<1x16xf32>,
    %get3A_1514 = vector.shape_cast %get3A_1513 : vector<1x16xf32> to vector<16xf32>
    %mul3A_1515 = arith.mulf %get3A_2, %get3A_1514 : vector<16xf32>
    %swap3A_1516 = arith.constant 2400 : index
    %swap3A_1517 = tpu.vector_load %arg10[%swap3A_1516] {strides = array<i32>} : memref<2560xf32, #tpu.memory_space<vmem>>, vector<16xf32>,
    %swap3A_1518 = vector.shape_cast %swap3A_1517 : vector<16xf32> to vector<16xf32>
    %swap3A_1519 = vector.shape_cast %mul3A_1515 : vector<16xf32> to vector<16xf32>
    tpu.vector_store %arg10[%swap3A_1516], %swap3A_1519 {strides = array<i32>} : memref<2560xf32, #tpu.memory_space<vmem>>, vector<16xf32>,
    %get3A_1520 = arith.constant 1 : i32
    %get3A_1521 = arith.index_cast %get3A_1520 : i32 to index
    %get3A_1522 = arith.constant 1136 : index
    %get3A_1523 = tpu.vector_load %arg9[%get3A_1521, %get3A_1522] {strides = array<i32>} : memref<8x1280xf32, #tpu.memory_space<vmem>>, vector<1x16xf32>,
    %get3A_1524 = vector.shape_cast %get3A_1523 : vector<1x16xf32> to vector<16xf32>
    %mul3A_1525 = arith.mulf %get3A_2, %get3A_1524 : vector<16xf32>
    %swap3A_1526 = arith.constant 2416 : index
    %swap3A_1527 = tpu.vector_load %arg10[%swap3A_1526] {strides = array<i32>} : memref<2560xf32, #tpu.memory_space<vmem>>, vector<16xf32>,
    %swap3A_1528 = vector.shape_cast %swap3A_1527 : vector<16xf32> to vector<16xf32>
    %swap3A_1529 = vector.shape_cast %mul3A_1525 : vector<16xf32> to vector<16xf32>
    tpu.vector_store %arg10[%swap3A_1526], %swap3A_1529 {strides = array<i32>} : memref<2560xf32, #tpu.memory_space<vmem>>, vector<16xf32>,
    %get3A_1530 = arith.constant 1 : i32
    %get3A_1531 = arith.index_cast %get3A_1530 : i32 to index
    %get3A_1532 = arith.constant 1152 : index
    %get3A_1533 = tpu.vector_load %arg9[%get3A_1531, %get3A_1532] {strides = array<i32>} : memref<8x1280xf32, #tpu.memory_space<vmem>>, vector<1x16xf32>,
    %get3A_1534 = vector.shape_cast %get3A_1533 : vector<1x16xf32> to vector<16xf32>
    %mul3A_1535 = arith.mulf %get3A_2, %get3A_1534 : vector<16xf32>
    %swap3A_1536 = arith.constant 2432 : index
    %swap3A_1537 = tpu.vector_load %arg10[%swap3A_1536] {strides = array<i32>} : memref<2560xf32, #tpu.memory_space<vmem>>, vector<16xf32>,
    %swap3A_1538 = vector.shape_cast %swap3A_1537 : vector<16xf32> to vector<16xf32>
    %swap3A_1539 = vector.shape_cast %mul3A_1535 : vector<16xf32> to vector<16xf32>
    tpu.vector_store %arg10[%swap3A_1536], %swap3A_1539 {strides = array<i32>} : memref<2560xf32, #tpu.memory_space<vmem>>, vector<16xf32>,
    %get3A_1540 = arith.constant 1 : i32
    %get3A_1541 = arith.index_cast %get3A_1540 : i32 to index
    %get3A_1542 = arith.constant 1168 : index
    %get3A_1543 = tpu.vector_load %arg9[%get3A_1541, %get3A_1542] {strides = array<i32>} : memref<8x1280xf32, #tpu.memory_space<vmem>>, vector<1x16xf32>,
    %get3A_1544 = vector.shape_cast %get3A_1543 : vector<1x16xf32> to vector<16xf32>
    %mul3A_1545 = arith.mulf %get3A_2, %get3A_1544 : vector<16xf32>
    %swap3A_1546 = arith.constant 2448 : index
    %swap3A_1547 = tpu.vector_load %arg10[%swap3A_1546] {strides = array<i32>} : memref<2560xf32, #tpu.memory_space<vmem>>, vector<16xf32>,
    %swap3A_1548 = vector.shape_cast %swap3A_1547 : vector<16xf32> to vector<16xf32>
    %swap3A_1549 = vector.shape_cast %mul3A_1545 : vector<16xf32> to vector<16xf32>
    tpu.vector_store %arg10[%swap3A_1546], %swap3A_1549 {strides = array<i32>} : memref<2560xf32, #tpu.memory_space<vmem>>, vector<16xf32>,
    %get3A_1550 = arith.constant 1 : i32
    %get3A_1551 = arith.index_cast %get3A_1550 : i32 to index
    %get3A_1552 = arith.constant 1184 : index
    %get3A_1553 = tpu.vector_load %arg9[%get3A_1551, %get3A_1552] {strides = array<i32>} : memref<8x1280xf32, #tpu.memory_space<vmem>>, vector<1x16xf32>,
    %get3A_1554 = vector.shape_cast %get3A_1553 : vector<1x16xf32> to vector<16xf32>
    %mul3A_1555 = arith.mulf %get3A_2, %get3A_1554 : vector<16xf32>
    %swap3A_1556 = arith.constant 2464 : index
    %swap3A_1557 = tpu.vector_load %arg10[%swap3A_1556] {strides = array<i32>} : memref<2560xf32, #tpu.memory_space<vmem>>, vector<16xf32>,
    %swap3A_1558 = vector.shape_cast %swap3A_1557 : vector<16xf32> to vector<16xf32>
    %swap3A_1559 = vector.shape_cast %mul3A_1555 : vector<16xf32> to vector<16xf32>
    tpu.vector_store %arg10[%swap3A_1556], %swap3A_1559 {strides = array<i32>} : memref<2560xf32, #tpu.memory_space<vmem>>, vector<16xf32>,
    %get3A_1560 = arith.constant 1 : i32
    %get3A_1561 = arith.index_cast %get3A_1560 : i32 to index
    %get3A_1562 = arith.constant 1200 : index
    %get3A_1563 = tpu.vector_load %arg9[%get3A_1561, %get3A_1562] {strides = array<i32>} : memref<8x1280xf32, #tpu.memory_space<vmem>>, vector<1x16xf32>,
    %get3A_1564 = vector.shape_cast %get3A_1563 : vector<1x16xf32> to vector<16xf32>
    %mul3A_1565 = arith.mulf %get3A_2, %get3A_1564 : vector<16xf32>
    %swap3A_1566 = arith.constant 2480 : index
    %swap3A_1567 = tpu.vector_load %arg10[%swap3A_1566] {strides = array<i32>} : memref<2560xf32, #tpu.memory_space<vmem>>, vector<16xf32>,
    %swap3A_1568 = vector.shape_cast %swap3A_1567 : vector<16xf32> to vector<16xf32>
    %swap3A_1569 = vector.shape_cast %mul3A_1565 : vector<16xf32> to vector<16xf32>
    tpu.vector_store %arg10[%swap3A_1566], %swap3A_1569 {strides = array<i32>} : memref<2560xf32, #tpu.memory_space<vmem>>, vector<16xf32>,
    %get3A_1570 = arith.constant 1 : i32
    %get3A_1571 = arith.index_cast %get3A_1570 : i32 to index
    %get3A_1572 = arith.constant 1216 : index
    %get3A_1573 = tpu.vector_load %arg9[%get3A_1571, %get3A_1572] {strides = array<i32>} : memref<8x1280xf32, #tpu.memory_space<vmem>>, vector<1x16xf32>,
    %get3A_1574 = vector.shape_cast %get3A_1573 : vector<1x16xf32> to vector<16xf32>
    %mul3A_1575 = arith.mulf %get3A_2, %get3A_1574 : vector<16xf32>
    %swap3A_1576 = arith.constant 2496 : index
    %swap3A_1577 = tpu.vector_load %arg10[%swap3A_1576] {strides = array<i32>} : memref<2560xf32, #tpu.memory_space<vmem>>, vector<16xf32>,
    %swap3A_1578 = vector.shape_cast %swap3A_1577 : vector<16xf32> to vector<16xf32>
    %swap3A_1579 = vector.shape_cast %mul3A_1575 : vector<16xf32> to vector<16xf32>
    tpu.vector_store %arg10[%swap3A_1576], %swap3A_1579 {strides = array<i32>} : memref<2560xf32, #tpu.memory_space<vmem>>, vector<16xf32>,
    %get3A_1580 = arith.constant 1 : i32
    %get3A_1581 = arith.index_cast %get3A_1580 : i32 to index
    %get3A_1582 = arith.constant 1232 : index
    %get3A_1583 = tpu.vector_load %arg9[%get3A_1581, %get3A_1582] {strides = array<i32>} : memref<8x1280xf32, #tpu.memory_space<vmem>>, vector<1x16xf32>,
    %get3A_1584 = vector.shape_cast %get3A_1583 : vector<1x16xf32> to vector<16xf32>
    %mul3A_1585 = arith.mulf %get3A_2, %get3A_1584 : vector<16xf32>
    %swap3A_1586 = arith.constant 2512 : index
    %swap3A_1587 = tpu.vector_load %arg10[%swap3A_1586] {strides = array<i32>} : memref<2560xf32, #tpu.memory_space<vmem>>, vector<16xf32>,
    %swap3A_1588 = vector.shape_cast %swap3A_1587 : vector<16xf32> to vector<16xf32>
    %swap3A_1589 = vector.shape_cast %mul3A_1585 : vector<16xf32> to vector<16xf32>
    tpu.vector_store %arg10[%swap3A_1586], %swap3A_1589 {strides = array<i32>} : memref<2560xf32, #tpu.memory_space<vmem>>, vector<16xf32>,
    %get3A_1590 = arith.constant 1 : i32
    %get3A_1591 = arith.index_cast %get3A_1590 : i32 to index
    %get3A_1592 = arith.constant 1248 : index
    %get3A_1593 = tpu.vector_load %arg9[%get3A_1591, %get3A_1592] {strides = array<i32>} : memref<8x1280xf32, #tpu.memory_space<vmem>>, vector<1x16xf32>,
    %get3A_1594 = vector.shape_cast %get3A_1593 : vector<1x16xf32> to vector<16xf32>
    %mul3A_1595 = arith.mulf %get3A_2, %get3A_1594 : vector<16xf32>
    %swap3A_1596 = arith.constant 2528 : index
    %swap3A_1597 = tpu.vector_load %arg10[%swap3A_1596] {strides = array<i32>} : memref<2560xf32, #tpu.memory_space<vmem>>, vector<16xf32>,
    %swap3A_1598 = vector.shape_cast %swap3A_1597 : vector<16xf32> to vector<16xf32>
    %swap3A_1599 = vector.shape_cast %mul3A_1595 : vector<16xf32> to vector<16xf32>
    tpu.vector_store %arg10[%swap3A_1596], %swap3A_1599 {strides = array<i32>} : memref<2560xf32, #tpu.memory_space<vmem>>, vector<16xf32>,
    %get3A_1600 = arith.constant 1 : i32
    %get3A_1601 = arith.index_cast %get3A_1600 : i32 to index
    %get3A_1602 = arith.constant 1264 : index
    %get3A_1603 = tpu.vector_load %arg9[%get3A_1601, %get3A_1602] {strides = array<i32>} : memref<8x1280xf32, #tpu.memory_space<vmem>>, vector<1x16xf32>,
    %get3A_1604 = vector.shape_cast %get3A_1603 : vector<1x16xf32> to vector<16xf32>
    %mul3A_1605 = arith.mulf %get3A_2, %get3A_1604 : vector<16xf32>
    %swap3A_1606 = arith.constant 2544 : index
    %swap3A_1607 = tpu.vector_load %arg10[%swap3A_1606] {strides = array<i32>} : memref<2560xf32, #tpu.memory_space<vmem>>, vector<16xf32>,
    %swap3A_1608 = vector.shape_cast %swap3A_1607 : vector<16xf32> to vector<16xf32>
    %swap3A_1609 = vector.shape_cast %mul3A_1605 : vector<16xf32> to vector<16xf32>
    tpu.vector_store %arg10[%swap3A_1606], %swap3A_1609 {strides = array<i32>} : memref<2560xf32, #tpu.memory_space<vmem>>, vector<16xf32>,
    %mul3A_1610 = arith.constant 2 : i32
    %mul3A_1611 = arith.muli %add3A, %mul3A_1610 : i32
    %add3A_1612 = arith.constant 0 : i32
    %add3A_1613 = arith.addi %mul3A_1611, %add3A_1612 : i32
    %mul3A_1614 = arith.constant 1312000 : i32
    %mul3A_1615 = arith.muli %add3A_1613, %mul3A_1614 : i32
    %add3A_1616 = arith.constant 0 : i32
    %add3A_1617 = arith.addi %mul3A_1615, %add3A_1616 : i32
    %dma_start3A_1618 = arith.constant 0 : i32
    %dma_start3A_1619 = arith.constant 0 : i32
    %dma_start3A_1620 = tpu.memref_slice %arg11[%dma_start3A_1619] : memref<96000xf32, #tpu.memory_space<vmem>> -> memref<32000xf32, #tpu.memory_space<vmem>>
    %dma_start3A_1621 = tpu.memref_slice %arg2[%add3A_1617] : memref<83968000xf32, #tpu.memory_space<hbm>> -> memref<32000xf32, #tpu.memory_space<hbm>>
    %dma_start3A_1622 = tpu.memref_slice %arg12[%dma_start3A_1618] : memref<3x!tpu.dma_semaphore, #tpu.memory_space<semaphore_mem>> -> memref<1x!tpu.dma_semaphore, #tpu.memory_space<semaphore_mem>>
    %dma_start3A_1623 = tpu.memref_squeeze %dma_start3A_1622 : memref<1x!tpu.dma_semaphore, #tpu.memory_space<semaphore_mem>> -> memref<!tpu.dma_semaphore, #tpu.memory_space<semaphore_mem>>
    %dma_start3A_1624 = arith.constant 0 : i32
    %dma_start3A_1625 = tpu.memref_slice %arg11[%dma_start3A_1624] : memref<96000xf32, #tpu.memory_space<vmem>> -> memref<32000xf32, #tpu.memory_space<vmem>>
    %dma_start3A_1626 = tpu.memref_slice %arg2[%add3A_1617] : memref<83968000xf32, #tpu.memory_space<hbm>> -> memref<32000xf32, #tpu.memory_space<hbm>>
    tpu.enqueue_dma source(%dma_start3A_1626 : memref<32000xf32, #tpu.memory_space<hbm>>) target(%dma_start3A_1625 : memref<32000xf32, #tpu.memory_space<vmem>>) target_semaphore(%dma_start3A_1623 : memref<!tpu.dma_semaphore, #tpu.memory_space<semaphore_mem>>)
    %mul3A_1627 = arith.constant 2 : i32
    %mul3A_1628 = arith.muli %add3A, %mul3A_1627 : i32
    %add3A_1629 = arith.constant 0 : i32
    %add3A_1630 = arith.addi %mul3A_1628, %add3A_1629 : i32
    %mul3A_1631 = arith.constant 1312000 : i32
    %mul3A_1632 = arith.muli %add3A_1630, %mul3A_1631 : i32
    %add3A_1633 = arith.constant 32000 : i32
    %add3A_1634 = arith.addi %mul3A_1632, %add3A_1633 : i32
    %dma_start3A_1635 = arith.constant 1 : i32
    %dma_start3A_1636 = arith.constant 32000 : i32
    %dma_start3A_1637 = tpu.memref_slice %arg11[%dma_start3A_1636] : memref<96000xf32, #tpu.memory_space<vmem>> -> memref<32000xf32, #tpu.memory_space<vmem>>
    %dma_start3A_1638 = tpu.memref_slice %arg2[%add3A_1634] : memref<83968000xf32, #tpu.memory_space<hbm>> -> memref<32000xf32, #tpu.memory_space<hbm>>
    %dma_start3A_1639 = tpu.memref_slice %arg12[%dma_start3A_1635] : memref<3x!tpu.dma_semaphore, #tpu.memory_space<semaphore_mem>> -> memref<1x!tpu.dma_semaphore, #tpu.memory_space<semaphore_mem>>
    %dma_start3A_1640 = tpu.memref_squeeze %dma_start3A_1639 : memref<1x!tpu.dma_semaphore, #tpu.memory_space<semaphore_mem>> -> memref<!tpu.dma_semaphore, #tpu.memory_space<semaphore_mem>>
    %dma_start3A_1641 = arith.constant 32000 : i32
    %dma_start3A_1642 = tpu.memref_slice %arg11[%dma_start3A_1641] : memref<96000xf32, #tpu.memory_space<vmem>> -> memref<32000xf32, #tpu.memory_space<vmem>>
    %dma_start3A_1643 = tpu.memref_slice %arg2[%add3A_1634] : memref<83968000xf32, #tpu.memory_space<hbm>> -> memref<32000xf32, #tpu.memory_space<hbm>>
    tpu.enqueue_dma source(%dma_start3A_1643 : memref<32000xf32, #tpu.memory_space<hbm>>) target(%dma_start3A_1642 : memref<32000xf32, #tpu.memory_space<vmem>>) target_semaphore(%dma_start3A_1640 : memref<!tpu.dma_semaphore, #tpu.memory_space<semaphore_mem>>)
    %mul3A_1644 = arith.constant 2 : i32
    %mul3A_1645 = arith.muli %add3A, %mul3A_1644 : i32
    %add3A_1646 = arith.constant 0 : i32
    %add3A_1647 = arith.addi %mul3A_1645, %add3A_1646 : i32
    %mul3A_1648 = arith.constant 1312000 : i32
    %mul3A_1649 = arith.muli %add3A_1647, %mul3A_1648 : i32
    %add3A_1650 = arith.constant 64000 : i32
    %add3A_1651 = arith.addi %mul3A_1649, %add3A_1650 : i32
    %dma_start3A_1652 = arith.constant 2 : i32
    %dma_start3A_1653 = arith.constant 64000 : i32
    %dma_start3A_1654 = tpu.memref_slice %arg11[%dma_start3A_1653] : memref<96000xf32, #tpu.memory_space<vmem>> -> memref<32000xf32, #tpu.memory_space<vmem>>
    %dma_start3A_1655 = tpu.memref_slice %arg2[%add3A_1651] : memref<83968000xf32, #tpu.memory_space<hbm>> -> memref<32000xf32, #tpu.memory_space<hbm>>
    %dma_start3A_1656 = tpu.memref_slice %arg12[%dma_start3A_1652] : memref<3x!tpu.dma_semaphore, #tpu.memory_space<semaphore_mem>> -> memref<1x!tpu.dma_semaphore, #tpu.memory_space<semaphore_mem>>
    %dma_start3A_1657 = tpu.memref_squeeze %dma_start3A_1656 : memref<1x!tpu.dma_semaphore, #tpu.memory_space<semaphore_mem>> -> memref<!tpu.dma_semaphore, #tpu.memory_space<semaphore_mem>>
    %dma_start3A_1658 = arith.constant 64000 : i32
    %dma_start3A_1659 = tpu.memref_slice %arg11[%dma_start3A_1658] : memref<96000xf32, #tpu.memory_space<vmem>> -> memref<32000xf32, #tpu.memory_space<vmem>>
    %dma_start3A_1660 = tpu.memref_slice %arg2[%add3A_1651] : memref<83968000xf32, #tpu.memory_space<hbm>> -> memref<32000xf32, #tpu.memory_space<hbm>>
    tpu.enqueue_dma source(%dma_start3A_1660 : memref<32000xf32, #tpu.memory_space<hbm>>) target(%dma_start3A_1659 : memref<32000xf32, #tpu.memory_space<vmem>>) target_semaphore(%dma_start3A_1657 : memref<!tpu.dma_semaphore, #tpu.memory_space<semaphore_mem>>)
    %scan3A = arith.constant 0 : i32
    %scan3A_1661 = arith.constant 82 : i32
    %scan3A_1662 = arith.addi %scan3A, %scan3A_1661 : i32
    %scan3A_1663 = arith.constant 1 : i32
    scf.for %scan3A_1699 = %scan3A to %scan3A_1662 step %scan3A_1663  : i32 {
      %mul3A_1700 = arith.constant 1 : i32
      %mul3A_1701 = arith.muli %scan3A_1699, %mul3A_1700 : i32
      %add3A_1702 = arith.constant 0 : i32
      %add3A_1703 = arith.addi %add3A_1702, %mul3A_1701 : i32
      %jit3A = arith.constant 3 : i32
      %eq3A = arith.constant 0 : i32
      %eq3A_1704 = arith.cmpi eq, %jit3A, %eq3A : i32
      %jit3A_1705 = arith.constant 1 : i32
      %select_n3A = arith.select %eq3A_1704, %jit3A_1705, %jit3A : i32
      %rem3A = arith.remsi %add3A_1703, %select_n3A : i32
      %ne3A = arith.constant 0 : i32
      %ne3A_1706 = arith.cmpi ne, %rem3A, %ne3A : i32
      %lt3A = arith.constant 0 : i32
      %lt3A_1707 = arith.cmpi slt, %rem3A, %lt3A : i32
      %lt3A_1708 = arith.constant 0 : i32
      %lt3A_1709 = arith.cmpi slt, %select_n3A, %lt3A_1708 : i32
      %ne3A_1710 = arith.xori %lt3A_1707, %lt3A_1709 : i1
      %and3A = arith.andi %ne3A_1710, %ne3A_1706 : i1
      %add3A_1711 = arith.addi %rem3A, %select_n3A : i32
      %select_n3A_1712 = arith.select %and3A, %add3A_1711, %rem3A : i32
      %ge3A = arith.constant 2 : i32
      %ge3A_1713 = arith.cmpi sge, %add3A_1703, %ge3A : i32
      %convert_element_type3A = arith.extui %ge3A_1713 : i1 to i32
      %cond3A = arith.constant 0 : i32
      %cond3A_1714 = arith.cmpi ne, %convert_element_type3A, %cond3A : i32
      scf.if %cond3A_1714 {
        %sub3A_1832 = arith.constant 2 : i32
        %sub3A_1833 = arith.subi %add3A_1703, %sub3A_1832 : i32
        %add3A_1834 = arith.constant 1 : i32
        %add3A_1835 = arith.addi %add3A_1703, %add3A_1834 : i32
        %jit3A_1836 = arith.constant 3 : i32
        %eq3A_1837 = arith.constant 0 : i32
        %eq3A_1838 = arith.cmpi eq, %jit3A_1836, %eq3A_1837 : i32
        %jit3A_1839 = arith.constant 1 : i32
        %select_n3A_1840 = arith.select %eq3A_1838, %jit3A_1839, %jit3A_1836 : i32
        %rem3A_1841 = arith.remsi %add3A_1835, %select_n3A_1840 : i32
        %ne3A_1842 = arith.constant 0 : i32
        %ne3A_1843 = arith.cmpi ne, %rem3A_1841, %ne3A_1842 : i32
        %lt3A_1844 = arith.constant 0 : i32
        %lt3A_1845 = arith.cmpi slt, %rem3A_1841, %lt3A_1844 : i32
        %lt3A_1846 = arith.constant 0 : i32
        %lt3A_1847 = arith.cmpi slt, %select_n3A_1840, %lt3A_1846 : i32
        %ne3A_1848 = arith.xori %lt3A_1845, %lt3A_1847 : i1
        %and3A_1849 = arith.andi %ne3A_1848, %ne3A_1843 : i1
        %add3A_1850 = arith.addi %rem3A_1841, %select_n3A_1840 : i32
        %select_n3A_1851 = arith.select %and3A_1849, %add3A_1850, %rem3A_1841 : i32
        %mul3A_1852 = arith.constant 32000 : i32
        %mul3A_1853 = arith.muli %select_n3A_1851, %mul3A_1852 : i32
        %jit3A_1854 = arith.constant 41 : i32
        %div3A_1855 = arith.divsi %sub3A_1833, %jit3A_1854 : i32
        %sign3A_1856 = arith.constant 0 : i32
        %sign3A_1857 = arith.cmpi sgt, %sub3A_1833, %sign3A_1856 : i32
        %sign3A_1858 = arith.extui %sign3A_1857 : i1 to i32
        %sign3A_1859 = arith.constant 0 : i32
        %sign3A_1860 = arith.cmpi slt, %sub3A_1833, %sign3A_1859 : i32
        %sign3A_1861 = arith.extui %sign3A_1860 : i1 to i32
        %sign3A_1862 = arith.subi %sign3A_1858, %sign3A_1861 : i32
        %sign3A_1863 = arith.constant 0 : i32
        %sign3A_1864 = arith.cmpi sgt, %jit3A_1854, %sign3A_1863 : i32
        %sign3A_1865 = arith.extui %sign3A_1864 : i1 to i32
        %sign3A_1866 = arith.constant 0 : i32
        %sign3A_1867 = arith.cmpi slt, %jit3A_1854, %sign3A_1866 : i32
        %sign3A_1868 = arith.extui %sign3A_1867 : i1 to i32
        %sign3A_1869 = arith.subi %sign3A_1865, %sign3A_1868 : i32
        %ne3A_1870 = arith.cmpi ne, %sign3A_1862, %sign3A_1869 : i32
        %rem3A_1871 = arith.remsi %sub3A_1833, %jit3A_1854 : i32
        %ne3A_1872 = arith.constant 0 : i32
        %ne3A_1873 = arith.cmpi ne, %rem3A_1871, %ne3A_1872 : i32
        %and3A_1874 = arith.andi %ne3A_1870, %ne3A_1873 : i1
        %sub3A_1875 = arith.constant 1 : i32
        %sub3A_1876 = arith.subi %div3A_1855, %sub3A_1875 : i32
        %select_n3A_1877 = arith.select %and3A_1874, %sub3A_1876, %div3A_1855 : i32
        %mul3A_1878 = arith.constant 41 : i32
        %mul3A_1879 = arith.muli %select_n3A_1877, %mul3A_1878 : i32
        %sub3A_1880 = arith.subi %sub3A_1833, %mul3A_1879 : i32
        %mul3A_1881 = arith.constant 2 : i32
        %mul3A_1882 = arith.muli %add3A, %mul3A_1881 : i32
        %add3A_1883 = arith.addi %mul3A_1882, %select_n3A_1877 : i32
        %mul3A_1884 = arith.constant 1312000 : i32
        %mul3A_1885 = arith.muli %add3A_1883, %mul3A_1884 : i32
        %mul3A_1886 = arith.constant 32000 : i32
        %mul3A_1887 = arith.muli %sub3A_1880, %mul3A_1886 : i32
        %add3A_1888 = arith.addi %mul3A_1885, %mul3A_1887 : i32
        %dma_wait3A_1889 = tpu.memref_slice %arg11[%mul3A_1853] : memref<96000xf32, #tpu.memory_space<vmem>> -> memref<32000xf32, #tpu.memory_space<vmem>>
        %dma_wait3A_1890 = tpu.memref_slice %arg6[%add3A_1888] : memref<83968000xf32, #tpu.memory_space<hbm>> -> memref<32000xf32, #tpu.memory_space<hbm>>
        %dma_wait3A_1891 = tpu.memref_slice %arg13[%select_n3A_1851] : memref<3x!tpu.dma_semaphore, #tpu.memory_space<semaphore_mem>> -> memref<1x!tpu.dma_semaphore, #tpu.memory_space<semaphore_mem>>
        %dma_wait3A_1892 = tpu.memref_squeeze %dma_wait3A_1891 : memref<1x!tpu.dma_semaphore, #tpu.memory_space<semaphore_mem>> -> memref<!tpu.dma_semaphore, #tpu.memory_space<semaphore_mem>>
        %dma_wait3A_1893 = tpu.memref_slice %arg6[%add3A_1888] : memref<83968000xf32, #tpu.memory_space<hbm>> -> memref<32000xf32, #tpu.memory_space<hbm>>
        %dma_wait3A_1894 = tpu.memref_slice %arg11[%mul3A_1853] : memref<96000xf32, #tpu.memory_space<vmem>> -> memref<32000xf32, #tpu.memory_space<vmem>>
        tpu.wait_dma2 semaphore(%dma_wait3A_1892 : memref<!tpu.dma_semaphore, #tpu.memory_space<semaphore_mem>>) src(%dma_wait3A_1894 : memref<32000xf32, #tpu.memory_space<vmem>>) dst(%dma_wait3A_1893 : memref<32000xf32, #tpu.memory_space<hbm>>)
      } else {
      }
      %ge3A_1715 = arith.constant 2 : i32
      %ge3A_1716 = arith.cmpi sge, %add3A_1703, %ge3A_1715 : i32
      %add3A_1717 = arith.constant 1 : i32
      %add3A_1718 = arith.addi %add3A_1703, %add3A_1717 : i32
      %lt3A_1719 = arith.constant 82 : i32
      %lt3A_1720 = arith.cmpi slt, %add3A_1718, %lt3A_1719 : i32
      %and3A_1721 = arith.andi %ge3A_1716, %lt3A_1720 : i1
      %convert_element_type3A_1722 = arith.extui %and3A_1721 : i1 to i32
      %cond3A_1723 = arith.constant 0 : i32
      %cond3A_1724 = arith.cmpi ne, %convert_element_type3A_1722, %cond3A_1723 : i32
      scf.if %cond3A_1724 {
        %add3A_1832 = arith.constant 1 : i32
        %add3A_1833 = arith.addi %add3A_1703, %add3A_1832 : i32
        %add3A_1834 = arith.constant 1 : i32
        %add3A_1835 = arith.addi %add3A_1703, %add3A_1834 : i32
        %jit3A_1836 = arith.constant 3 : i32
        %eq3A_1837 = arith.constant 0 : i32
        %eq3A_1838 = arith.cmpi eq, %jit3A_1836, %eq3A_1837 : i32
        %jit3A_1839 = arith.constant 1 : i32
        %select_n3A_1840 = arith.select %eq3A_1838, %jit3A_1839, %jit3A_1836 : i32
        %rem3A_1841 = arith.remsi %add3A_1835, %select_n3A_1840 : i32
        %ne3A_1842 = arith.constant 0 : i32
        %ne3A_1843 = arith.cmpi ne, %rem3A_1841, %ne3A_1842 : i32
        %lt3A_1844 = arith.constant 0 : i32
        %lt3A_1845 = arith.cmpi slt, %rem3A_1841, %lt3A_1844 : i32
        %lt3A_1846 = arith.constant 0 : i32
        %lt3A_1847 = arith.cmpi slt, %select_n3A_1840, %lt3A_1846 : i32
        %ne3A_1848 = arith.xori %lt3A_1845, %lt3A_1847 : i1
        %and3A_1849 = arith.andi %ne3A_1848, %ne3A_1843 : i1
        %add3A_1850 = arith.addi %rem3A_1841, %select_n3A_1840 : i32
        %select_n3A_1851 = arith.select %and3A_1849, %add3A_1850, %rem3A_1841 : i32
        %jit3A_1852 = arith.constant 41 : i32
        %div3A_1853 = arith.divsi %add3A_1833, %jit3A_1852 : i32
        %sign3A_1854 = arith.constant 0 : i32
        %sign3A_1855 = arith.cmpi sgt, %add3A_1833, %sign3A_1854 : i32
        %sign3A_1856 = arith.extui %sign3A_1855 : i1 to i32
        %sign3A_1857 = arith.constant 0 : i32
        %sign3A_1858 = arith.cmpi slt, %add3A_1833, %sign3A_1857 : i32
        %sign3A_1859 = arith.extui %sign3A_1858 : i1 to i32
        %sign3A_1860 = arith.subi %sign3A_1856, %sign3A_1859 : i32
        %sign3A_1861 = arith.constant 0 : i32
        %sign3A_1862 = arith.cmpi sgt, %jit3A_1852, %sign3A_1861 : i32
        %sign3A_1863 = arith.extui %sign3A_1862 : i1 to i32
        %sign3A_1864 = arith.constant 0 : i32
        %sign3A_1865 = arith.cmpi slt, %jit3A_1852, %sign3A_1864 : i32
        %sign3A_1866 = arith.extui %sign3A_1865 : i1 to i32
        %sign3A_1867 = arith.subi %sign3A_1863, %sign3A_1866 : i32
        %ne3A_1868 = arith.cmpi ne, %sign3A_1860, %sign3A_1867 : i32
        %rem3A_1869 = arith.remsi %add3A_1833, %jit3A_1852 : i32
        %ne3A_1870 = arith.constant 0 : i32
        %ne3A_1871 = arith.cmpi ne, %rem3A_1869, %ne3A_1870 : i32
        %and3A_1872 = arith.andi %ne3A_1868, %ne3A_1871 : i1
        %sub3A_1873 = arith.constant 1 : i32
        %sub3A_1874 = arith.subi %div3A_1853, %sub3A_1873 : i32
        %select_n3A_1875 = arith.select %and3A_1872, %sub3A_1874, %div3A_1853 : i32
        %mul3A_1876 = arith.constant 41 : i32
        %mul3A_1877 = arith.muli %select_n3A_1875, %mul3A_1876 : i32
        %sub3A_1878 = arith.subi %add3A_1833, %mul3A_1877 : i32
        %mul3A_1879 = arith.constant 2 : i32
        %mul3A_1880 = arith.muli %add3A, %mul3A_1879 : i32
        %add3A_1881 = arith.addi %mul3A_1880, %select_n3A_1875 : i32
        %mul3A_1882 = arith.constant 1312000 : i32
        %mul3A_1883 = arith.muli %add3A_1881, %mul3A_1882 : i32
        %mul3A_1884 = arith.constant 32000 : i32
        %mul3A_1885 = arith.muli %sub3A_1878, %mul3A_1884 : i32
        %add3A_1886 = arith.addi %mul3A_1883, %mul3A_1885 : i32
        %mul3A_1887 = arith.constant 32000 : i32
        %mul3A_1888 = arith.muli %select_n3A_1851, %mul3A_1887 : i32
        %dma_start3A_1889 = tpu.memref_slice %arg11[%mul3A_1888] : memref<96000xf32, #tpu.memory_space<vmem>> -> memref<32000xf32, #tpu.memory_space<vmem>>
        %dma_start3A_1890 = tpu.memref_slice %arg2[%add3A_1886] : memref<83968000xf32, #tpu.memory_space<hbm>> -> memref<32000xf32, #tpu.memory_space<hbm>>
        %dma_start3A_1891 = tpu.memref_slice %arg12[%select_n3A_1851] : memref<3x!tpu.dma_semaphore, #tpu.memory_space<semaphore_mem>> -> memref<1x!tpu.dma_semaphore, #tpu.memory_space<semaphore_mem>>
        %dma_start3A_1892 = tpu.memref_squeeze %dma_start3A_1891 : memref<1x!tpu.dma_semaphore, #tpu.memory_space<semaphore_mem>> -> memref<!tpu.dma_semaphore, #tpu.memory_space<semaphore_mem>>
        %dma_start3A_1893 = tpu.memref_slice %arg11[%mul3A_1888] : memref<96000xf32, #tpu.memory_space<vmem>> -> memref<32000xf32, #tpu.memory_space<vmem>>
        %dma_start3A_1894 = tpu.memref_slice %arg2[%add3A_1886] : memref<83968000xf32, #tpu.memory_space<hbm>> -> memref<32000xf32, #tpu.memory_space<hbm>>
        tpu.enqueue_dma source(%dma_start3A_1894 : memref<32000xf32, #tpu.memory_space<hbm>>) target(%dma_start3A_1893 : memref<32000xf32, #tpu.memory_space<vmem>>) target_semaphore(%dma_start3A_1892 : memref<!tpu.dma_semaphore, #tpu.memory_space<semaphore_mem>>)
      } else {
      }
      %jit3A_1725 = arith.constant 41 : i32
      %div3A = arith.divsi %add3A_1703, %jit3A_1725 : i32
      %sign3A = arith.constant 0 : i32
      %sign3A_1726 = arith.cmpi sgt, %add3A_1703, %sign3A : i32
      %sign3A_1727 = arith.extui %sign3A_1726 : i1 to i32
      %sign3A_1728 = arith.constant 0 : i32
      %sign3A_1729 = arith.cmpi slt, %add3A_1703, %sign3A_1728 : i32
      %sign3A_1730 = arith.extui %sign3A_1729 : i1 to i32
      %sign3A_1731 = arith.subi %sign3A_1727, %sign3A_1730 : i32
      %sign3A_1732 = arith.constant 0 : i32
      %sign3A_1733 = arith.cmpi sgt, %jit3A_1725, %sign3A_1732 : i32
      %sign3A_1734 = arith.extui %sign3A_1733 : i1 to i32
      %sign3A_1735 = arith.constant 0 : i32
      %sign3A_1736 = arith.cmpi slt, %jit3A_1725, %sign3A_1735 : i32
      %sign3A_1737 = arith.extui %sign3A_1736 : i1 to i32
      %sign3A_1738 = arith.subi %sign3A_1734, %sign3A_1737 : i32
      %ne3A_1739 = arith.cmpi ne, %sign3A_1731, %sign3A_1738 : i32
      %rem3A_1740 = arith.remsi %add3A_1703, %jit3A_1725 : i32
      %ne3A_1741 = arith.constant 0 : i32
      %ne3A_1742 = arith.cmpi ne, %rem3A_1740, %ne3A_1741 : i32
      %and3A_1743 = arith.andi %ne3A_1739, %ne3A_1742 : i1
      %sub3A = arith.constant 1 : i32
      %sub3A_1744 = arith.subi %div3A, %sub3A : i32
      %select_n3A_1745 = arith.select %and3A_1743, %sub3A_1744, %div3A : i32
      %mul3A_1746 = arith.constant 41 : i32
      %mul3A_1747 = arith.muli %select_n3A_1745, %mul3A_1746 : i32
      %sub3A_1748 = arith.subi %add3A_1703, %mul3A_1747 : i32
      %mul3A_1749 = arith.constant 2 : i32
      %mul3A_1750 = arith.muli %add3A, %mul3A_1749 : i32
      %add3A_1751 = arith.addi %mul3A_1750, %select_n3A_1745 : i32
      %mul3A_1752 = arith.constant 1312000 : i32
      %mul3A_1753 = arith.muli %add3A_1751, %mul3A_1752 : i32
      %mul3A_1754 = arith.constant 32000 : i32
      %mul3A_1755 = arith.muli %sub3A_1748, %mul3A_1754 : i32
      %add3A_1756 = arith.addi %mul3A_1753, %mul3A_1755 : i32
      %mul3A_1757 = arith.constant 32000 : i32
      %mul3A_1758 = arith.muli %select_n3A_1712, %mul3A_1757 : i32
      %dma_wait3A_1759 = tpu.memref_slice %arg11[%mul3A_1758] : memref<96000xf32, #tpu.memory_space<vmem>> -> memref<32000xf32, #tpu.memory_space<vmem>>
      %dma_wait3A_1760 = tpu.memref_slice %arg2[%add3A_1756] : memref<83968000xf32, #tpu.memory_space<hbm>> -> memref<32000xf32, #tpu.memory_space<hbm>>
      %dma_wait3A_1761 = tpu.memref_slice %arg12[%select_n3A_1712] : memref<3x!tpu.dma_semaphore, #tpu.memory_space<semaphore_mem>> -> memref<1x!tpu.dma_semaphore, #tpu.memory_space<semaphore_mem>>
      %dma_wait3A_1762 = tpu.memref_squeeze %dma_wait3A_1761 : memref<1x!tpu.dma_semaphore, #tpu.memory_space<semaphore_mem>> -> memref<!tpu.dma_semaphore, #tpu.memory_space<semaphore_mem>>
      %dma_wait3A_1763 = tpu.memref_slice %arg11[%mul3A_1758] : memref<96000xf32, #tpu.memory_space<vmem>> -> memref<32000xf32, #tpu.memory_space<vmem>>
      %dma_wait3A_1764 = tpu.memref_slice %arg2[%add3A_1756] : memref<83968000xf32, #tpu.memory_space<hbm>> -> memref<32000xf32, #tpu.memory_space<hbm>>
      tpu.wait_dma2 semaphore(%dma_wait3A_1762 : memref<!tpu.dma_semaphore, #tpu.memory_space<semaphore_mem>>) src(%dma_wait3A_1764 : memref<32000xf32, #tpu.memory_space<hbm>>) dst(%dma_wait3A_1763 : memref<32000xf32, #tpu.memory_space<vmem>>)
      %jit3A_1765 = arith.constant 41 : i32
      %div3A_1766 = arith.divsi %add3A_1703, %jit3A_1765 : i32
      %sign3A_1767 = arith.constant 0 : i32
      %sign3A_1768 = arith.cmpi sgt, %add3A_1703, %sign3A_1767 : i32
      %sign3A_1769 = arith.extui %sign3A_1768 : i1 to i32
      %sign3A_1770 = arith.constant 0 : i32
      %sign3A_1771 = arith.cmpi slt, %add3A_1703, %sign3A_1770 : i32
      %sign3A_1772 = arith.extui %sign3A_1771 : i1 to i32
      %sign3A_1773 = arith.subi %sign3A_1769, %sign3A_1772 : i32
      %sign3A_1774 = arith.constant 0 : i32
      %sign3A_1775 = arith.cmpi sgt, %jit3A_1765, %sign3A_1774 : i32
      %sign3A_1776 = arith.extui %sign3A_1775 : i1 to i32
      %sign3A_1777 = arith.constant 0 : i32
      %sign3A_1778 = arith.cmpi slt, %jit3A_1765, %sign3A_1777 : i32
      %sign3A_1779 = arith.extui %sign3A_1778 : i1 to i32
      %sign3A_1780 = arith.subi %sign3A_1776, %sign3A_1779 : i32
      %ne3A_1781 = arith.cmpi ne, %sign3A_1773, %sign3A_1780 : i32
      %rem3A_1782 = arith.remsi %add3A_1703, %jit3A_1765 : i32
      %ne3A_1783 = arith.constant 0 : i32
      %ne3A_1784 = arith.cmpi ne, %rem3A_1782, %ne3A_1783 : i32
      %and3A_1785 = arith.andi %ne3A_1781, %ne3A_1784 : i1
      %sub3A_1786 = arith.constant 1 : i32
      %sub3A_1787 = arith.subi %div3A_1766, %sub3A_1786 : i32
      %select_n3A_1788 = arith.select %and3A_1785, %sub3A_1787, %div3A_1766 : i32
      %mul3A_1789 = arith.constant 32000 : i32
      %mul3A_1790 = arith.muli %select_n3A_1712, %mul3A_1789 : i32
      %jit3A_1791 = arith.constant 41 : i32
      %div3A_1792 = arith.divsi %add3A_1703, %jit3A_1791 : i32
      %sign3A_1793 = arith.constant 0 : i32
      %sign3A_1794 = arith.cmpi sgt, %add3A_1703, %sign3A_1793 : i32
      %sign3A_1795 = arith.extui %sign3A_1794 : i1 to i32
      %sign3A_1796 = arith.constant 0 : i32
      %sign3A_1797 = arith.cmpi slt, %add3A_1703, %sign3A_1796 : i32
      %sign3A_1798 = arith.extui %sign3A_1797 : i1 to i32
      %sign3A_1799 = arith.subi %sign3A_1795, %sign3A_1798 : i32
      %sign3A_1800 = arith.constant 0 : i32
      %sign3A_1801 = arith.cmpi sgt, %jit3A_1791, %sign3A_1800 : i32
      %sign3A_1802 = arith.extui %sign3A_1801 : i1 to i32
      %sign3A_1803 = arith.constant 0 : i32
      %sign3A_1804 = arith.cmpi slt, %jit3A_1791, %sign3A_1803 : i32
      %sign3A_1805 = arith.extui %sign3A_1804 : i1 to i32
      %sign3A_1806 = arith.subi %sign3A_1802, %sign3A_1805 : i32
      %ne3A_1807 = arith.cmpi ne, %sign3A_1799, %sign3A_1806 : i32
      %rem3A_1808 = arith.remsi %add3A_1703, %jit3A_1791 : i32
      %ne3A_1809 = arith.constant 0 : i32
      %ne3A_1810 = arith.cmpi ne, %rem3A_1808, %ne3A_1809 : i32
      %and3A_1811 = arith.andi %ne3A_1807, %ne3A_1810 : i1
      %sub3A_1812 = arith.constant 1 : i32
      %sub3A_1813 = arith.subi %div3A_1792, %sub3A_1812 : i32
      %select_n3A_1814 = arith.select %and3A_1811, %sub3A_1813, %div3A_1792 : i32
      %mul3A_1815 = arith.constant 41 : i32
      %mul3A_1816 = arith.muli %select_n3A_1814, %mul3A_1815 : i32
      %sub3A_1817 = arith.subi %add3A_1703, %mul3A_1816 : i32
      %mul3A_1818 = arith.constant 2 : i32
      %mul3A_1819 = arith.muli %add3A, %mul3A_1818 : i32
      %add3A_1820 = arith.addi %mul3A_1819, %select_n3A_1814 : i32
      %mul3A_1821 = arith.constant 1312000 : i32
      %mul3A_1822 = arith.muli %add3A_1820, %mul3A_1821 : i32
      %mul3A_1823 = arith.constant 32000 : i32
      %mul3A_1824 = arith.muli %sub3A_1817, %mul3A_1823 : i32
      %add3A_1825 = arith.addi %mul3A_1822, %mul3A_1824 : i32
      %dma_start3A_1826 = tpu.memref_slice %arg11[%mul3A_1790] : memref<96000xf32, #tpu.memory_space<vmem>> -> memref<32000xf32, #tpu.memory_space<vmem>>
      %dma_start3A_1827 = tpu.memref_slice %arg6[%add3A_1825] : memref<83968000xf32, #tpu.memory_space<hbm>> -> memref<32000xf32, #tpu.memory_space<hbm>>
      %dma_start3A_1828 = tpu.memref_slice %arg13[%select_n3A_1712] : memref<3x!tpu.dma_semaphore, #tpu.memory_space<semaphore_mem>> -> memref<1x!tpu.dma_semaphore, #tpu.memory_space<semaphore_mem>>
      %dma_start3A_1829 = tpu.memref_squeeze %dma_start3A_1828 : memref<1x!tpu.dma_semaphore, #tpu.memory_space<semaphore_mem>> -> memref<!tpu.dma_semaphore, #tpu.memory_space<semaphore_mem>>
      %dma_start3A_1830 = tpu.memref_slice %arg6[%add3A_1825] : memref<83968000xf32, #tpu.memory_space<hbm>> -> memref<32000xf32, #tpu.memory_space<hbm>>
      %dma_start3A_1831 = tpu.memref_slice %arg11[%mul3A_1790] : memref<96000xf32, #tpu.memory_space<vmem>> -> memref<32000xf32, #tpu.memory_space<vmem>>
      tpu.enqueue_dma source(%dma_start3A_1831 : memref<32000xf32, #tpu.memory_space<vmem>>) target(%dma_start3A_1830 : memref<32000xf32, #tpu.memory_space<hbm>>) target_semaphore(%dma_start3A_1829 : memref<!tpu.dma_semaphore, #tpu.memory_space<semaphore_mem>>)
    }
    %scan3A_1664 = arith.constant 82 : i32
    %mul3A_1665 = arith.constant 2 : i32
    %mul3A_1666 = arith.muli %add3A, %mul3A_1665 : i32
    %add3A_1667 = arith.constant 1 : i32
    %add3A_1668 = arith.addi %mul3A_1666, %add3A_1667 : i32
    %mul3A_1669 = arith.constant 1312000 : i32
    %mul3A_1670 = arith.muli %add3A_1668, %mul3A_1669 : i32
    %add3A_1671 = arith.constant 1248000 : i32
    %add3A_1672 = arith.addi %mul3A_1670, %add3A_1671 : i32
    %dma_wait3A_1673 = arith.constant 2 : i32
    %dma_wait3A_1674 = arith.constant 64000 : i32
    %dma_wait3A_1675 = tpu.memref_slice %arg11[%dma_wait3A_1674] : memref<96000xf32, #tpu.memory_space<vmem>> -> memref<32000xf32, #tpu.memory_space<vmem>>
    %dma_wait3A_1676 = tpu.memref_slice %arg6[%add3A_1672] : memref<83968000xf32, #tpu.memory_space<hbm>> -> memref<32000xf32, #tpu.memory_space<hbm>>
    %dma_wait3A_1677 = tpu.memref_slice %arg13[%dma_wait3A_1673] : memref<3x!tpu.dma_semaphore, #tpu.memory_space<semaphore_mem>> -> memref<1x!tpu.dma_semaphore, #tpu.memory_space<semaphore_mem>>
    %dma_wait3A_1678 = tpu.memref_squeeze %dma_wait3A_1677 : memref<1x!tpu.dma_semaphore, #tpu.memory_space<semaphore_mem>> -> memref<!tpu.dma_semaphore, #tpu.memory_space<semaphore_mem>>
    %dma_wait3A_1679 = tpu.memref_slice %arg6[%add3A_1672] : memref<83968000xf32, #tpu.memory_space<hbm>> -> memref<32000xf32, #tpu.memory_space<hbm>>
    %dma_wait3A_1680 = arith.constant 64000 : i32
    %dma_wait3A_1681 = tpu.memref_slice %arg11[%dma_wait3A_1680] : memref<96000xf32, #tpu.memory_space<vmem>> -> memref<32000xf32, #tpu.memory_space<vmem>>
    tpu.wait_dma2 semaphore(%dma_wait3A_1678 : memref<!tpu.dma_semaphore, #tpu.memory_space<semaphore_mem>>) src(%dma_wait3A_1681 : memref<32000xf32, #tpu.memory_space<vmem>>) dst(%dma_wait3A_1679 : memref<32000xf32, #tpu.memory_space<hbm>>)
    %mul3A_1682 = arith.constant 2 : i32
    %mul3A_1683 = arith.muli %add3A, %mul3A_1682 : i32
    %add3A_1684 = arith.constant 1 : i32
    %add3A_1685 = arith.addi %mul3A_1683, %add3A_1684 : i32
    %mul3A_1686 = arith.constant 1312000 : i32
    %mul3A_1687 = arith.muli %add3A_1685, %mul3A_1686 : i32
    %add3A_1688 = arith.constant 1280000 : i32
    %add3A_1689 = arith.addi %mul3A_1687, %add3A_1688 : i32
    %dma_wait3A_1690 = arith.constant 0 : i32
    %dma_wait3A_1691 = arith.constant 0 : i32
    %dma_wait3A_1692 = tpu.memref_slice %arg11[%dma_wait3A_1691] : memref<96000xf32, #tpu.memory_space<vmem>> -> memref<32000xf32, #tpu.memory_space<vmem>>
    %dma_wait3A_1693 = tpu.memref_slice %arg6[%add3A_1689] : memref<83968000xf32, #tpu.memory_space<hbm>> -> memref<32000xf32, #tpu.memory_space<hbm>>
    %dma_wait3A_1694 = tpu.memref_slice %arg13[%dma_wait3A_1690] : memref<3x!tpu.dma_semaphore, #tpu.memory_space<semaphore_mem>> -> memref<1x!tpu.dma_semaphore, #tpu.memory_space<semaphore_mem>>
    %dma_wait3A_1695 = tpu.memref_squeeze %dma_wait3A_1694 : memref<1x!tpu.dma_semaphore, #tpu.memory_space<semaphore_mem>> -> memref<!tpu.dma_semaphore, #tpu.memory_space<semaphore_mem>>
    %dma_wait3A_1696 = tpu.memref_slice %arg6[%add3A_1689] : memref<83968000xf32, #tpu.memory_space<hbm>> -> memref<32000xf32, #tpu.memory_space<hbm>>
    %dma_wait3A_1697 = arith.constant 0 : i32
    %dma_wait3A_1698 = tpu.memref_slice %arg11[%dma_wait3A_1697] : memref<96000xf32, #tpu.memory_space<vmem>> -> memref<32000xf32, #tpu.memory_space<vmem>>
    tpu.wait_dma2 semaphore(%dma_wait3A_1695 : memref<!tpu.dma_semaphore, #tpu.memory_space<semaphore_mem>>) src(%dma_wait3A_1698 : memref<32000xf32, #tpu.memory_space<vmem>>) dst(%dma_wait3A_1696 : memref<32000xf32, #tpu.memory_space<hbm>>)
    return
  }
}

</mosaic_0001>

<sc_bundles>
// kernel: kernel.3.cloned.1.call-start
scs
__scs_entry_jumppad:
0x0: {  	(pc) =	sbr.rel $0x88, $3  }
0x1: {  	(tag) =	ssettag $0x0;
	lr =	simm.s32 $0x1  }
0x2: {  	[smem:$0x3F9D] =	sst lr;
	_ =	strace $0xD0000000  }
0x3: {  	_ = 	snop  }
0x4: {  	_ = 	snop  }
0x5: {  	_ = 	snop  }
0x6: {  	_ = 	snop  }
0x7: {  	_ = 	snop  }
__scs_overlays_trampoline_lowered:
0x8: {  	[smem:$0x3FAC] =	sst s0  }
0x9: {  	[smem:$0x3FAD] =	sst s1  }
0xa: {  	[smem:$0x3FAE] =	sst s2  }
0xb: {  	[smem:$0x3FAF] =	sst s3  }
0xc: {  	[smem:$0x3FB0] =	sst s4  }
0xd: {  	[smem:$0x3FB1] =	sst s5  }
0xe: {  	[smem:$0x3FB2] =	sst s6  }
0xf: {  	[smem:$0x3FB3] =	sst s7  }
0x10: {  	[smem:$0x3FB4] =	sst s8  }
0x11: {  	[smem:$0x3FB5] =	sst s9;
	s0 =	simm.s32 @!p0 $0x0  }
0x12: {  	s1 =	sld [smem:$0x3F9B];
	s0 =	simm.s32 @p0 $0x1  }
0x13: {  	[smem:$0x3FB6] =	sst s0;
	s0 =	simm.s32 @!p1 $0x0  }
0x14: {  	s2 =	sld [smem:$0x3F9A];
	s0 =	simm.s32 @p1 $0x1  }
0x15: {  	[smem:$0x3FB7] =	sst s0;
	s0 =	simm.s32 @!p2 $0x0  }
0x16: {  	s3 =	sld [smem:$0x3FDB];
	s0 =	simm.s32 @p2 $0x1  }
0x17: {  	s4 =	simm.s32 $0x1BF5;
	[smem:$0x3FB9] =	sst s0  }
0x18: {  	s0 =	sld [smem:$0x3F9C];
	_ =	swait.ge [sflag:s4], $0x0  }
0x19: {  	s7 =	sld [smem:$0x3F9D]  }
0x1a: {  	s8 =	sadd.s32 $0xFFFFE003, lr  }
0x1b: {  	s9 =	sadd.s32 $0xFFFFFEF7, lr;
	s5 =	simm.s32 $0xFFFFFFFF;
	p2 =	slt.u32 s8, $0xFFFFF086  }
0x1c: {  	p1 =	slt.u32 s9, $0xF7A;
	s5 =	simm.s32 @!p2 $0x0  }
0x1d: {  	s5 =	simm.s32 @p1 $0x1;
	p0 =	seq.s32 s7, s2  }
0x1e: {  	s7 =	smul.u32 @!p0 $0xF7A, s2;
	p2 =	seq.s32 @!p0 s5, $0x0  }
0x1f: {  	s9 =	smul.u32 $0xF7A, s1;
	s8 =	simm.s32 @!p0 $0x1BF5;
	p2 =	por !p2, p0  }
0x20: {  	[sflag:s8] =	ssyncset.s32 @!p0 $0xFFFFF086;
	s6 =	sadd.s32 @!p0 s3, s7;
	s7 =	simm.s32 @!p0 $0x108  }
0x21: {  	s3 =	sadd.s32 s3, s9;
	s6 =	sadd.s32 @!p0 $0x88, s6;
	s7 =	simm.s32 @p2 $0x1082  }
0x22: {  	[simem:s7], [sflag:s8] =	dma.local @!p0 [hbm:s6], $0xF7A  }
0x23: {  	s9 =	sor.u32 $0xD0000000, s2;
	s6 =	simm.s32 $0x108;
	_ =	swait.ge @!p0 [sflag:s8], $0x0  }
0x24: {  	s3 =	sadd.s32 $0x88, s3;
	s6 =	simm.s32 @!p1 $0x1082;
	[sflag:s4] =	ssyncset.s32 $0xFFFFF086  }
0x25: {  	[simem:s6], [sflag:s4] =	dma.local [hbm:s3], $0xF7A  }
0x26: {  	[smem:$0x3F9D] =	sst s1;
	(tag) =	ssettag s2;
	_ =	strace s9  }
0x27: {  	s1 =	sld [smem:$0x3FAD]  }
0x28: {  	s2 =	sld [smem:$0x3FAE]  }
0x29: {  	s4 =	sld [smem:$0x3FB0]  }
0x2a: {  	p0 =	seq.s32 s5, $0x0;
	s5 =	sld [smem:$0x3FB1]  }
0x2b: {  	s6 =	sld [smem:$0x3FB2]  }
0x2c: {  	s7 =	sld [smem:$0x3FB3]  }
0x2d: {  	s3 =	simm.s32 $0x108;
	s8 =	sld [smem:$0x3FB4]  }
0x2e: {  	s3 =	simm.s32 @!p0 $0x1082;
	s9 =	sld [smem:$0x3FB5]  }
0x2f: {  	lr =	sadd.s32 s0, s3;
	s0 =	sld [smem:$0x3FAC]  }
0x30: {  	s3 =	sld [smem:$0x3FAF]  }
0x31: {  	[smem:$0x3FB8] =	sst s10  }
0x32: {  	s10 =	sld [smem:$0x3FB6];
	_ =	sdelay $0x3  }
0x33: {  	p0 =	seq.s32 s10, $0x1;
	s10 =	sld [smem:$0x3FB8];
	_ =	sdelay $0x3  }
0x34: {  	[smem:$0x3FB8] =	sst s10  }
0x35: {  	s10 =	sld [smem:$0x3FB7];
	_ =	sdelay $0x3  }
0x36: {  	p1 =	seq.s32 s10, $0x1;
	s10 =	sld [smem:$0x3FB8];
	_ =	sdelay $0x3  }
0x37: {  	[smem:$0x3FB8] =	sst s10  }
0x38: {  	s10 =	sld [smem:$0x3FB9]  }
0x39: {  	_ = 	snop;
	(pc) =	sbr.ind lr, $3  }
0x3a: {  	_ = 	snop  }
0x3b: {  	_ = 	snop  }
0x3c: {  	p2 =	seq.s32 s10, $0x1;
	s10 =	sld [smem:$0x3FB8]  }
0x3d: {  	_ =	shalt  }
0x3e: {  	_ =	shalt  }
0x3f: {  	_ =	shalt  }
0x40: {  	_ =	shalt  }
0x41: {  	_ =	shalt  }
0x42: {  	_ =	shalt  }
0x43: {  	_ =	shalt  }
0x44: {  	_ =	shalt  }
0x45: {  	_ =	shalt  }
0x46: {  	_ =	shalt  }
0x47: {  	_ =	shalt  }
0x48: {  	_ =	shalt  }
0x49: {  	_ =	shalt  }
0x4a: {  	_ =	shalt  }
0x4b: {  	_ =	shalt  }
0x4c: {  	_ =	shalt  }
0x4d: {  	_ =	shalt  }
0x4e: {  	_ =	shalt  }
0x4f: {  	_ =	shalt  }
0x50: {  	_ =	shalt  }
0x51: {  	_ =	shalt  }
0x52: {  	_ =	shalt  }
0x53: {  	_ =	shalt  }
0x54: {  	_ =	shalt  }
0x55: {  	_ =	shalt  }
0x56: {  	_ =	shalt  }
0x57: {  	_ =	shalt  }
0x58: {  	_ =	shalt  }
0x59: {  	_ =	shalt  }
0x5a: {  	_ =	shalt  }
0x5b: {  	_ =	shalt  }
0x5c: {  	_ =	shalt  }
0x5d: {  	_ =	shalt  }
0x5e: {  	_ =	shalt  }
0x5f: {  	_ =	shalt  }
0x60: {  	_ =	shalt  }
0x61: {  	_ =	shalt  }
0x62: {  	_ =	shalt  }
0x63: {  	_ =	shalt  }
0x64: {  	_ =	shalt  }
0x65: {  	_ =	shalt  }
0x66: {  	_ =	shalt  }
0x67: {  	_ =	shalt  }
0x68: {  	_ =	shalt  }
0x69: {  	_ =	shalt  }
0x6a: {  	_ =	shalt  }
0x6b: {  	_ =	shalt  }
0x6c: {  	_ =	shalt  }
0x6d: {  	_ =	shalt  }
0x6e: {  	_ =	shalt  }
0x6f: {  	_ =	shalt  }
0x70: {  	_ =	shalt  }
0x71: {  	_ =	shalt  }
0x72: {  	_ =	shalt  }
0x73: {  	_ =	shalt  }
0x74: {  	_ =	shalt  }
0x75: {  	_ =	shalt  }
0x76: {  	_ =	shalt  }
0x77: {  	_ =	shalt  }
0x78: {  	_ =	shalt  }
0x79: {  	_ =	shalt  }
0x7a: {  	_ =	shalt  }
0x7b: {  	_ =	shalt  }
0x7c: {  	_ =	shalt  }
0x7d: {  	_ =	shalt  }
0x7e: {  	_ =	shalt  }
0x7f: {  	_ =	shalt  }
0x80: {  	_ =	shalt  }
0x81: {  	_ =	shalt  }
0x82: {  	_ =	shalt  }
0x83: {  	_ =	shalt  }
0x84: {  	_ =	shalt  }
0x85: {  	_ =	shalt  }
0x86: {  	_ =	shalt  }
0x87: {  	_ =	shalt  }
.Lfunc_end0:
.L_simem_size_0:
called_computation.1_lowered:
.L_overlay_start_0:
0x88: {  	s2 =	sld [smem:$0x3FD9]  }
0x89: {  	s3 =	sld [smem:$0x3FFE];
	_ =	sdelay $0x1  }
0x8a: {  	s1 =	srdreg.scid  }
0x8b: {  	s0 =	sand.u32 $0x1, s1  }
0x8c: {  	s17 =	sshll.u32 s0, $0xA;
	s2 =	sadd.s32 s3, s2  }
0x8d: {  	s2 =	sadd.s32 s2, s17  }
0x8e: {  	[smem:$0x3FC4] =	sst s2  }
0x8f: {  	_ = 	snop  }
0x90: {  	s2 =	sld [smem:$0x3FD0];
	(tm) =	ssettm $0x1  }
0x91: {  	s18 =	sld [smem:$0x3FFB];
	_ =	sdelay $0x3  }
0x92: {  	_ =	strace s18  }
0x93: {  	s3 =	sld [smem:$0x3FFC];
	_ =	sdelay $0x3  }
0x94: {  	_ =	strace s3  }
0x95: {  	s3 =	sld [smem:$0x3FFD];
	_ =	sdelay $0x3  }
0x96: {  	_ =	strace s3  }
0x97: {  	_ =	strace $0x8FFFFFFF  }
0x98: {  	s19 =	sld [smem:$0x3FDB];
	_ =	sdelay $0x1  }
0x99: {  	s4 =	simm.s32 $_scs_section_size  }
0x9a: {  	s5 =	simm.s32 $_size__tile_overlayer_lowered;
	s6 =	simm.s32 $_tile_overlayer_lowered  }
0x9b: {  	s22 =	simm.s32 $0x1BFF;
	s21 =	sshll.u32 s6, $0x1;
	s3 =	sadd.s32 s4, s19  }
0x9c: {  	s7 =	simm.s32 $0x0;
	s20 =	sshll.u32 s5, $0x1;
	s5 =	sadd.s32 s21, s3  }
0x9d: {  	[timem:s7], [sflag:s22] =	dma.local [hbm:s5], s20  }
0x9e: {  	_ =	swait.ge [sflag:s22], s20  }
0x9f: {  	s4 =	ssub.s32 $0x0, s20;
	[sflag:s22] =	ssyncset.done $0x0  }
0xa0: {  	[sflag:s22] =	ssyncadd.s32 s4;
	_ =	sdelay $0x1  }
0xa1: {  	s23 =	simm.s32 $0x1B8B  }
0xa2: {  	_ =	swait.ge [sflag:s23], $0x1  }
0xa3: {  	[sflag:s23] =	ssyncset.done $0x0  }
0xa4: {  	s25 =	simm.s32 $0x1B8E;
	s24 =	sld [smem:$0x3FFE];
	[sflag:s23] =	ssyncadd.s32 $0xFFFFFFFF  }
0xa5: {  	s26 =	simm.s32 $execute0_lowered;
	[smem:$0x3FD2] =	sst s25  }
0xa6: {  	s5 =	sshll.u32 s26, $0x1;
	_ =	strace $0x80000046;
	[dreg:$0x1] =	wrdreg $0xFFFFFFFF  }
0xa7: {  	s28 =	simm.s32 $_size_execute0_lowered;
	s3 =	sadd.s32 s3, s5;
	[dreg:$0x0] =	wrdreg $0x0  }
0xa8: {  	s5 =	sshll.u32 s28, $0x1;
	[dreg:$0x2] =	wrdreg s3  }
0xa9: {  	[dreg:$0x3] =	wrdreg s5  }
0xaa: {  	[dreg:$0x4] =	wrdreg $0xC0  }
0xab: {  	_ =	task [dreg:s7], $0x5FFFF  }
0xac: {  	[dreg:$0x1] =	wrdreg $0xFFFFFFFF  }
0xad: {  	[dreg:$0x0] =	wrdreg $0x60  }
0xae: {  	[dreg:$0x2] =	wrdreg s2  }
0xaf: {  	[dreg:$0x3] =	wrdreg s24  }
0xb0: {  	[dreg:$0x4] =	wrdreg $0x9  }
0xb1: {  	_ =	task.clear_ibuf [dreg:s7], $0x5FFFF;
	_ =	strace $0x90000046  }
0xb2: {  	s29 =	simm.s32 $0x9;
	_ =	strace $0x80000048  }
0xb3: {  	_ =	swait.ge [sflag:s29], $0x1  }
0xb4: {  	[sflag:s29] =	ssyncadd.s32 $0xFFFFFFFF  }
0xb5: {  	_ =	strace $0x90000048  }
0xb6: {  	_ =	sfence  }
0xb7: {  	s30 =	sld [smem:$0x0];
	_ =	sdelay $0x2  }
0xb8: {  	s31 =	sshll.u32 s1, $0xD;
	s1 =	sshrl.u32 s1, $0x2  }
0xb9: {  	s3 =	sand.u32 $0x4000, s31;
	s1 =	sadd.s32 s1, s30  }
0xba: {  	s0 =	sor.u32 s3, s0;
	s1 =	sshll.u32 s1, $0x11  }
0xbb: {  	s0 =	sor.u32 s1, s0  }
0xbc: {  	s0 =	sadd.s32 $0x8F2B, s0  }
0xbd: {  	[sflag:s0] =	ssyncadd.remote.s32 $0x1  }
0xbe: {  	_ =	sfence.sel $0xFFFF  }
0xbf: {  	[dreg:$0x0] =	wrdreg $0xFFFFFFFF;
	(pc) =	sbr.abs _section_cstart, $3  }
0xc0: {  	[dreg:$0x1] =	wrdreg $0xFFFFFFFF  }
0xc1: {  	_ =	task.clear_ibuf [dreg:s7], $0x2FFFF;
	_ =	strace $0x9FFFFFFF  }
0xc2: {  	(tm) =	ssettm $0x7FFFFFFF  }
0xc3: {  	_ =	shalt  }
tec
execute0_lowered:
.L_overlay_start_1:
0x0: {  	(tag) =	ssettag $0x1  }
0x1: {  	s1 =	rddreg [dreg:$0x0]  }
0x2: {  	s0 =	rddreg [dreg:$0x1]  }
0x3: {  	s2 =	simm.s32 $0x0;
	s20 =	srdreg.scid;
	s5 =	stileid.u32  }
0x4: {  	s17 =	simm.s32 $0x8;
	[smem:$0x7FF] =	sst s2;
	s3 =	sadd.s32 $0x9200, s0  }
0x5: {  	s4 =	sadd.s32 $0xAF8A00, s0;
	_ =	strace $0x80000047;
	[dreg:$0x7] =	wrdreg s3  }
0x6: {  	s26 =	simm.s32 $0x1;
	s6 =	sadd.s32 $0x9600, s0;
	[dreg:$0x8] =	wrdreg s4  }
0x7: {  	s28 =	simm.s32 $0xFFFFFFD7;
	s8 =	sadd.s32 $0x9800, s0;
	[dreg:$0x9] =	wrdreg s6  }
0x8: {  	s29 =	simm.s32 $0x6;
	s22 =	sadd.s32 $0xAF8B00, s0;
	[dreg:$0x6] =	wrdreg s8  }
0x9: {  	s30 =	simm.s32 $0x4;
	s23 =	sadd.s32 $0xAF8C00, s0;
	[dreg:$0xa] =	wrdreg s22  }
0xa: {  	s31 =	simm.s32 $0x0;
	s24 =	sadd.s32 $0xAF8D00, s0;
	[dreg:$0xb] =	wrdreg s23  }
0xb: {  	s21 =	sshll.u32 s5, $0x1;
	s16 =	smul.u32 $0x501400, s5;
	[dreg:$0xc] =	wrdreg s24  }
0xc: {  	s12 =	sadd.s32 $0xAF8E00, s0;
	s3 =	sand.u32 $0x1, s20;
	[dreg:$0x3] =	wrdreg s26  }
0xd: {  	s7 =	ssub.s32 $0x2, s3;
	s4 =	sor.u32 s3, s21;
	s3 =	smul.u32 $0x280A00, s3  }
0xe: {  	s24 =	simm.s32 $0x7;
	[dreg:$0x5] =	wrdreg s28;
	s10 =	smul.u32 $0x280A00, s4  }
0xf: {  	s9 =	sshrl.u32 s7, $0x1;
	s11 =	sshll.u32 s4, $0x3;
	s25 =	sshll.u32 s4, $0x1  }
0x10: {  	v0 =	vlaneseq.u32;
	s15 =	ssub.s32 s7, s9;
	s3 =	sadd.s32 s3, s16;
	s10 =	sshrl.u32 s10, $0x3  }
0x11: {  	v1 =	vshrl.u32 v0, $0x3;
	[dreg:$0x4] =	wrdreg s25;
	s15 =	smax.u32 s15, $0x1;
	s10 =	sadd.s32 s1, s10  }
0x12: {  	vm0 =	vmmov $0xffff;
	v0 =	vand.u32 $0x7, v0;
	v1 =	vmul.u32 $0x8, v1;
	s16 =	sadd.s32 $0x7D00, s3;
	s13 =	sadd.s32 $0xFA0, s10;
	s14 =	sadd.s32 $0x1F40, s10  }
.LBB2_1:
0x13: {  	s0 =	rddreg [dreg:$0x7]  }
0x14: {  	[tilespmem:s2], [sflag:$0x8] =	stream.linear.gather [hbm4b:s0+s2], $0x100, $0x38;
	[tilespmem:$0x1AA80] =	vst v63  }
0x15: {  	_ =	swait.ge [sflag:s17], $0x100  }
0x16: {  	[sflag:s17] =	ssyncset.done $0x0  }
0x17: {  	s3 =	simm.s32 $0x100;
	s19 =	rddreg [dreg:$0x9];
	[sflag:s17] =	ssyncadd.s32 $0xFFFFFF00  }
0x18: {  	[tilespmem:s3], [sflag:$0x8] =	stream.linear.gather [hbm4b:s19+s2], $0x80, $0x38;
	[tilespmem:$0x1AA80] =	vst v63  }
0x19: {  	_ =	swait.ge [sflag:s17], $0x80  }
0x1a: {  	[sflag:s17] =	ssyncset.done $0x0  }
0x1b: {  	[sflag:s17] =	ssyncadd.s32 $0xFFFFFF80  }
0x1c: {  	v2 =	vld.msk [tilespmem:s11+$0x0], $0xff;
	_ =	sdelay $0x4  }
0x1d: {  	v3 =	vshrl.u32 v2, $0x3  }
0x1e: {  	v3 =	vmul.u32 $0x50, v3  }
0x1f: {  	v2 =	vand.u32 $0x7, v2  }
0x20: {  	v2 =	vor.u32 v2, v3  }
0x21: {  	v2 =	vperm.xlane v2, v0;
	_ =	sdelay $0x1  }
0x22: {  	v3 =	vadd.s32 v1, v2;
	_ =	sdelay $0x3  }
0x23: {  	s21 =	simm.s32 $0x180;
	s20 =	rddreg [dreg:$0x8]  }
0x24: {  	v2 =	vld [tilespmem:$0x100];
	[tilespmem:s21], [sflag:$0x7] =	stream.indirect_vreg.gather [hbm4b:s20+s2], $0x80, v3, vm0, $0xb8  }
0x25: {  	s23 =	simm.s32 $0x980;
	s22 =	rddreg [dreg:$0xa]  }
0x26: {  	[tilespmem:s23], [sflag:$0x7] =	stream.indirect_vreg.gather [hbm4b:s22+s2], $0x80, v3, vm0, $0xb8;
	[tilespmem:$0x1AA80] =	vst v63  }
0x27: {  	s26 =	simm.s32 $0x1180;
	s25 =	rddreg [dreg:$0xb]  }
0x28: {  	[tilespmem:s26], [sflag:$0x7] =	stream.indirect_vreg.gather [hbm4b:s25+s2], $0x80, v3, vm0, $0xb8;
	[tilespmem:$0x1AA80] =	vst v63  }
0x29: {  	s4 =	simm.s32 $0x1980;
	s3 =	rddreg [dreg:$0xc]  }
0x2a: {  	[tilespmem:s4], [sflag:$0x7] =	stream.indirect_vreg.gather [hbm4b:s3+s2], $0x80, v3, vm0, $0xb8;
	[tilespmem:$0x1AA80] =	vst v63  }
0x2b: {  	s5 =	simm.s32 $0x2180  }
0x2c: {  	[tilespmem:s5], [sflag:$0x7] =	stream.indirect_vreg.gather [hbm4b:s12+s2], $0x80, v3, vm0, $0xb8;
	[tilespmem:$0x1AA80] =	vst v63  }
0x2d: {  	_ =	swait.ge [sflag:s24], $0x2800  }
0x2e: {  	[sflag:s24] =	ssyncset.done $0x0  }
0x2f: {  	[sflag:s24] =	ssyncadd.s32 $0xFFFFD800  }
0x30: {  	v3 =	vld [tilespmem:$0x180]  }
0x31: {  	v4 =	vld [tilespmem:$0x190]  }
0x32: {  	v5 =	vld [tilespmem:$0x1A0]  }
0x33: {  	v6 =	vld [tilespmem:$0x1B0]  }
0x34: {  	v7 =	vld [tilespmem:$0x1C0]  }
0x35: {  	v8 =	vld [tilespmem:$0x1D0];
	v3 =	vmul.f32 v3, v2  }
0x36: {  	v9 =	vld [tilespmem:$0x1E0];
	v4 =	vmul.f32 v4, v2  }
0x37: {  	v42 =	vld [tilespmem:$0x1F0];
	[tilespmem:$0x2980] =	vst v3;
	v3 =	vmul.f32 v5, v2  }
0x38: {  	v44 =	vld [tilespmem:$0x580];
	v43 =	vmul.f32 v6, v2;
	[tilespmem:$0x2990] =	vst v4  }
0x39: {  	v45 =	vld [tilespmem:$0x590];
	[tilespmem:$0x29A0] =	vst v3;
	v3 =	vmul.f32 v7, v2  }
0x3a: {  	v47 =	vld [tilespmem:$0x5A0];
	v46 =	vmul.f32 v8, v2;
	[tilespmem:$0x29B0] =	vst v43  }
0x3b: {  	v48 =	vld [tilespmem:$0x5B0];
	[tilespmem:$0x29C0] =	vst v3;
	v3 =	vmul.f32 v9, v2  }
0x3c: {  	v50 =	vld [tilespmem:$0x5C0];
	v49 =	vmul.f32 v42, v2;
	[tilespmem:$0x29D0] =	vst v46  }
0x3d: {  	v51 =	vld [tilespmem:$0x5D0];
	[tilespmem:$0x29E0] =	vst v3;
	v3 =	vmul.f32 v44, v2  }
0x3e: {  	v53 =	vld [tilespmem:$0x5E0];
	v52 =	vmul.f32 v45, v2;
	[tilespmem:$0x29F0] =	vst v49  }
0x3f: {  	v54 =	vld [tilespmem:$0x5F0];
	[tilespmem:$0x2A00] =	vst v3;
	v3 =	vmul.f32 v47, v2  }
0x40: {  	v56 =	vld [tilespmem:$0x980];
	v55 =	vmul.f32 v48, v2;
	[tilespmem:$0x2A10] =	vst v52  }
0x41: {  	v57 =	vld [tilespmem:$0x990];
	[tilespmem:$0x2A20] =	vst v3;
	v3 =	vmul.f32 v50, v2  }
0x42: {  	v59 =	vld [tilespmem:$0x9A0];
	v58 =	vmul.f32 v51, v2;
	[tilespmem:$0x2A30] =	vst v55  }
0x43: {  	v60 =	vld [tilespmem:$0x9B0];
	[tilespmem:$0x2A40] =	vst v3;
	v3 =	vmul.f32 v53, v2  }
0x44: {  	v62 =	vld [tilespmem:$0x9C0];
	v61 =	vmul.f32 v54, v2;
	[tilespmem:$0x2A50] =	vst v58  }
0x45: {  	v63 =	vld [tilespmem:$0x9D0];
	[tilespmem:$0x2A60] =	vst v3;
	v3 =	vmul.f32 v56, v2  }
0x46: {  	v12 =	vld [tilespmem:$0x9E0];
	v11 =	vmul.f32 v57, v2;
	[tilespmem:$0x2A70] =	vst v61  }
0x47: {  	v13 =	vld [tilespmem:$0x9F0];
	[tilespmem:$0x2A80] =	vst v3;
	v3 =	vmul.f32 v59, v2  }
0x48: {  	v15 =	vld [tilespmem:$0xD80];
	v14 =	vmul.f32 v60, v2;
	[tilespmem:$0x2A90] =	vst v11  }
0x49: {  	v16 =	vld [tilespmem:$0xD90];
	[tilespmem:$0x2AA0] =	vst v3;
	v3 =	vmul.f32 v62, v2  }
0x4a: {  	v18 =	vld [tilespmem:$0xDA0];
	v17 =	vmul.f32 v63, v2;
	[tilespmem:$0x2AB0] =	vst v14  }
0x4b: {  	v19 =	vld [tilespmem:$0xDB0];
	[tilespmem:$0x2AC0] =	vst v3;
	v3 =	vmul.f32 v12, v2  }
0x4c: {  	v21 =	vld [tilespmem:$0xDC0];
	v20 =	vmul.f32 v13, v2;
	[tilespmem:$0x2AD0] =	vst v17  }
0x4d: {  	v22 =	vld [tilespmem:$0xDD0];
	[tilespmem:$0x2AE0] =	vst v3;
	v3 =	vmul.f32 v15, v2  }
0x4e: {  	v24 =	vld [tilespmem:$0xDE0];
	v23 =	vmul.f32 v16, v2;
	[tilespmem:$0x2AF0] =	vst v20  }
0x4f: {  	v25 =	vld [tilespmem:$0xDF0];
	[tilespmem:$0x2B00] =	vst v3;
	v3 =	vmul.f32 v18, v2  }
0x50: {  	v27 =	vld [tilespmem:$0x1180];
	v26 =	vmul.f32 v19, v2;
	[tilespmem:$0x2B10] =	vst v23  }
0x51: {  	v28 =	vld [tilespmem:$0x1190];
	[tilespmem:$0x2B20] =	vst v3;
	v3 =	vmul.f32 v21, v2  }
0x52: {  	v30 =	vld [tilespmem:$0x11A0];
	v29 =	vmul.f32 v22, v2;
	[tilespmem:$0x2B30] =	vst v26  }
0x53: {  	v31 =	vld [tilespmem:$0x11B0];
	[tilespmem:$0x2B40] =	vst v3;
	v3 =	vmul.f32 v24, v2  }
0x54: {  	v33 =	vld [tilespmem:$0x11C0];
	v32 =	vmul.f32 v25, v2;
	[tilespmem:$0x2B50] =	vst v29  }
0x55: {  	v34 =	vld [tilespmem:$0x11D0];
	[tilespmem:$0x2B60] =	vst v3;
	v3 =	vmul.f32 v27, v2  }
0x56: {  	v36 =	vld [tilespmem:$0x11E0];
	v35 =	vmul.f32 v28, v2;
	[tilespmem:$0x2B70] =	vst v32  }
0x57: {  	v58 =	vld [tilespmem:$0x19D0];
	[tilespmem:$0x2B80] =	vst v3;
	v3 =	vmul.f32 v30, v2  }
0x58: {  	v39 =	vld [tilespmem:$0x1580];
	v38 =	vmul.f32 v31, v2;
	[tilespmem:$0x2B90] =	vst v35  }
0x59: {  	v61 =	vld [tilespmem:$0x19F0];
	[tilespmem:$0x2BA0] =	vst v3;
	v3 =	vmul.f32 v33, v2  }
0x5a: {  	v41 =	vmul.f32 v34, v2;
	v42 =	vld [tilespmem:$0x15A0];
	[tilespmem:$0x2BB0] =	vst v38  }
0x5b: {  	v37 =	vld [tilespmem:$0x11F0];
	[tilespmem:$0x2BC0] =	vst v3;
	v3 =	vmul.f32 v36, v2  }
0x5c: {  	v45 =	vld [tilespmem:$0x15C0];
	[tilespmem:$0x2BD0] =	vst v41;
	v13 =	vmul.f32 v58, v2  }
0x5d: {  	v40 =	vld [tilespmem:$0x1590];
	[tilespmem:$0x2BE0] =	vst v3;
	v3 =	vmul.f32 v39, v2  }
0x5e: {  	v48 =	vld [tilespmem:$0x15E0];
	v16 =	vmul.f32 v61, v2;
	[tilespmem:$0x2CD0] =	vst v13  }
0x5f: {  	v43 =	vld [tilespmem:$0x15B0];
	[tilespmem:$0x2C00] =	vst v3;
	v3 =	vmul.f32 v42, v2  }
0x60: {  	v51 =	vld [tilespmem:$0x1980];
	v44 =	vmul.f32 v37, v2;
	[tilespmem:$0x2CF0] =	vst v16  }
0x61: {  	v46 =	vld [tilespmem:$0x15D0];
	[tilespmem:$0x2C20] =	vst v3;
	v3 =	vmul.f32 v45, v2  }
0x62: {  	v54 =	vld [tilespmem:$0x19A0];
	[tilespmem:$0x2BF0] =	vst v44;
	v47 =	vmul.f32 v40, v2  }
0x63: {  	v49 =	vld [tilespmem:$0x15F0];
	[tilespmem:$0x2C40] =	vst v3;
	v3 =	vmul.f32 v48, v2  }
0x64: {  	v57 =	vld [tilespmem:$0x19C0];
	[tilespmem:$0x2C10] =	vst v47;
	v50 =	vmul.f32 v43, v2  }
0x65: {  	v52 =	vld [tilespmem:$0x1990];
	[tilespmem:$0x2C60] =	vst v3;
	v3 =	vmul.f32 v51, v2  }
0x66: {  	v60 =	vld [tilespmem:$0x19E0];
	[tilespmem:$0x2C30] =	vst v50;
	v53 =	vmul.f32 v46, v2  }
0x67: {  	v55 =	vld [tilespmem:$0x19B0];
	[tilespmem:$0x2C80] =	vst v3;
	v3 =	vmul.f32 v54, v2  }
0x68: {  	v63 =	vld [tilespmem:$0x1D80];
	[tilespmem:$0x2C50] =	vst v53;
	v56 =	vmul.f32 v49, v2  }
0x69: {  	v12 =	vld [tilespmem:$0x1D90];
	[tilespmem:$0x2CA0] =	vst v3;
	v3 =	vmul.f32 v57, v2  }
0x6a: {  	v14 =	vld [tilespmem:$0x1DA0];
	[tilespmem:$0x2C70] =	vst v56;
	v59 =	vmul.f32 v52, v2  }
0x6b: {  	v15 =	vld [tilespmem:$0x1DB0];
	[tilespmem:$0x2CC0] =	vst v3;
	v3 =	vmul.f32 v60, v2  }
0x6c: {  	v17 =	vld [tilespmem:$0x1DC0];
	[tilespmem:$0x2C90] =	vst v59;
	v62 =	vmul.f32 v55, v2  }
0x6d: {  	v18 =	vld [tilespmem:$0x1DD0];
	[tilespmem:$0x2CE0] =	vst v3;
	v3 =	vmul.f32 v63, v2  }
0x6e: {  	v20 =	vld [tilespmem:$0x1DE0];
	[tilespmem:$0x2CB0] =	vst v62;
	v19 =	vmul.f32 v12, v2  }
0x6f: {  	v21 =	vld [tilespmem:$0x1DF0];
	[tilespmem:$0x2D00] =	vst v3;
	v3 =	vmul.f32 v14, v2  }
0x70: {  	v23 =	vld [tilespmem:$0x2180];
	[tilespmem:$0x2D10] =	vst v19;
	v22 =	vmul.f32 v15, v2  }
0x71: {  	v24 =	vld [tilespmem:$0x2190];
	[tilespmem:$0x2D20] =	vst v3;
	v3 =	vmul.f32 v17, v2  }
0x72: {  	v26 =	vld [tilespmem:$0x21A0];
	[tilespmem:$0x2D30] =	vst v22;
	v25 =	vmul.f32 v18, v2  }
0x73: {  	v27 =	vld [tilespmem:$0x21B0];
	[tilespmem:$0x2D40] =	vst v3;
	v3 =	vmul.f32 v20, v2  }
0x74: {  	v29 =	vld [tilespmem:$0x21C0];
	[tilespmem:$0x2D50] =	vst v25;
	v28 =	vmul.f32 v21, v2  }
0x75: {  	v30 =	vld [tilespmem:$0x21D0];
	[tilespmem:$0x2D60] =	vst v3;
	v3 =	vmul.f32 v23, v2  }
0x76: {  	v32 =	vld [tilespmem:$0x21E0];
	[tilespmem:$0x2D70] =	vst v28;
	v31 =	vmul.f32 v24, v2  }
0x77: {  	v33 =	vld [tilespmem:$0x21F0];
	[tilespmem:$0x2D80] =	vst v3;
	v3 =	vmul.f32 v26, v2  }
0x78: {  	v35 =	vld [tilespmem:$0x2580];
	[tilespmem:$0x2D90] =	vst v31;
	v34 =	vmul.f32 v27, v2  }
0x79: {  	v36 =	vld [tilespmem:$0x2590];
	[tilespmem:$0x2DA0] =	vst v3;
	v3 =	vmul.f32 v29, v2  }
0x7a: {  	v38 =	vld [tilespmem:$0x25A0];
	[tilespmem:$0x2DB0] =	vst v34;
	v37 =	vmul.f32 v30, v2  }
0x7b: {  	v39 =	vld [tilespmem:$0x25B0];
	[tilespmem:$0x2DC0] =	vst v3;
	v3 =	vmul.f32 v32, v2  }
0x7c: {  	v41 =	vld [tilespmem:$0x25C0];
	[tilespmem:$0x2DD0] =	vst v37;
	v40 =	vmul.f32 v33, v2  }
0x7d: {  	v42 =	vld [tilespmem:$0x25D0];
	[tilespmem:$0x2DE0] =	vst v3;
	v3 =	vmul.f32 v35, v2  }
0x7e: {  	v44 =	vld [tilespmem:$0x25E0];
	[tilespmem:$0x2DF0] =	vst v40;
	v43 =	vmul.f32 v36, v2  }
0x7f: {  	v45 =	vld [tilespmem:$0x25F0];
	[tilespmem:$0x2E00] =	vst v3;
	v3 =	vmul.f32 v38, v2  }
0x80: {  	v47 =	vld [tilespmem:$0x200];
	[tilespmem:$0x2E10] =	vst v43;
	v46 =	vmul.f32 v39, v2  }
0x81: {  	v48 =	vld [tilespmem:$0x210];
	[tilespmem:$0x2E20] =	vst v3;
	v3 =	vmul.f32 v41, v2  }
0x82: {  	v50 =	vld [tilespmem:$0x220];
	[tilespmem:$0x2E30] =	vst v46;
	v49 =	vmul.f32 v42, v2  }
0x83: {  	v51 =	vld [tilespmem:$0x230];
	[tilespmem:$0x2E40] =	vst v3;
	v3 =	vmul.f32 v44, v2  }
0x84: {  	v53 =	vld [tilespmem:$0x240];
	[tilespmem:$0x2E50] =	vst v49;
	v52 =	vmul.f32 v45, v2  }
0x85: {  	v54 =	vld [tilespmem:$0x250];
	[tilespmem:$0x2E60] =	vst v3;
	v3 =	vmul.f32 v47, v2  }
0x86: {  	v56 =	vld [tilespmem:$0x260];
	[tilespmem:$0x2E70] =	vst v52;
	v55 =	vmul.f32 v48, v2  }
0x87: {  	v57 =	vld [tilespmem:$0x270];
	[tilespmem:$0x2E80] =	vst v3;
	v3 =	vmul.f32 v50, v2  }
0x88: {  	v59 =	vld [tilespmem:$0x600];
	[tilespmem:$0x2E90] =	vst v55;
	v58 =	vmul.f32 v51, v2  }
0x89: {  	v60 =	vld [tilespmem:$0x610];
	[tilespmem:$0x2EA0] =	vst v3;
	v3 =	vmul.f32 v53, v2  }
0x8a: {  	v62 =	vld [tilespmem:$0x620];
	[tilespmem:$0x2EB0] =	vst v58;
	v61 =	vmul.f32 v54, v2  }
0x8b: {  	v63 =	vld [tilespmem:$0x630];
	[tilespmem:$0x2EC0] =	vst v3;
	v3 =	vmul.f32 v56, v2  }
0x8c: {  	v13 =	vld [tilespmem:$0x640];
	[tilespmem:$0x2ED0] =	vst v61;
	v12 =	vmul.f32 v57, v2  }
0x8d: {  	v14 =	vld [tilespmem:$0x650];
	[tilespmem:$0x2EE0] =	vst v3;
	v3 =	vmul.f32 v59, v2  }
0x8e: {  	v16 =	vld [tilespmem:$0x660];
	[tilespmem:$0x2EF0] =	vst v12;
	v15 =	vmul.f32 v60, v2  }
0x8f: {  	v17 =	vld [tilespmem:$0x670];
	[tilespmem:$0x2F00] =	vst v3;
	v3 =	vmul.f32 v62, v2  }
0x90: {  	v19 =	vld [tilespmem:$0xA00];
	[tilespmem:$0x2F10] =	vst v15;
	v18 =	vmul.f32 v63, v2  }
0x91: {  	v20 =	vld [tilespmem:$0xA10];
	[tilespmem:$0x2F20] =	vst v3;
	v3 =	vmul.f32 v13, v2  }
0x92: {  	v22 =	vld [tilespmem:$0xA20];
	[tilespmem:$0x2F30] =	vst v18;
	v21 =	vmul.f32 v14, v2  }
0x93: {  	v23 =	vld [tilespmem:$0xA30];
	[tilespmem:$0x2F40] =	vst v3;
	v3 =	vmul.f32 v16, v2  }
0x94: {  	v25 =	vld [tilespmem:$0xA40];
	[tilespmem:$0x2F50] =	vst v21;
	v24 =	vmul.f32 v17, v2  }
0x95: {  	v26 =	vld [tilespmem:$0xA50];
	[tilespmem:$0x2F60] =	vst v3;
	v3 =	vmul.f32 v19, v2  }
0x96: {  	v28 =	vld [tilespmem:$0xA60];
	[tilespmem:$0x2F70] =	vst v24;
	v27 =	vmul.f32 v20, v2  }
0x97: {  	v29 =	vld [tilespmem:$0xA70];
	[tilespmem:$0x2F80] =	vst v3;
	v3 =	vmul.f32 v22, v2  }
0x98: {  	v31 =	vld [tilespmem:$0xE00];
	[tilespmem:$0x2F90] =	vst v27;
	v30 =	vmul.f32 v23, v2  }
0x99: {  	v32 =	vld [tilespmem:$0xE10];
	[tilespmem:$0x2FA0] =	vst v3;
	v3 =	vmul.f32 v25, v2  }
0x9a: {  	v34 =	vld [tilespmem:$0xE20];
	[tilespmem:$0x2FB0] =	vst v30;
	v33 =	vmul.f32 v26, v2  }
0x9b: {  	v35 =	vld [tilespmem:$0xE30];
	[tilespmem:$0x2FC0] =	vst v3;
	v3 =	vmul.f32 v28, v2  }
0x9c: {  	v37 =	vld [tilespmem:$0xE40];
	[tilespmem:$0x2FD0] =	vst v33;
	v36 =	vmul.f32 v29, v2  }
0x9d: {  	v38 =	vld [tilespmem:$0xE50];
	[tilespmem:$0x2FE0] =	vst v3;
	v3 =	vmul.f32 v31, v2  }
0x9e: {  	v40 =	vld [tilespmem:$0xE60];
	[tilespmem:$0x2FF0] =	vst v36;
	v39 =	vmul.f32 v32, v2  }
0x9f: {  	v41 =	vld [tilespmem:$0xE70];
	[tilespmem:$0x3000] =	vst v3;
	v3 =	vmul.f32 v34, v2  }
0xa0: {  	v43 =	vld [tilespmem:$0x1200];
	[tilespmem:$0x3010] =	vst v39;
	v42 =	vmul.f32 v35, v2  }
0xa1: {  	v44 =	vld [tilespmem:$0x1210];
	[tilespmem:$0x3020] =	vst v3;
	v3 =	vmul.f32 v37, v2  }
0xa2: {  	v46 =	vld [tilespmem:$0x1220];
	[tilespmem:$0x3030] =	vst v42;
	v45 =	vmul.f32 v38, v2  }
0xa3: {  	v47 =	vld [tilespmem:$0x1230];
	[tilespmem:$0x3040] =	vst v3;
	v3 =	vmul.f32 v40, v2  }
0xa4: {  	v49 =	vld [tilespmem:$0x1240];
	[tilespmem:$0x3050] =	vst v45;
	v48 =	vmul.f32 v41, v2  }
0xa5: {  	v50 =	vld [tilespmem:$0x1250];
	[tilespmem:$0x3060] =	vst v3;
	v3 =	vmul.f32 v43, v2  }
0xa6: {  	v52 =	vld [tilespmem:$0x1260];
	[tilespmem:$0x3070] =	vst v48;
	v51 =	vmul.f32 v44, v2  }
0xa7: {  	v53 =	vld [tilespmem:$0x1270];
	[tilespmem:$0x3080] =	vst v3;
	v3 =	vmul.f32 v46, v2  }
0xa8: {  	v55 =	vld [tilespmem:$0x1600];
	[tilespmem:$0x3090] =	vst v51;
	v54 =	vmul.f32 v47, v2  }
0xa9: {  	v56 =	vld [tilespmem:$0x1610];
	[tilespmem:$0x30A0] =	vst v3;
	v3 =	vmul.f32 v49, v2  }
0xaa: {  	v58 =	vld [tilespmem:$0x1620];
	[tilespmem:$0x30B0] =	vst v54;
	v57 =	vmul.f32 v50, v2  }
0xab: {  	v59 =	vld [tilespmem:$0x1630];
	[tilespmem:$0x30C0] =	vst v3;
	v3 =	vmul.f32 v52, v2  }
0xac: {  	v61 =	vld [tilespmem:$0x1640];
	[tilespmem:$0x30D0] =	vst v57;
	v60 =	vmul.f32 v53, v2  }
0xad: {  	v62 =	vld [tilespmem:$0x1650];
	[tilespmem:$0x30E0] =	vst v3;
	v3 =	vmul.f32 v55, v2  }
0xae: {  	v12 =	vld [tilespmem:$0x1660];
	[tilespmem:$0x30F0] =	vst v60;
	v63 =	vmul.f32 v56, v2  }
0xaf: {  	v13 =	vld [tilespmem:$0x1670];
	[tilespmem:$0x3100] =	vst v3;
	v3 =	vmul.f32 v58, v2  }
0xb0: {  	v15 =	vld [tilespmem:$0x1A00];
	[tilespmem:$0x3110] =	vst v63;
	v14 =	vmul.f32 v59, v2  }
0xb1: {  	v16 =	vld [tilespmem:$0x1A10];
	[tilespmem:$0x3120] =	vst v3;
	v3 =	vmul.f32 v61, v2  }
0xb2: {  	v18 =	vld [tilespmem:$0x1A20];
	[tilespmem:$0x3130] =	vst v14;
	v17 =	vmul.f32 v62, v2  }
0xb3: {  	v19 =	vld [tilespmem:$0x1A30];
	[tilespmem:$0x3140] =	vst v3;
	v3 =	vmul.f32 v12, v2  }
0xb4: {  	v21 =	vld [tilespmem:$0x1A40];
	[tilespmem:$0x3150] =	vst v17;
	v20 =	vmul.f32 v13, v2  }
0xb5: {  	v22 =	vld [tilespmem:$0x1A50];
	[tilespmem:$0x3160] =	vst v3;
	v3 =	vmul.f32 v15, v2  }
0xb6: {  	v24 =	vld [tilespmem:$0x1A60];
	[tilespmem:$0x3170] =	vst v20;
	v23 =	vmul.f32 v16, v2  }
0xb7: {  	v25 =	vld [tilespmem:$0x1A70];
	[tilespmem:$0x3180] =	vst v3;
	v3 =	vmul.f32 v18, v2  }
0xb8: {  	v27 =	vld [tilespmem:$0x1E00];
	[tilespmem:$0x3190] =	vst v23;
	v26 =	vmul.f32 v19, v2  }
0xb9: {  	v28 =	vld [tilespmem:$0x1E10];
	[tilespmem:$0x31A0] =	vst v3;
	v3 =	vmul.f32 v21, v2  }
0xba: {  	v30 =	vld [tilespmem:$0x1E20];
	[tilespmem:$0x31B0] =	vst v26;
	v29 =	vmul.f32 v22, v2  }
0xbb: {  	v31 =	vld [tilespmem:$0x1E30];
	[tilespmem:$0x31C0] =	vst v3;
	v3 =	vmul.f32 v24, v2  }
0xbc: {  	v33 =	vld [tilespmem:$0x1E40];
	[tilespmem:$0x31D0] =	vst v29;
	v32 =	vmul.f32 v25, v2  }
0xbd: {  	v34 =	vld [tilespmem:$0x1E50];
	[tilespmem:$0x31E0] =	vst v3;
	v3 =	vmul.f32 v27, v2  }
0xbe: {  	v36 =	vld [tilespmem:$0x1E60];
	[tilespmem:$0x31F0] =	vst v32;
	v35 =	vmul.f32 v28, v2  }
0xbf: {  	v37 =	vld [tilespmem:$0x1E70];
	[tilespmem:$0x3200] =	vst v3;
	v3 =	vmul.f32 v30, v2  }
0xc0: {  	v39 =	vld [tilespmem:$0x2200];
	[tilespmem:$0x3210] =	vst v35;
	v38 =	vmul.f32 v31, v2  }
0xc1: {  	v40 =	vld [tilespmem:$0x2210];
	[tilespmem:$0x3220] =	vst v3;
	v3 =	vmul.f32 v33, v2  }
0xc2: {  	v42 =	vld [tilespmem:$0x2220];
	[tilespmem:$0x3230] =	vst v38;
	v41 =	vmul.f32 v34, v2  }
0xc3: {  	v43 =	vld [tilespmem:$0x2230];
	[tilespmem:$0x3240] =	vst v3;
	v3 =	vmul.f32 v36, v2  }
0xc4: {  	v45 =	vld [tilespmem:$0x2240];
	[tilespmem:$0x3250] =	vst v41;
	v44 =	vmul.f32 v37, v2  }
0xc5: {  	v46 =	vld [tilespmem:$0x2250];
	[tilespmem:$0x3260] =	vst v3;
	v3 =	vmul.f32 v39, v2  }
0xc6: {  	v48 =	vld [tilespmem:$0x2260];
	[tilespmem:$0x3270] =	vst v44;
	v47 =	vmul.f32 v40, v2  }
0xc7: {  	v49 =	vld [tilespmem:$0x2270];
	[tilespmem:$0x3280] =	vst v3;
	v3 =	vmul.f32 v42, v2  }
0xc8: {  	v51 =	vld [tilespmem:$0x2600];
	[tilespmem:$0x3290] =	vst v47;
	v50 =	vmul.f32 v43, v2  }
0xc9: {  	v52 =	vld [tilespmem:$0x2610];
	[tilespmem:$0x32A0] =	vst v3;
	v3 =	vmul.f32 v45, v2  }
0xca: {  	v54 =	vld [tilespmem:$0x2620];
	[tilespmem:$0x32B0] =	vst v50;
	v53 =	vmul.f32 v46, v2  }
0xcb: {  	v55 =	vld [tilespmem:$0x2630];
	[tilespmem:$0x32C0] =	vst v3;
	v3 =	vmul.f32 v48, v2  }
0xcc: {  	p0 =	por $0x1, $0x1;
	v57 =	vld [tilespmem:$0x2640];
	[tilespmem:$0x32D0] =	vst v53;
	v56 =	vmul.f32 v49, v2  }
0xcd: {  	p1 =	por @!p0 $0x0, $0x0;
	v58 =	vld [tilespmem:$0x2650];
	[tilespmem:$0x32E0] =	vst v3;
	v3 =	vmul.f32 v51, v2  }
0xce: {  	s18 =	smul.u32 $0xAB, s2;
	s0 =	simm.s32 $0x1;
	p1 =	por p1, p0;
	v60 =	vld [tilespmem:$0x2660];
	[tilespmem:$0x32F0] =	vst v56;
	v59 =	vmul.f32 v52, v2  }
0xcf: {  	s3 =	smul.u32 @!p1 $0xAB, s0;
	s4 =	simm.s32 @!p0 $0x1;
	v61 =	vld [tilespmem:$0x2670];
	[tilespmem:$0x3300] =	vst v3;
	v3 =	vmul.f32 v54, v2  }
0xd0: {  	s18 =	sshrl.u32 s18, $0x9;
	s4 =	sand.u32 @!p0 $0xFF, s4;
	[tilespmem:$0x3310] =	vst v59;
	v62 =	vmul.f32 v55, v2  }
0xd1: {  	s18 =	sand.u32 $0x7F, s18;
	s3 =	sshrl.u32 @!p1 s3, $0x9;
	s4 =	smul.u32 @!p0 $0xAB, s4;
	[tilespmem:$0x3320] =	vst v3;
	v3 =	vmul.f32 v57, v2  }
0xd2: {  	s6 =	simm.s32 $0x3380;
	s18 =	smul.u32 $0x3, s18;
	s3 =	sand.u32 @!p1 $0x7F, s3;
	[tilespmem:$0x3330] =	vst v62;
	v63 =	vmul.f32 v58, v2  }
0xd3: {  	s7 =	simm.s32 $0xB080;
	s3 =	smul.u32 @!p1 $0x3, s3;
	s4 =	sshrl.u32 @!p0 s4, $0x9;
	[tilespmem:$0x3340] =	vst v3;
	v3 =	vmul.f32 v60, v2  }
0xd4: {  	s8 =	simm.s32 $0x12D80;
	p2 =	por $0x0, $0x0;
	s4 =	smul.u32 @!p0 $0x3, s4;
	[tilespmem:$0x3350] =	vst v63;
	v2 =	vmul.f32 v61, v2  }
0xd5: {  	s18 =	ssub.s32 $0x0, s18;
	s20 =	sshrl.u32 @!p1 s16, $0x3;
	s19 =	ssub.s32 @!p1 $0x1, s3;
	[tilespmem:$0x3360] =	vst v3  }
0xd6: {  	s23 =	simm.s32 @!p1 $0x0;
	s19 =	sand.u32 @!p1 $0xFF, s19;
	s4 =	ssub.s32 @!p0 $0x1, s4;
	[tilespmem:$0x3370] =	vst v2  }
0xd7: {  	[tilespmem:s6], [sflag:$0x1] =	stream.linear.gather [hbm4b:s10+s2], $0x7D00, $0x38;
	[tilespmem:$0x1AA80] =	vst v63  }
0xd8: {  	s3 =	simm.s32 $0x2;
	s21 =	smul.u32 @!p1 $0x1F400, s19;
	s4 =	sor.u32 @!p0 $0x4, s4  }
0xd9: {  	[tilespmem:s7], [sflag:$0x2] =	stream.linear.gather [hbm4b:s13+s2], $0x7D00, $0x38;
	[tilespmem:$0x1AA80] =	vst v63  }
0xda: {  	s19 =	sadd.s32 @!p1 $0x1, s19;
	s4 =	sand.u32 @!p0 $0xFF, s4;
	s21 =	sshrl.u32 @!p1 s21, $0x2  }
0xdb: {  	[tilespmem:s8], [sflag:$0x3] =	stream.linear.gather [hbm4b:s14+s2], $0x7D00, $0x38;
	[tilespmem:$0x1AA80] =	vst v63  }
0xdc: {  	s22 =	sadd.s32 @!p1 $0x3380, s21;
	s21 =	sand.u32 $0xFF, s18;
	_ =	swait.ge @!p0 [sflag:s4], $0x7D00  }
0xdd: {  	s18 =	sadd.s32 @!p1 s1, s20;
	s20 =	simm.s32 $0x0;
	[sflag:s4] =	ssyncset.done @!p0 $0x0  }
0xde: {  	s9 =	sadd.s32 $0x1, s21;
	s26 =	smul.u32 $0x1F400, s21;
	[sflag:s4] =	ssyncadd.s32 @!p0 $0xFFFF8300  }
0xdf: {  	[tilespmem:s22], [sflag:s19] =	stream.linear.gather @!p1 [hbm4b:s18+s23], $0x7D00, $0x38;
	[tilespmem:$0x1AA80] =	vst v63  }
0xe0: {  	s26 =	sshrl.u32 s26, $0x2;
	p0 =	por $0x1, $0x1;
	s19 =	sadd.s32 $0x7D00, s16  }
0xe1: {  	p1 =	por @!p0 $0x0, $0x0;
	s22 =	simm.s32 @!p0 $0x2;
	_ =	swait.ge [sflag:s9], $0x7D00  }
0xe2: {  	p1 =	por p1, p0;
	s4 =	sand.u32 @!p0 $0xFF, s22;
	s23 =	rddreg [dreg:$0x3]  }
0xe3: {  	s25 =	rddreg [dreg:$0x5];
	s28 =	smul.u32 @!p1 $0xAB, s3;
	[sflag:s9] =	ssyncset.done $0x0  }
0xe4: {  	s18 =	sshrl.u32 @!p1 s19, $0x3;
	[sflag:s9] =	ssyncadd.s32 $0xFFFF8300;
	s23 =	simm.s32 @!p2 $0x0  }
.LBB2_2:
0xe5: {  	s4 =	smul.u32 @!p0 $0xAB, s4  }
0xe6: {  	s5 =	smov.u32 s3;
	s6 =	smov.u32 s20;
	s20 =	smov.u32 s0  }
0xe7: {  	s0 =	smov.u32 s3;
	s3 =	sadd.s32 $0x1, s3;
	p4 =	por p2, p2  }
0xe8: {  	s19 =	sadd.s32 $0x7D00, s19;
	s8 =	rddreg [dreg:$0x4];
	s21 =	sadd.s32 $0x4, s21  }
0xe9: {  	s7 =	smul.u32 $0xAB, s20;
	s28 =	sshrl.u32 @!p1 s28, $0x9;
	s8 =	sor.u32 s23, s8  }
0xea: {  	s26 =	sadd.s32 $0x3380, s26;
	s28 =	sand.u32 @!p1 $0x7F, s28;
	s8 =	smul.u32 $0x140500, s8  }
0xeb: {  	s25 =	simm.s32 @!p4 $0x0;
	s4 =	sshrl.u32 @!p0 s4, $0x9;
	s28 =	smul.u32 @!p1 $0x3, s28  }
0xec: {  	s9 =	rddreg [dreg:$0x6];
	s6 =	sadd.s32 s6, s25;
	s4 =	smul.u32 @!p0 $0x3, s4  }
0xed: {  	p3 =	sne.s32 s3, $0x52;
	s6 =	smul.u32 $0x7D00, s6;
	s7 =	sshrl.u32 s7, $0x9  }
0xee: {  	p2 =	sgt.u32 s20, $0x28;
	s7 =	sand.u32 $0x7F, s7;
	s5 =	ssub.s32 @!p1 s5, s28  }
0xef: {  	s4 =	ssub.s32 @!p0 s22, s4;
	s6 =	sadd.s32 s6, s8;
	s7 =	smul.u32 $0x3, s7  }
0xf0: {  	s5 =	sand.u32 @!p1 $0xFF, s5;
	s4 =	sor.u32 @!p0 $0x4, s4;
	s6 =	sshrl.u32 s6, $0x3  }
0xf1: {  	s22 =	smul.u32 @!p1 $0x1F400, s5;
	s5 =	sadd.s32 @!p1 $0x1, s5;
	s4 =	sand.u32 @!p0 $0xFF, s4  }
0xf2: {  	s6 =	sadd.s32 s9, s6;
	s25 =	ssub.s32 s20, s7;
	s7 =	simm.s32 @!p1 $0x0  }
0xf3: {  	[hbm4b:s6+s2] =	stream.linear.scatter [tilespmem:s26], [sflag:s21], $0x7D00, $0x38;
	[tilespmem:$0x1AA80] =	vst v63  }
0xf4: {  	s21 =	sand.u32 $0xFF, s25;
	s6 =	sadd.s32 @!p1 s1, s18;
	_ =	swait.ge @!p0 [sflag:s4], $0x7D00  }
0xf5: {  	s8 =	sshrl.u32 @!p1 s22, $0x2;
	s9 =	sadd.s32 $0x1, s21;
	[sflag:s4] =	ssyncset.done @!p0 $0x0  }
0xf6: {  	s26 =	smul.u32 $0x1F400, s21;
	s8 =	sadd.s32 @!p1 $0x3380, s8;
	[sflag:s4] =	ssyncadd.s32 @!p0 $0xFFFF8300  }
0xf7: {  	[tilespmem:s8], [sflag:s5] =	stream.linear.gather @!p1 [hbm4b:s6+s7], $0x7D00, $0x38;
	[tilespmem:$0x1AA80] =	vst v63  }
.Ltmp0:
0xf8: {  	p0 =	slt.u32 s0, $0x2;
	s26 =	sshrl.u32 s26, $0x2;
	(pc) =	sbr.rel @p3 .LBB2_2-.Ltmp0, $4  }
0xf9: {  	s22 =	sadd.s32 @!p0 $0x1, s0;
	p1 =	seq.s32 @!p0 s0, $0x51;
	_ =	swait.ge [sflag:s9], $0x7D00  }
0xfa: {  	s4 =	sand.u32 @!p0 $0xFF, s22;
	p1 =	por p1, p0;
	s23 =	rddreg [dreg:$0x3]  }
0xfb: {  	s25 =	rddreg [dreg:$0x5];
	s28 =	smul.u32 @!p1 $0xAB, s3;
	[sflag:s9] =	ssyncset.done $0x0  }
0xfc: {  	s18 =	sshrl.u32 @!p1 s19, $0x3;
	[sflag:s9] =	ssyncadd.s32 $0xFFFF8300;
	s23 =	simm.s32 @!p2 $0x0  }
0xfd: {  	s4 =	smul.u32 @!p0 $0xAB, s4  }
0xfe: {  	p2 =	por p2, p2;
	s5 =	sshrl.u32 @!p1 s28, $0x9;
	s6 =	rddreg [dreg:$0x4]  }
0xff: {  	s7 =	smul.u32 $0xAB, s0;
	s8 =	sadd.s32 $0x4, s21;
	s5 =	sand.u32 @!p1 $0x7F, s5  }
0x100: {  	s9 =	sadd.s32 $0x3380, s26;
	s6 =	sor.u32 s23, s6;
	s5 =	smul.u32 @!p1 $0x3, s5  }
0x101: {  	s25 =	simm.s32 @!p2 $0x0;
	s4 =	sshrl.u32 @!p0 s4, $0x9;
	s23 =	smul.u32 $0x140500, s6  }
0x102: {  	s19 =	sadd.s32 s20, s25;
	s7 =	sshrl.u32 s7, $0x9;
	s4 =	smul.u32 @!p0 $0x3, s4  }
0x103: {  	s26 =	rddreg [dreg:$0x6];
	s25 =	smul.u32 $0x7D00, s19;
	s28 =	sand.u32 $0x7F, s7  }
0x104: {  	s3 =	ssub.s32 @!p1 s3, s5;
	s6 =	smul.u32 $0x3, s28;
	s4 =	ssub.s32 @!p0 s22, s4  }
0x105: {  	s3 =	sand.u32 @!p1 $0xFF, s3;
	s5 =	sadd.s32 s25, s23;
	s4 =	sor.u32 @!p0 $0x4, s4  }
0x106: {  	s20 =	smul.u32 @!p1 $0x1F400, s3;
	s3 =	sadd.s32 @!p1 $0x1, s3;
	s5 =	sshrl.u32 s5, $0x3  }
0x107: {  	s6 =	ssub.s32 s0, s6;
	s4 =	sand.u32 @!p0 $0xFF, s4;
	s5 =	sadd.s32 s26, s5  }
0x108: {  	[hbm4b:s5+s2] =	stream.linear.scatter [tilespmem:s9], [sflag:s8], $0x7D00, $0x38;
	[tilespmem:$0x1AA80] =	vst v63  }
0x109: {  	s6 =	sand.u32 $0xFF, s6;
	s7 =	sshrl.u32 @!p1 s20, $0x2;
	_ =	swait.ge @!p0 [sflag:s4], $0x7D00  }
0x10a: {  	s8 =	sadd.s32 @!p1 s1, s18;
	s20 =	sadd.s32 $0x1, s6;
	[sflag:s4] =	ssyncset.done @!p0 $0x0  }
0x10b: {  	s5 =	sadd.s32 @!p1 $0x3380, s7;
	s7 =	simm.s32 @!p1 $0x0;
	[sflag:s4] =	ssyncadd.s32 @!p0 $0xFFFF8300  }
0x10c: {  	[tilespmem:s5], [sflag:s3] =	stream.linear.gather @!p1 [hbm4b:s8+s7], $0x7D00, $0x38;
	[tilespmem:$0x1AA80] =	vst v63  }
0x10d: {  	_ =	swait.ge [sflag:s20], $0x7D00  }
0x10e: {  	s3 =	rddreg [dreg:$0x3]  }
0x10f: {  	p0 =	sgt.u32 s0, $0x28;
	s5 =	rddreg [dreg:$0x5]  }
0x110: {  	s21 =	rddreg [dreg:$0x4];
	s3 =	simm.s32 @!p0 $0x0;
	p0 =	por p0, p0  }
0x111: {  	s23 =	smul.u32 $0x1F400, s6;
	s5 =	simm.s32 @!p0 $0x0;
	s3 =	sor.u32 s3, s21  }
0x112: {  	s22 =	sadd.s32 s0, s5;
	s3 =	smul.u32 $0x140500, s3  }
0x113: {  	s0 =	smul.u32 $0x7D00, s22  }
0x114: {  	s31 =	sadd.s32 $0x1, s31  }
0x115: {  	s28 =	sadd.s32 $0x4, s6;
	s26 =	sshrl.u32 s23, $0x2;
	s0 =	sadd.s32 s0, s3  }
0x116: {  	s25 =	rddreg [dreg:$0x6];
	[sflag:s20] =	ssyncset.done $0x0;
	s0 =	sshrl.u32 s0, $0x3  }
0x117: {  	[sflag:s20] =	ssyncadd.s32 $0xFFFF8300;
	s3 =	sadd.s32 $0x3380, s26;
	s0 =	sadd.s32 s25, s0  }
0x118: {  	[hbm4b:s0+s2] =	stream.linear.scatter [tilespmem:s3], [sflag:s28], $0x7D00, $0x38;
	[tilespmem:$0x1AA80] =	vst v63  }
0x119: {  	p0 =	sne.s32 s31, s15;
	_ =	swait.ge [sflag:s29], $0x7D00  }
.Ltmp1:
0x11a: {  	[sflag:s29] =	ssyncset.done $0x0;
	(pc) =	sbr.rel @p0 .LBB2_1-.Ltmp1, $4  }
0x11b: {  	[sflag:s29] =	ssyncadd.s32 $0xFFFF8300  }
0x11c: {  	_ =	swait.ge [sflag:s30], $0x7D00  }
0x11d: {  	[sflag:s30] =	ssyncset.done $0x0  }
0x11e: {  	[sflag:s30] =	ssyncadd.s32 $0xFFFF8300  }
0x11f: {  	_ =	sfence.sel $0x180000  }
0x120: {  	[bflag:$0x0] =	sbarrier.arrive $0xFFFF  }
0x121: {  	_ =	strace $0x90000047  }
0x122: {  	s0 =	stileid.u32;
	[bflag:$0x2] =	sbarrier.arrive $0xFFFF  }
0x123: {  	p0 =	sne.s32 s0, $0x0;
	s0 =	rddreg [dreg:$0x2]  }
0x124: {  	s0 =	sadd.s32 @!p0 $0x100000, s0  }
0x125: {  	[sflag:s0] =	ssyncadd.tile.s32 @!p0 $0x1;
	_ =	shalt  }
.Lfunc_end2:
_tile_overlayer_lowered:
.L_overlay_start_2:
0x126: {  	(tag) =	ssettag $0x2  }
0x127: {  	s0 =	rddreg [dreg:$0x0];
	s2 =	stileid.u32  }
0x128: {  	s1 =	rddreg [dreg:$0x1];
	p0 =	sne.s32 s2, $0x0  }
0x129: {  	s3 =	rddreg [dreg:$0x2];
	[bflag:$0x3] =	sbarrier.arrive $0xFFFF;
	s2 =	simm.s32 @!p0 $0x1C08  }
0x12a: {  	[timem:s3], [sflag:s2] =	dma.local @!p0 [hbm:s0], s1  }
0x12b: {  	s0 =	simm.s32 @!p0 $0x8  }
0x12c: {  	_ =	swait.ge @!p0 [sflag:s0], s1  }
0x12d: {  	s1 =	ssub.s32 @!p0 $0x0, s1;
	[sflag:s0] =	ssyncset.done @!p0 $0x0  }
0x12e: {  	[sflag:s0] =	ssyncadd.s32 @!p0 s1  }
0x12f: {  	[bflag:$0x3] =	sbarrier.arrive $0xFFFF  }
0x130: {  	_ =	shalt  }

// kernel: sparse-core-data-format-call.cloned.1.call-start
scs
called_computation_lowered:
.L_overlay_start_0:
0x0: {  	s2 =	sld [smem:$0x3FD9]  }
0x1: {  	s3 =	sld [smem:$0x3FFE];
	_ =	sdelay $0x1  }
0x2: {  	s1 =	srdreg.scid  }
0x3: {  	s0 =	sand.u32 $0x1, s1  }
0x4: {  	s18 =	sshll.u32 s0, $0xA;
	s2 =	sadd.s32 s3, s2  }
0x5: {  	s2 =	sadd.s32 s2, s18  }
0x6: {  	[smem:$0x3FC4] =	sst s2  }
0x7: {  	_ = 	snop  }
0x8: {  	s2 =	sld [smem:$0x3FD0];
	(tm) =	ssettm $0x1  }
0x9: {  	s19 =	sld [smem:$0x3FFB];
	_ =	sdelay $0x3  }
0xa: {  	_ =	strace s19  }
0xb: {  	s3 =	sld [smem:$0x3FFC];
	_ =	sdelay $0x3  }
0xc: {  	_ =	strace s3  }
0xd: {  	s3 =	sld [smem:$0x3FFD];
	_ =	sdelay $0x3  }
0xe: {  	_ =	strace s3  }
0xf: {  	_ =	strace $0x8FFFFFFF  }
0x10: {  	s20 =	sld [smem:$0x3FDB];
	_ =	sdelay $0x1  }
0x11: {  	s4 =	simm.s32 $_scs_section_size  }
0x12: {  	s5 =	simm.s32 $_size__tile_overlayer_lowered;
	s6 =	simm.s32 $_tile_overlayer_lowered  }
0x13: {  	s23 =	simm.s32 $0x1BFF;
	s22 =	sshll.u32 s6, $0x1;
	s3 =	sadd.s32 s4, s20  }
0x14: {  	s7 =	simm.s32 $0x0;
	s21 =	sshll.u32 s5, $0x1;
	s5 =	sadd.s32 s22, s3  }
0x15: {  	[timem:s7], [sflag:s23] =	dma.local [hbm:s5], s21  }
0x16: {  	_ =	swait.ge [sflag:s23], s21  }
0x17: {  	s4 =	ssub.s32 $0x0, s21;
	[sflag:s23] =	ssyncset.done $0x0  }
0x18: {  	[sflag:s23] =	ssyncadd.s32 s4;
	_ =	sdelay $0x1  }
0x19: {  	s24 =	simm.s32 $0x1B8B  }
0x1a: {  	_ =	swait.ge [sflag:s24], $0x1  }
0x1b: {  	[sflag:s24] =	ssyncset.done $0x0  }
0x1c: {  	s26 =	simm.s32 $0x1B8E;
	s25 =	sld [smem:$0x3FFE];
	[sflag:s24] =	ssyncadd.s32 $0xFFFFFFFF  }
0x1d: {  	s27 =	simm.s32 $execute0_lowered;
	[smem:$0x3FD2] =	sst s26  }
0x1e: {  	s5 =	sshll.u32 s27, $0x1;
	_ =	strace $0x80000049;
	[dreg:$0x1] =	wrdreg $0xFFFFFFFF  }
0x1f: {  	s28 =	simm.s32 $_size_execute0_lowered;
	s3 =	sadd.s32 s3, s5;
	[dreg:$0x0] =	wrdreg $0x0  }
0x20: {  	s5 =	sshll.u32 s28, $0x1;
	[dreg:$0x2] =	wrdreg s3  }
0x21: {  	[dreg:$0x3] =	wrdreg s5  }
0x22: {  	[dreg:$0x4] =	wrdreg $0xC0  }
0x23: {  	_ =	task [dreg:s7], $0x5FFFF  }
0x24: {  	[dreg:$0x1] =	wrdreg $0xFFFFFFFF  }
0x25: {  	[dreg:$0x0] =	wrdreg $0x60  }
0x26: {  	[dreg:$0x2] =	wrdreg s25  }
0x27: {  	[dreg:$0x3] =	wrdreg s2  }
0x28: {  	[dreg:$0x4] =	wrdreg $0x9  }
0x29: {  	_ =	task.clear_ibuf [dreg:s7], $0x5FFFF;
	_ =	strace $0x90000049  }
0x2a: {  	s29 =	simm.s32 $0x9;
	_ =	strace $0x8000004B  }
0x2b: {  	_ =	swait.ge [sflag:s29], $0x1  }
0x2c: {  	[sflag:s29] =	ssyncadd.s32 $0xFFFFFFFF  }
0x2d: {  	_ =	strace $0x9000004B  }
0x2e: {  	_ =	sfence  }
0x2f: {  	s30 =	sld [smem:$0x0];
	_ =	sdelay $0x2  }
0x30: {  	s31 =	sshll.u32 s1, $0xD;
	s1 =	sshrl.u32 s1, $0x2  }
0x31: {  	s3 =	sand.u32 $0x4000, s31;
	s1 =	sadd.s32 s1, s30  }
0x32: {  	s0 =	sor.u32 s3, s0;
	s1 =	sshll.u32 s1, $0x11  }
0x33: {  	s0 =	sor.u32 s1, s0  }
0x34: {  	s0 =	sadd.s32 $0x8F2B, s0  }
0x35: {  	[sflag:s0] =	ssyncadd.remote.s32 $0x1  }
0x36: {  	_ =	sfence.sel $0xFFFF  }
0x37: {  	[dreg:$0x0] =	wrdreg $0xFFFFFFFF;
	(pc) =	sbr.abs _section_cstart, $3  }
0x38: {  	[dreg:$0x1] =	wrdreg $0xFFFFFFFF  }
0x39: {  	_ =	task.clear_ibuf [dreg:s7], $0x2FFFF;
	_ =	strace $0x9FFFFFFF  }
0x3a: {  	(tm) =	ssettm $0x7FFFFFFF  }
0x3b: {  	_ =	shalt  }
tec
execute0_lowered:
.L_overlay_start_1:
0x0: {  	(tag) =	ssettag $0x1  }
0x1: {  	s0 =	srdreg.scid;
	s1 =	rddreg [dreg:$0x0];
	_ =	strace $0x8000004A  }
0x2: {  	s3 =	simm.s32 $0x1;
	s30 =	simm.s32 $0x2;
	s9 =	stileid.u32  }
0x3: {  	s24 =	simm.s32 $0x0;
	s21 =	simm.s32 $0x0;
	s20 =	simm.s32 $0x0  }
0x4: {  	s22 =	simm.s32 $0x0;
	s10 =	simm.s32 $0x0;
	s8 =	sand.u32 $0x1, s0  }
0x5: {  	s11 =	simm.s32 $0x0;
	s12 =	simm.s32 $0x0;
	s0 =	ssub.s32 $0x4, s8  }
0x6: {  	s23 =	simm.s32 $0x0;
	s13 =	simm.s32 $0x0;
	s2 =	sshrl.u32 s0, $0x1  }
.Ltmp0:
0x7: {  	s31 =	sadd.s32 $0xAFA400, s1;
	s0 =	ssub.s32 s0, s2;
	(pc) =	sbr.rel .LBB1_1-.Ltmp0, $4  }
0x8: {  	s15 =	simm.s32 $0x0;
	[dreg:$0x5] =	wrdreg s31;
	s14 =	smul.u32 $0x5A, s0  }
0x9: {  	s17 =	stileid.u32;
	s18 =	simm.s32 $0x0;
	[dreg:$0x3] =	wrdreg s8  }
0xa: {  	[sflag:s3] =	ssyncpa.u1 $0x0;
	s19 =	sor.u32 $0x1, s14;
	[dreg:$0x4] =	wrdreg s14  }
0xb: {  	[sflag:s30] =	ssyncpa.u1 $0x0;
	s16 =	smov.u32 s8;
	[dreg:$0x6] =	wrdreg s19  }
.LBB1_18:
0xc: {  	s0 =	sshrl.u32 s12, $0x2  }
0xd: {  	s1 =	sshll.u32 s10, $0x2;
	s0 =	smul.u32 $0x1400, s0  }
0xe: {  	s2 =	sshll.u32 s12, $0x7;
	s14 =	sand.u32 $0x7F, s10;
	s1 =	sand.u32 $0xFFFFFE00, s1  }
0xf: {  	p0 =	sgt.s32 s11, $0x381;
	s0 =	sadd.s32 s0, s1;
	s1 =	smov.u32 s11  }
0x10: {  	s4 =	rddreg [dreg:$0xa];
	s9 =	sand.u32 $0x180, s2;
	s1 =	simm.s32 @!p0 $0x381  }
0x11: {  	s19 =	rddreg [dreg:$0x9];
	s0 =	sor.u32 s9, s0;
	s1 =	sadd.s32 s4, s1  }
0x12: {  	s5 =	smul.u32 $0x280, s11;
	s2 =	sor.u32 s14, s0;
	s4 =	sadd.s32 $0xFFFFFC7F, s1  }
0x13: {  	s3 =	smulhi.u32 $0xCCCCCCCD, s2;
	s1 =	ssub.s32 $0x401, s1;
	p0 =	sgt.s32 s4, $0x7F  }
0x14: {  	s23 =	rddreg [dreg:$0xb];
	s0 =	smulhi.u32 $0xCCCCCCCD, s0;
	s1 =	simm.s32 @p0 $0x0  }
0x15: {  	s25 =	rddreg [dreg:$0x1];
	s3 =	sshrl.u32 s3, $0xA;
	s1 =	smul.u32 s1, s19  }
0x16: {  	s29 =	sor.u32 $0x8000, s26;
	s8 =	rddreg [dreg:$0x3];
	s3 =	smul.u32 $0x500, s3  }
0x17: {  	s0 =	sshrl.u32 s0, $0xA;
	s1 =	smul.u32 s23, s1;
	s23 =	rddreg [dreg:$0x7]  }
0x18: {  	s9 =	stileid.u32;
	s0 =	sand.u32 $0x3, s0;
	s24 =	smul.u32 $0xA0280, s23  }
0x19: {  	s31 =	simm.s32 $0x1400;
	s14 =	rddreg [dreg:$0x4];
	s0 =	smul.u32 $0xA0, s0  }
0x1a: {  	s19 =	rddreg [dreg:$0x6];
	s2 =	ssub.s32 s2, s3;
	s3 =	sadd.s32 s25, s24  }
0x1b: {  	s27 =	sand.u32 $0x7, s2;
	s2 =	sshrl.u32 s2, $0x3;
	s3 =	sadd.s32 s5, s3  }
0x1c: {  	s1 =	sand.u32 $0x3FFFFFFF, s1;
	s28 =	sshll.u32 s27, $0x12;
	s0 =	sadd.s32 s0, s3  }
0x1d: {  	s30 =	sor.u32 $0x80, s28;
	s24 =	rddreg [dreg:$0x8];
	s0 =	sadd.s32 s2, s0  }
0x1e: {  	[hbm4b:s0+s30] =	stream.strided.scatter [tilespmem:s29], [sflag:$0x2], s1, s31, s30, $0x38;
	[tilespmem:$0x10000] =	vst v63  }
.LBB1_19:
0x1f: {  	p0 =	slt.u32 s18, $0x2  }
0x20: {  	s0 =	smov.u32 s22;
	s5 =	smov.u32 s15;
	p1 =	sgt.s32 @!p0 s22, $0xF  }
0x21: {  	s1 =	sshra.s32 @!p0 s22, $0x1F;
	p2 =	sgt.s32 @!p0 s21, $0x381;
	p1 =	por !p1, p0  }
0x22: {  	s2 =	sshra.s32 @!p0 s21, $0x1F;
	s1 =	sand.u32 @!p0 s1, s22;
	s0 =	simm.s32 @p1 $0xF  }
0x23: {  	s3 =	sshra.s32 @!p0 s20, $0x1F;
	p2 =	por !p2, p0;
	s0 =	ssub.s32 @!p0 s0, s1  }
0x24: {  	s2 =	sand.u32 @!p0 s2, s21;
	s3 =	sand.u32 @!p0 s3, s20;
	s1 =	sadd.s32 @!p0 $0xFFFFFFF1, s0  }
0x25: {  	s22 =	smov.u32 s23;
	p1 =	sgt.s32 @!p0 s1, $0x0;
	s1 =	smov.u32 s21  }
0x26: {  	s23 =	smov.u32 s17;
	s0 =	ssub.s32 @!p0 $0x10, s0;
	s1 =	simm.s32 @p2 $0x381  }
0x27: {  	p1 =	por !p1, p0;
	p2 =	sgt.s32 @!p0 s20, $0x3;
	s1 =	ssub.s32 @!p0 s1, s2  }
0x28: {  	p2 =	por !p2, p0;
	s2 =	smov.u32 s20;
	s0 =	simm.s32 @!p1 $0x0  }
0x29: {  	p1 =	sgt.s32 @!p0 s24, $0x480;
	s2 =	simm.s32 @p2 $0x3;
	s4 =	sadd.s32 @!p0 $0xFFFFFC7F, s1  }
0x2a: {  	p1 =	por !p1, p0;
	s1 =	ssub.s32 @!p0 $0x401, s1;
	s2 =	ssub.s32 @!p0 s2, s3  }
0x2b: {  	p2 =	sgt.s32 @!p0 s4, $0x7F;
	s4 =	smov.u32 s24;
	s3 =	sadd.s32 @!p0 $0xFFFFFFFD, s2  }
0x2c: {  	s4 =	simm.s32 @p1 $0x480;
	p1 =	sgt.s32 @!p0 s3, $0x0;
	s3 =	sshra.s32 @!p0 s24, $0x1F  }
0x2d: {  	s2 =	ssub.s32 @!p0 $0x4, s2;
	s3 =	sand.u32 @!p0 s3, s24;
	p1 =	por !p1, p0  }
0x2e: {  	p2 =	por !p2, p0;
	s3 =	ssub.s32 @!p0 s4, s3;
	s2 =	simm.s32 @!p1 $0x0  }
0x2f: {  	s1 =	simm.s32 @!p2 $0x0;
	s4 =	sadd.s32 @!p0 $0xFFFFFB80, s3;
	s0 =	smul.u32 @!p0 s0, s2  }
0x30: {  	s2 =	sadd.s32 $0x80, s13;
	s3 =	ssub.s32 @!p0 $0x500, s3;
	p1 =	sgt.s32 @!p0 s4, $0x7F  }
0x31: {  	p2 =	sgt.s32 s2, $0x4FF;
	s4 =	sadd.s32 $0x80, s15;
	p1 =	por !p1, p0  }
0x32: {  	s0 =	smul.u32 @!p0 s1, s0;
	s5 =	smov.u32 @p2 s4;
	s1 =	sadd.s32 $0x2, s16  }
0x33: {  	s4 =	smov.u32 s16;
	s3 =	simm.s32 @!p1 $0x0;
	p1 =	sgt.s32 s5, $0x400  }
0x34: {  	s2 =	simm.s32 @p2 $0x0;
	s0 =	smul.u32 @!p0 s3, s0;
	s4 =	smov.u32 @p1 s1  }
0x35: {  	s1 =	sadd.s32 $0x10, s17;
	s3 =	smov.u32 s17;
	p2 =	sgt.s32 s4, $0x3  }
0x36: {  	s21 =	smov.u32 s11;
	s11 =	smov.u32 s15;
	s3 =	smov.u32 @p2 s1  }
0x37: {  	s20 =	smov.u32 s12;
	s5 =	simm.s32 @p1 $0x0;
	p1 =	sgt.s32 s3, $0xF  }
0x38: {  	s12 =	smov.u32 s16;
	s3 =	smov.u32 @p1 s9;
	p1 =	sne.s32 s18, s19  }
.Ltmp1:
0x39: {  	s24 =	smov.u32 s10;
	s10 =	smov.u32 s13;
	(pc) =	sbr.rel @!p1 .LBB1_20-.Ltmp1, $4  }
0x3a: {  	s13 =	smov.u32 s2;
	s0 =	sand.u32 @!p0 $0x3FFFFFFF, s0;
	s1 =	simm.s32 @!p0 $0x2  }
0x3b: {  	s15 =	smov.u32 s5;
	s4 =	smov.u32 @p2 s8;
	_ =	swait.ge @!p0 [sflag:s1], s0  }
0x3c: {  	s0 =	ssub.s32 @!p0 $0x0, s0;
	s16 =	smov.u32 s4;
	[sflag:s1] =	ssyncset.done @!p0 $0x0  }
0x3d: {  	s18 =	sadd.s32 $0x1, s18;
	[sflag:s1] =	ssyncadd.s32 @!p0 s0;
	s17 =	smov.u32 s3  }
.LBB1_1:
0x3e: {  	p0 =	sge.u32 s18, s14  }
.Ltmp2:
0x3f: {  	_ = 	snop;
	(pc) =	sbr.rel @p0 .LBB1_3-.Ltmp2, $1  }
0x40: {  	_ =	sdelay $0x3  }
0x41: {  	s0 =	sshrl.u32 s15, $0x3  }
0x42: {  	s1 =	sshll.u32 s13, $0x3;
	s0 =	smul.u32 $0x2800, s0  }
0x43: {  	s2 =	sshll.u32 s15, $0x7;
	s1 =	sand.u32 $0xFFFFFC00, s1  }
0x44: {  	s6 =	sand.u32 $0x380, s2;
	s0 =	sadd.s32 s0, s1  }
0x45: {  	s7 =	sand.u32 $0x7F, s13;
	p0 =	sgt.s32 s17, $0xF;
	s0 =	sor.u32 s6, s0  }
0x46: {  	s3 =	smov.u32 s17;
	s4 =	sshra.s32 s17, $0x1F;
	s1 =	sor.u32 s7, s0  }
0x47: {  	s5 =	sxor.u32 $0xFFFFFFFF, s18;
	s27 =	sshra.s32 s16, $0x1F;
	s2 =	smulhi.u32 $0xCCCCCCCD, s1  }
0x48: {  	s30 =	sshra.s32 s13, $0x1F;
	s3 =	simm.s32 @!p0 $0xF;
	s4 =	sand.u32 s4, s17  }
0x49: {  	s25 =	sshll.u32 s5, $0xE;
	s3 =	ssub.s32 s3, s4;
	s2 =	sshrl.u32 s2, $0xA  }
0x4a: {  	s5 =	sand.u32 s27, s16;
	s26 =	sadd.s32 $0xFFFFFFF1, s3;
	s2 =	smul.u32 $0x500, s2  }
0x4b: {  	p0 =	sgt.s32 s26, $0x0;
	s6 =	sshra.s32 s15, $0x1F;
	s26 =	rddreg [dreg:$0x5]  }
0x4c: {  	s0 =	smulhi.u32 $0xCCCCCCCD, s0;
	s1 =	ssub.s32 s1, s2;
	s2 =	ssub.s32 $0x10, s3  }
0x4d: {  	s3 =	smov.u32 s16;
	s2 =	simm.s32 @p0 $0x0;
	p0 =	sgt.s32 s16, $0x3  }
0x4e: {  	s6 =	sand.u32 s6, s15;
	s0 =	sshrl.u32 s0, $0xA;
	s3 =	simm.s32 @!p0 $0x3  }
0x4f: {  	p0 =	sgt.s32 s15, $0x388;
	s3 =	ssub.s32 s3, s5;
	s5 =	smov.u32 s15  }
0x50: {  	s28 =	smulhi.u32 $0x3F80FF, s0;
	s7 =	sadd.s32 $0xFFFFFFFD, s3;
	s5 =	simm.s32 @!p0 $0x388  }
0x51: {  	s3 =	ssub.s32 $0x4, s3;
	p0 =	sgt.s32 s7, $0x0;
	s5 =	ssub.s32 s5, s6  }
0x52: {  	s6 =	smul.u32 $0x408, s28;
	s3 =	simm.s32 @p0 $0x0;
	s29 =	sadd.s32 $0xFFFFFC78, s5  }
0x53: {  	s2 =	smul.u32 s2, s3;
	p0 =	sgt.s32 s29, $0x7F;
	s3 =	ssub.s32 $0x408, s5  }
0x54: {  	s5 =	smov.u32 s13;
	s3 =	simm.s32 @p0 $0x0;
	p0 =	sgt.s32 s13, $0x480  }
0x55: {  	s7 =	sand.u32 s30, s13;
	s28 =	sand.u32 $0x7, s1;
	s5 =	simm.s32 @!p0 $0x480  }
0x56: {  	s0 =	ssub.s32 s0, s6;
	s2 =	smul.u32 s3, s2;
	s31 =	ssub.s32 s5, s7  }
0x57: {  	s3 =	sand.u32 $0x4000, s25;
	s7 =	smul.u32 $0xA1400, s17;
	s5 =	sadd.s32 $0xFFFFFB80, s31  }
0x58: {  	s25 =	smul.u32 $0x28500, s16;
	s4 =	ssub.s32 $0x500, s31;
	p0 =	sgt.s32 s5, $0x7F  }
0x59: {  	s0 =	smul.u32 $0xA0, s0;
	s6 =	sadd.s32 s26, s7;
	s4 =	simm.s32 @p0 $0x0  }
0x5a: {  	s29 =	sshll.u32 s28, $0x12;
	s27 =	sadd.s32 s25, s6;
	s2 =	smul.u32 s4, s2  }
0x5b: {  	s1 =	sshrl.u32 s1, $0x3;
	s30 =	sor.u32 $0x400, s29;
	s0 =	sadd.s32 s0, s27  }
0x5c: {  	s31 =	simm.s32 $0x2800;
	s0 =	sadd.s32 s1, s0;
	s2 =	sand.u32 $0x3FFFFFFF, s2  }
0x5d: {  	[tilespmem:s3], [sflag:$0x1] =	stream.strided.gather [hbm4b:s0+s30], s2, s31, s30, $0x38;
	[tilespmem:$0x10000] =	vst v63  }
.LBB1_3:
0x5e: {  	s0 =	sadd.s32 $0xFFFFFFFF, s18  }
0x5f: {  	p0 =	sge.u32 s0, s14  }
.Ltmp3:
0x60: {  	_ = 	snop;
	(pc) =	sbr.rel @p0 .LBB1_19-.Ltmp3, $1  }
0x61: {  	_ =	sdelay $0x3  }
0x62: {  	p0 =	sgt.s32 s23, $0xF  }
0x63: {  	s0 =	smov.u32 s23;
	s1 =	sshra.s32 s23, $0x1F;
	s2 =	smov.u32 s12  }
0x64: {  	s3 =	sshra.s32 s12, $0x1F;
	s7 =	ssub.s32 $0x0, s11;
	s8 =	sshra.s32 s11, $0x1F  }
0x65: {  	p2 =	sgt.s32 s11, $0x388;
	s4 =	smov.u32 s11;
	s19 =	sshra.s32 s10, $0x1F  }
0x66: {  	s0 =	simm.s32 @!p0 $0xF;
	p0 =	sgt.s32 s12, $0x3;
	s1 =	sand.u32 s1, s23  }
0x67: {  	s3 =	sand.u32 s3, s12;
	s2 =	simm.s32 @!p0 $0x3;
	s0 =	ssub.s32 s0, s1  }
0x68: {  	s4 =	simm.s32 @!p2 $0x388;
	s5 =	ssub.s32 s2, s3;
	s6 =	sadd.s32 $0xFFFFFFF1, s0  }
0x69: {  	s0 =	ssub.s32 $0x10, s0;
	s2 =	sand.u32 s7, s8;
	s3 =	sadd.s32 $0xFFFFFFFD, s5  }
0x6a: {  	p0 =	sgt.s32 s6, $0x0;
	s1 =	ssub.s32 $0x4, s5;
	[dreg:$0xa] =	wrdreg s2  }
0x6b: {  	s2 =	sadd.s32 s2, s4;
	p1 =	sgt.s32 s3, $0x0;
	s0 =	simm.s32 @p0 $0x0  }
0x6c: {  	s14 =	sadd.s32 $0xFFFFFC78, s2;
	s2 =	ssub.s32 $0x408, s2;
	s1 =	simm.s32 @p1 $0x0  }
0x6d: {  	p1 =	sgt.s32 s10, $0x480;
	s9 =	smul.u32 s0, s1;
	s0 =	smov.u32 s10  }
0x6e: {  	p0 =	sgt.s32 s14, $0x7F;
	s1 =	sand.u32 s19, s10;
	s0 =	simm.s32 @!p1 $0x480  }
0x6f: {  	s2 =	simm.s32 @p0 $0x0;
	s0 =	ssub.s32 s0, s1  }
0x70: {  	[dreg:$0x8] =	wrdreg s24;
	s24 =	smul.u32 s2, s9;
	s25 =	sadd.s32 $0xFFFFFB80, s0  }
0x71: {  	s3 =	ssub.s32 $0x500, s0;
	s0 =	sadd.s32 $0x1, s23;
	p0 =	sgt.s32 s25, $0x7F  }
0x72: {  	s2 =	sadd.s32 $0x1, s12;
	s3 =	simm.s32 @p0 $0x0;
	p0 =	slt.s32 s0, $0x10  }
0x73: {  	s0 =	simm.s32 @!p0 $0x10;
	p0 =	slt.s32 s2, $0x4  }
0x74: {  	s27 =	ssub.s32 s0, s23;
	s2 =	simm.s32 @!p0 $0x4;
	s0 =	sadd.s32 $0x80, s11  }
0x75: {  	s28 =	ssub.s32 s2, s12;
	p1 =	slt.s32 s0, $0x401;
	p0 =	slt.s32 s27, $0x1  }
0x76: {  	s0 =	simm.s32 @!p1 $0x401;
	p1 =	slt.s32 @!p0 s28, $0x1  }
0x77: {  	s29 =	ssub.s32 s0, s11;
	p1 =	por p0, p1  }
0x78: {  	p2 =	slt.s32 @!p1 s29, $0x1  }
0x79: {  	[dreg:$0x7] =	wrdreg s23;
	s1 =	smul.u32 s3, s24;
	p1 =	por p1, p2  }
.Ltmp4:
0x7a: {  	[dreg:$0x9] =	wrdreg s9;
	(pc) =	sbr.rel @p1 .LBB1_18-.Ltmp4, $4  }
0x7b: {  	s30 =	simm.s32 $0x1;
	[dreg:$0xb] =	wrdreg s3;
	s1 =	sand.u32 $0x3FFFFFFF, s1  }
0x7c: {  	_ =	swait.ge [sflag:s30], s1  }
0x7d: {  	s31 =	sshll.u32 s18, $0xE;
	s26 =	ssub.s32 $0x0, s1;
	[sflag:s30] =	ssyncset.done $0x0  }
0x7e: {  	[sflag:s30] =	ssyncadd.s32 s26;
	s26 =	sand.u32 $0x4000, s31  }
0x7f: {  	s0 =	sadd.s32 $0x80, s10  }
0x80: {  	p1 =	slt.s32 s0, $0x500  }
.Ltmp5:
0x81: {  	s0 =	simm.s32 @!p1 $0x500;
	(pc) =	sbr.rel .LBB1_6-.Ltmp5, $4  }
0x82: {  	s0 =	ssub.s32 s0, s10  }
0x83: {  	s8 =	simm.s32 $0x0;
	s1 =	sadd.s32 $0xF, s0;
	s0 =	sor.u32 @!p0 $0x8000, s26  }
0x84: {  	s30 =	sand.u32 $0xFFFFFFF0, s1;
	s2 =	sshll.u32 s1, $0x3;
	s31 =	sand.u32 @!p0 $0xFFFFFF00, s1  }
0x85: {  	p0 =	slt.s32 s1, $0x100;
	s2 =	sand.u32 $0xFFFFF800, s2;
	p1 =	sge.s32 s31, s30  }
.LBB1_17:
0x86: {  	s8 =	sadd.s32 $0x1, s8  }
0x87: {  	p2 =	sne.s32 s8, s27  }
.Ltmp6:
0x88: {  	_ = 	snop;
	(pc) =	sbr.rel @!p2 .LBB1_18-.Ltmp6, $1  }
0x89: {  	_ =	sdelay $0x3  }
.LBB1_6:
.Ltmp7:
0x8a: {  	(pc) =	sbr.rel .LBB1_7-.Ltmp7, $4  }
0x8b: {  	_ = 	snop  }
0x8c: {  	s1 =	sshll.u32 s8, $0x10  }
0x8d: {  	s1 =	sshra.s32 s1, $0x2  }
0x8e: {  	s3 =	simm.s32 $0x0;
	s9 =	sadd.s32 s1, s0  }
.LBB1_16:
0x8f: {  	s3 =	sadd.s32 $0x1, s3  }
0x90: {  	p2 =	sne.s32 s3, s28  }
.Ltmp8:
0x91: {  	_ = 	snop;
	(pc) =	sbr.rel @!p2 .LBB1_17-.Ltmp8, $1  }
0x92: {  	_ =	sdelay $0x3  }
.LBB1_7:
.Ltmp9:
0x93: {  	(pc) =	sbr.rel .LBB1_8-.Ltmp9, $4  }
0x94: {  	s1 =	sadd.s32 s8, s3  }
0x95: {  	s4 =	sshll.u32 s3, $0x7;
	s1 =	sshll.u32 s1, $0x10  }
0x96: {  	s7 =	simm.s32 $0x0;
	s25 =	sand.u32 $0x180, s4;
	s1 =	sshra.s32 s1, $0x2  }
0x97: {  	s4 =	sadd.s32 s25, s9;
	s6 =	sadd.s32 s1, s26;
	s1 =	simm.s32 $0x400  }
.LBB1_15:
0x98: {  	s7 =	sadd.s32 $0x1, s7  }
0x99: {  	p2 =	sne.s32 s7, s29  }
.Ltmp10:
0x9a: {  	_ = 	snop;
	(pc) =	sbr.rel @!p2 .LBB1_16-.Ltmp10, $2  }
0x9b: {  	_ =	sdelay $0x2  }
0x9c: {  	s1 =	sadd.s32 $0x80, s1  }
.LBB1_8:
.Ltmp11:
0x9d: {  	(pc) =	sbr.rel @p0 .LBB1_12-.Ltmp11, $2  }
0x9e: {  	_ =	sdelay $0x2  }
0x9f: {  	s5 =	sshll.u32 s7, $0x7  }
0xa0: {  	s19 =	sand.u32 $0x380, s5  }
0xa1: {  	s19 =	sadd.s32 s19, s6  }
0xa2: {  	v0 =	vmov s19;
	_ =	sdelay $0x3  }
0xa3: {  	s24 =	sand.u32 $0x3C00, s1  }
0xa4: {  	v7 =	vld.idx.msk [tilespmem:v0+s24+$0x70 ss:$0x1], $0xffff  }
0xa5: {  	p2 =	sgt.s32 s31, $0x100;
	v6 =	vld.idx.msk [tilespmem:v0+s24+$0x0 ss:$0x1], $0xffff  }
.Ltmp12:
0xa6: {  	v1 =	vld.idx.msk [tilespmem:v0+s24+$0x10 ss:$0x1], $0xffff;
	(pc) =	sbr.rel @!p2 .LBB1_11-.Ltmp12, $4  }
0xa7: {  	v2 =	vld.idx.msk [tilespmem:v0+s24+$0x20 ss:$0x1], $0xffff  }
0xa8: {  	v3 =	vld.idx.msk [tilespmem:v0+s24+$0x30 ss:$0x1], $0xffff  }
0xa9: {  	s23 =	sadd.s32 s5, s4;
	v4 =	vld.idx.msk [tilespmem:v0+s24+$0x40 ss:$0x1], $0xffff  }
0xaa: {  	s25 =	simm.s32 $0x100;
	s19 =	sadd.s32 $0x800, s1;
	v5 =	vld.idx.msk [tilespmem:v0+s24+$0x50 ss:$0x1], $0xffff;
	[tilespmem:s23+$0x70] =	vst v7  }
.LBB1_10:
0xab: {  	s25 =	sadd.s32 $0x100, s25;
	[tilespmem:s23+$0x0] =	vst v6;
	v7 =	vld.idx.msk [tilespmem:v0+s24+$0x60 ss:$0x1], $0xffff;
	s24 =	sand.u32 $0x3C00, s19  }
0xac: {  	v8 =	vld.idx.msk [tilespmem:v0+s24+$0x70 ss:$0x1], $0xffff;
	p2 =	slt.s32 s25, s31;
	[tilespmem:s23+$0x10] =	vst v1  }
0xad: {  	v6 =	vld.idx.msk [tilespmem:v0+s24+$0x0 ss:$0x1], $0xffff;
	[tilespmem:s23+$0x20] =	vst v2  }
.Ltmp13:
0xae: {  	v1 =	vld.idx.msk [tilespmem:v0+s24+$0x10 ss:$0x1], $0xffff;
	[tilespmem:s23+$0x30] =	vst v3;
	(pc) =	sbr.rel @p2 .LBB1_10-.Ltmp13, $4  }
0xaf: {  	v2 =	vld.idx.msk [tilespmem:v0+s24+$0x20 ss:$0x1], $0xffff;
	[tilespmem:s23+$0x40] =	vst v4  }
0xb0: {  	v3 =	vld.idx.msk [tilespmem:v0+s24+$0x30 ss:$0x1], $0xffff;
	[tilespmem:s23+$0x50] =	vst v5  }
0xb1: {  	v4 =	vld.idx.msk [tilespmem:v0+s24+$0x40 ss:$0x1], $0xffff;
	[tilespmem:s23+$0x60] =	vst v7  }
0xb2: {  	s19 =	sadd.s32 $0x800, s19;
	v5 =	vld.idx.msk [tilespmem:v0+s24+$0x50 ss:$0x1], $0xffff;
	[tilespmem:s23+$0x70] =	vst v8  }
.LBB1_11:
0xb3: {  	_ =	sdelay $0x2  }
0xb4: {  	[tilespmem:s23+$0x0] =	vst v6  }
0xb5: {  	v0 =	vld.idx.msk [tilespmem:v0+s24+$0x60 ss:$0x1], $0xffff;
	[tilespmem:s23+$0x10] =	vst v1  }
0xb6: {  	[tilespmem:s23+$0x20] =	vst v2  }
0xb7: {  	[tilespmem:s23+$0x30] =	vst v3  }
0xb8: {  	[tilespmem:s23+$0x40] =	vst v4  }
0xb9: {  	[tilespmem:s23+$0x50] =	vst v5  }
0xba: {  	[tilespmem:s23+$0x60] =	vst v0  }
.LBB1_12:
.Ltmp14:
0xbb: {  	(pc) =	sbr.rel @p1 .LBB1_15-.Ltmp14, $1  }
0xbc: {  	_ =	sdelay $0x3  }
0xbd: {  	s19 =	sshll.u32 s7, $0x9  }
0xbe: {  	s19 =	sshra.s32 s19, $0x2  }
0xbf: {  	s23 =	sand.u32 $0x380, s5;
	s24 =	sadd.s32 s19, s4  }
0xc0: {  	s19 =	sadd.s32 s23, s6;
	s23 =	smov.u32 s2;
	v0 =	vmov s24;
	s24 =	smov.u32 s31  }
.LBB1_14:
0xc1: {  	s25 =	sand.u32 $0x3C00, s23  }
0xc2: {  	s25 =	sadd.s32 s5, s25  }
0xc3: {  	s25 =	sand.u32 $0x3C00, s25  }
0xc4: {  	s14 =	sand.u32 $0x70, s24;
	s25 =	sadd.s32 s25, s19  }
0xc5: {  	s24 =	sadd.s32 $0x10, s24;
	s25 =	sadd.s32 s14, s25  }
0xc6: {  	p2 =	slt.s32 s24, s30;
	v1 =	vld [tilespmem:s25+$0x0]  }
.Ltmp15:
0xc7: {  	_ = 	snop;
	(pc) =	sbr.rel @p2 .LBB1_14-.Ltmp15, $2  }
0xc8: {  	_ =	sdelay $0x2  }
0xc9: {  	s23 =	sadd.s32 $0x80, s23;
	[tilespmem:v0+s14+$0x0 ss:$0x1] =	vst.idx.msk $0xffff, v1  }
.Ltmp16:
0xca: {  	_ = 	snop;
	(pc) =	sbr.rel .LBB1_15-.Ltmp16, $1  }
0xcb: {  	_ =	sdelay $0x3  }
.LBB1_20:
0xcc: {  	_ =	sfence.sel $0x180000  }
0xcd: {  	s0 =	simm.s32 $0x1;
	[bflag:$0x0] =	sbarrier.arrive $0xFFFF  }
0xce: {  	s31 =	simm.s32 $0x2;
	[sflag:s0] =	ssyncpa.u1 $0x1  }
0xcf: {  	[sflag:s31] =	ssyncpa.u1 $0x1  }
0xd0: {  	_ =	strace $0x9000004A  }
0xd1: {  	[bflag:$0x2] =	sbarrier.arrive $0xFFFF  }
0xd2: {  	p0 =	sne.s32 s9, $0x0;
	s0 =	rddreg [dreg:$0x2]  }
0xd3: {  	s0 =	sadd.s32 @!p0 $0x100000, s0  }
0xd4: {  	[sflag:s0] =	ssyncadd.tile.s32 @!p0 $0x1;
	_ =	shalt  }
.Lfunc_end1:
_tile_overlayer_lowered:
.L_overlay_start_2:
0xd5: {  	(tag) =	ssettag $0x2  }
0xd6: {  	s0 =	rddreg [dreg:$0x0];
	s2 =	stileid.u32  }
0xd7: {  	s1 =	rddreg [dreg:$0x1];
	p0 =	sne.s32 s2, $0x0  }
0xd8: {  	s3 =	rddreg [dreg:$0x2];
	[bflag:$0x3] =	sbarrier.arrive $0xFFFF;
	s2 =	simm.s32 @!p0 $0x1C01  }
0xd9: {  	[timem:s3], [sflag:s2] =	dma.local @!p0 [hbm:s0], s1  }
0xda: {  	s0 =	simm.s32 @!p0 $0x1  }
0xdb: {  	_ =	swait.ge @!p0 [sflag:s0], s1  }
0xdc: {  	s1 =	ssub.s32 @!p0 $0x0, s1;
	[sflag:s0] =	ssyncset.done @!p0 $0x0  }
0xdd: {  	[sflag:s0] =	ssyncadd.s32 @!p0 s1  }
0xde: {  	[bflag:$0x3] =	sbarrier.arrive $0xFFFF  }
0xdf: {  	_ =	shalt  }

</sc_bundles>
